<compile_context>
chip_gen: v7x
topology: tpu7x:2x2x1
jax: 0.10.2.dev20260603
libtpu: 0.0.44.dev20260713+nightly
codegen_flags: <defaults>
</compile_context>

<pallas_src>
import functools

import jax
import jax.numpy as jnp
from jax import lax
from jax.experimental import pallas as pl
from jax.experimental.pallas import tpu as pltpu
from jax.experimental.pallas import tpu_sc as plsc

B = 16384
D = 32
NC = 2
NS = 16
NW = NC * NS
BPW = B // NW
NCHUNK = 2
CH = BPW // NCHUNK
NSEM = 8
PER_SEM = 2 * CH // NSEM

_mesh = plsc.VectorSubcoreMesh(core_axis_name="c", subcore_axis_name="s")


@functools.partial(
    pl.kernel,
    mesh=_mesh,
    out_type=jax.ShapeDtypeStruct((B,), jnp.float32),
    scratch_types=[
        pltpu.VMEM((BPW,), jnp.int32),
        pltpu.VMEM((BPW,), jnp.int32),
        pltpu.VMEM((CH, D), jnp.float32),
        pltpu.VMEM((CH, D), jnp.float32),
        pltpu.VMEM((BPW,), jnp.float32),
        pltpu.SemaphoreType.DMA,
        [pltpu.SemaphoreType.DMA] * NSEM,
    ],
    compiler_params=pltpu.CompilerParams(needs_layout_passes=False),
)
def _sc_dot(uid_hbm, iid_hbm, utab_hbm, itab_hbm, out_hbm,
            uidx_v, iidx_v, ubuf, ibuf, out_v, sem_idx, sems):
    wid = lax.axis_index("s") * NC + lax.axis_index("c")
    base = wid * BPW
    pltpu.async_copy(uid_hbm.at[pl.ds(base, BPW)], uidx_v, sem_idx).wait()
    pltpu.async_copy(iid_hbm.at[pl.ds(base, BPW)], iidx_v, sem_idx).wait()

    lane = lax.broadcasted_iota(jnp.int32, (16,), 0)

    def fire(c):
        cbase = c * CH

        @pl.loop(0, CH // 16)
        def _(g):
            gb = cbase + g * 16
            uvec = uidx_v[pl.ds(gb, 16)]
            ivec = iidx_v[pl.ds(gb, 16)]
            for j in range(16):
                dst = g * 16 + j
                pltpu.async_copy(utab_hbm.at[pl.ds(uvec[j], 1)],
                                 ubuf.at[pl.ds(dst, 1)],
                                 sems[(2 * j) % NSEM])
                pltpu.async_copy(itab_hbm.at[pl.ds(ivec[j], 1)],
                                 ibuf.at[pl.ds(dst, 1)],
                                 sems[(2 * j + 1) % NSEM])

    def drain():
        for s in range(NSEM):
            pltpu.make_async_copy(utab_hbm.at[pl.ds(0, PER_SEM)],
                                  ubuf.at[pl.ds(0, PER_SEM)], sems[s]).wait()

    def compute(c):
        cbase = c * CH

        @pl.loop(0, CH // 16)
        def _(g):
            acc = jnp.zeros((16,), jnp.float32)
            for j in range(16):
                b = g * 16 + j
                u0 = ubuf[b, pl.ds(0, 16)]
                u1 = ubuf[b, pl.ds(16, 16)]
                i0 = ibuf[b, pl.ds(0, 16)]
                i1 = ibuf[b, pl.ds(16, 16)]
                r = jnp.sum(u0 * i0 + u1 * i1)
                acc = jnp.where(lane == j, r, acc)
            out_v[pl.ds(cbase + g * 16, 16)] = acc

    for c in range(NCHUNK):
        fire(c)
        drain()
        compute(c)

    pltpu.sync_copy(out_v, out_hbm.at[pl.ds(base, BPW)])


def kernel(user_ids, item_ids, user_table, item_table):
    return _sc_dot(user_ids.astype(jnp.int32), item_ids.astype(jnp.int32),
                   user_table, item_table)

# --- scband reference (transcript-rebuilt; emitter-appended) ---
"""Pipeline reference for scband-als-44616120270971 (READ-ONLY COPY).

The authoritative reference and input builder live on the scoring server;
editing this copy changes nothing except your own understanding.
"""

import jax, jax.numpy as jnp
import numpy as np

NUM_USERS = 1000000
NUM_ITEMS = 1000000
EMBED_DIM = 32
BATCH = 16384

def setup_inputs(seed: int = 0) -> dict:
    key = jax.random.key(seed)
    k1, k2, k3, k4 = jax.random.split(key, 4)
    user_ids = jax.random.randint(k1, (BATCH,), 0, NUM_USERS, dtype=jnp.int64) if jax.config.jax_enable_x64 else jax.random.randint(k1, (BATCH,), 0, NUM_USERS).astype(jnp.int32)
    item_ids = jax.random.randint(k2, (BATCH,), 0, NUM_ITEMS).astype(user_ids.dtype)
    user_table = jax.random.normal(k3, (NUM_USERS, EMBED_DIM), dtype=jnp.float32) * 0.01
    item_table = jax.random.normal(k4, (NUM_ITEMS, EMBED_DIM), dtype=jnp.float32) * 0.01
    return {"user_ids": user_ids, "item_ids": item_ids, "user_table": user_table, "item_table": item_table}

def reference(user_ids, item_ids, user_table, item_table):
    user_embeds = jnp.take(user_table, user_ids, axis=0)
    item_embeds = jnp.take(item_table, item_ids, axis=0)
    ratings = (user_embeds * item_embeds).sum(axis=1)
    return ratings

if __name__ == "__main__":
    import jax
    _d = setup_inputs()
    print(jax.jit(kernel)(*tuple(_d.values())))

</pallas_src>

<mosaic_0001>
#map = affine_map<(d0, d1) -> (0)>
#map1 = affine_map<(d0, d1) -> (0, 0)>
module attributes {stable_mosaic.version = 14 : i64} {
  func.func @_sc_dot(%arg0: i32, %arg1: i32, %arg2: memref<16384xi32, #tpu.memory_space<hbm>>, %arg3: memref<16384xi32, #tpu.memory_space<hbm>>, %arg4: memref<1000000x32xf32, #tpu.memory_space<hbm>>, %arg5: memref<1000000x32xf32, #tpu.memory_space<hbm>>, %arg6: memref<16384xf32, #tpu.memory_space<hbm>>, %arg7: memref<512xi32, #tpu.memory_space<vmem>>, %arg8: memref<512xi32, #tpu.memory_space<vmem>>, %arg9: memref<256x32xf32, #tpu.memory_space<vmem>>, %arg10: memref<256x32xf32, #tpu.memory_space<vmem>>, %arg11: memref<512xf32, #tpu.memory_space<vmem>>, %arg12: memref<!tpu.dma_semaphore, #tpu.memory_space<semaphore_mem>>, %arg13: memref<!tpu.dma_semaphore, #tpu.memory_space<semaphore_mem>>, %arg14: memref<!tpu.dma_semaphore, #tpu.memory_space<semaphore_mem>>, %arg15: memref<!tpu.dma_semaphore, #tpu.memory_space<semaphore_mem>>, %arg16: memref<!tpu.dma_semaphore, #tpu.memory_space<semaphore_mem>>, %arg17: memref<!tpu.dma_semaphore, #tpu.memory_space<semaphore_mem>>, %arg18: memref<!tpu.dma_semaphore, #tpu.memory_space<semaphore_mem>>, %arg19: memref<!tpu.dma_semaphore, #tpu.memory_space<semaphore_mem>>, %arg20: memref<!tpu.dma_semaphore, #tpu.memory_space<semaphore_mem>>) attributes {dimension_semantics = [#tpu.dimension_semantics<core_parallel>, #tpu.dimension_semantics<subcore_parallel>], iteration_bounds = array<i64: 2, 16>, scalar_prefetch = 0 : i64, scratch_operands = 14 : i64, tpu.core_type = #tpu.core_type<sc_vector_subcore>, window_params = [{transform_indices = #map}, {transform_indices = #map}, {transform_indices = #map1}, {transform_indices = #map1}, {transform_indices = #map}]} {
    %mul3A = arith.constant 2 : i32
    %mul3A_0 = arith.muli %arg1, %mul3A : i32
    %add3A = arith.addi %mul3A_0, %arg0 : i32
    %mul3A_1 = arith.constant 512 : i32
    %mul3A_2 = arith.muli %add3A, %mul3A_1 : i32
    %dma_start3A = tpu.memref_slice %arg2[%mul3A_2] : memref<16384xi32, #tpu.memory_space<hbm>> -> memref<512xi32, #tpu.memory_space<hbm>>
    %dma_start3A_3 = tpu.memref_slice %arg2[%mul3A_2] : memref<16384xi32, #tpu.memory_space<hbm>> -> memref<512xi32, #tpu.memory_space<hbm>>
    tpu.enqueue_dma source(%dma_start3A_3 : memref<512xi32, #tpu.memory_space<hbm>>) target(%arg7 : memref<512xi32, #tpu.memory_space<vmem>>) target_semaphore(%arg12 : memref<!tpu.dma_semaphore, #tpu.memory_space<semaphore_mem>>)
    %dma_wait3A = tpu.memref_slice %arg2[%mul3A_2] : memref<16384xi32, #tpu.memory_space<hbm>> -> memref<512xi32, #tpu.memory_space<hbm>>
    %dma_wait3A_4 = tpu.memref_slice %arg2[%mul3A_2] : memref<16384xi32, #tpu.memory_space<hbm>> -> memref<512xi32, #tpu.memory_space<hbm>>
    tpu.wait_dma2 semaphore(%arg12 : memref<!tpu.dma_semaphore, #tpu.memory_space<semaphore_mem>>) src(%dma_wait3A_4 : memref<512xi32, #tpu.memory_space<hbm>>) dst(%arg7 : memref<512xi32, #tpu.memory_space<vmem>>)
    %dma_start3A_5 = tpu.memref_slice %arg3[%mul3A_2] : memref<16384xi32, #tpu.memory_space<hbm>> -> memref<512xi32, #tpu.memory_space<hbm>>
    %dma_start3A_6 = tpu.memref_slice %arg3[%mul3A_2] : memref<16384xi32, #tpu.memory_space<hbm>> -> memref<512xi32, #tpu.memory_space<hbm>>
    tpu.enqueue_dma source(%dma_start3A_6 : memref<512xi32, #tpu.memory_space<hbm>>) target(%arg8 : memref<512xi32, #tpu.memory_space<vmem>>) target_semaphore(%arg12 : memref<!tpu.dma_semaphore, #tpu.memory_space<semaphore_mem>>)
    %dma_wait3A_7 = tpu.memref_slice %arg3[%mul3A_2] : memref<16384xi32, #tpu.memory_space<hbm>> -> memref<512xi32, #tpu.memory_space<hbm>>
    %dma_wait3A_8 = tpu.memref_slice %arg3[%mul3A_2] : memref<16384xi32, #tpu.memory_space<hbm>> -> memref<512xi32, #tpu.memory_space<hbm>>
    tpu.wait_dma2 semaphore(%arg12 : memref<!tpu.dma_semaphore, #tpu.memory_space<semaphore_mem>>) src(%dma_wait3A_8 : memref<512xi32, #tpu.memory_space<hbm>>) dst(%arg8 : memref<512xi32, #tpu.memory_space<vmem>>)
    %iota3A = tpu.iota {dimensions = array<i32: 0>} : vector<16xi32>
    %scan3A = arith.constant 0 : i32
    %scan3A_9 = arith.constant 16 : i32
    %scan3A_10 = arith.addi %scan3A, %scan3A_9 : i32
    %scan3A_11 = arith.constant 1 : i32
    scf.for %scan3A_220 = %scan3A to %scan3A_10 step %scan3A_11  : i32 {
      %mul3A_221 = arith.constant 1 : i32
      %mul3A_222 = arith.muli %scan3A_220, %mul3A_221 : i32
      %add3A_223 = arith.constant 0 : i32
      %add3A_224 = arith.addi %add3A_223, %mul3A_222 : i32
      %mul3A_225 = arith.constant 16 : i32
      %mul3A_226 = arith.muli %add3A_224, %mul3A_225 : i32
      %add3A_227 = arith.constant 0 : i32
      %add3A_228 = arith.addi %add3A_227, %mul3A_226 : i32
      %get3A = arith.index_cast %add3A_228 : i32 to index
      %get3A_229 = tpu.vector_load %arg7[%get3A] {strides = array<i32>} : memref<512xi32, #tpu.memory_space<vmem>>, vector<16xi32>,
      %get3A_230 = arith.index_cast %add3A_228 : i32 to index
      %get3A_231 = tpu.vector_load %arg8[%get3A_230] {strides = array<i32>} : memref<512xi32, #tpu.memory_space<vmem>>, vector<16xi32>,
      %mul3A_232 = arith.constant 16 : i32
      %mul3A_233 = arith.muli %add3A_224, %mul3A_232 : i32
      %add3A_234 = arith.constant 0 : i32
      %add3A_235 = arith.addi %mul3A_233, %add3A_234 : i32
      %slice3A = vector.extract_strided_slice %get3A_229 {offsets = [0], sizes = [1], strides = [1]} : vector<16xi32> to vector<1xi32>
      %squeeze3A = vector.extract %slice3A[0] : i32 from vector<1xi32>
      %dma_start3A_236 = arith.constant 0 : i32
      %dma_start3A_237 = tpu.memref_slice %arg9[%add3A_235, %dma_start3A_236] : memref<256x32xf32, #tpu.memory_space<vmem>> -> memref<1x32xf32, #tpu.memory_space<vmem>>
      %dma_start3A_238 = arith.constant 0 : i32
      %dma_start3A_239 = tpu.memref_slice %arg4[%squeeze3A, %dma_start3A_238] : memref<1000000x32xf32, #tpu.memory_space<hbm>> -> memref<1x32xf32, #tpu.memory_space<hbm>>
      %dma_start3A_240 = arith.constant 0 : i32
      %dma_start3A_241 = tpu.memref_slice %arg9[%add3A_235, %dma_start3A_240] : memref<256x32xf32, #tpu.memory_space<vmem>> -> memref<1x32xf32, #tpu.memory_space<vmem>>
      %dma_start3A_242 = arith.constant 0 : i32
      %dma_start3A_243 = tpu.memref_slice %arg4[%squeeze3A, %dma_start3A_242] : memref<1000000x32xf32, #tpu.memory_space<hbm>> -> memref<1x32xf32, #tpu.memory_space<hbm>>
      tpu.enqueue_dma source(%dma_start3A_243 : memref<1x32xf32, #tpu.memory_space<hbm>>) target(%dma_start3A_241 : memref<1x32xf32, #tpu.memory_space<vmem>>) target_semaphore(%arg13 : memref<!tpu.dma_semaphore, #tpu.memory_space<semaphore_mem>>)
      %slice3A_244 = vector.extract_strided_slice %get3A_231 {offsets = [0], sizes = [1], strides = [1]} : vector<16xi32> to vector<1xi32>
      %squeeze3A_245 = vector.extract %slice3A_244[0] : i32 from vector<1xi32>
      %dma_start3A_246 = arith.constant 0 : i32
      %dma_start3A_247 = tpu.memref_slice %arg10[%add3A_235, %dma_start3A_246] : memref<256x32xf32, #tpu.memory_space<vmem>> -> memref<1x32xf32, #tpu.memory_space<vmem>>
      %dma_start3A_248 = arith.constant 0 : i32
      %dma_start3A_249 = tpu.memref_slice %arg5[%squeeze3A_245, %dma_start3A_248] : memref<1000000x32xf32, #tpu.memory_space<hbm>> -> memref<1x32xf32, #tpu.memory_space<hbm>>
      %dma_start3A_250 = arith.constant 0 : i32
      %dma_start3A_251 = tpu.memref_slice %arg10[%add3A_235, %dma_start3A_250] : memref<256x32xf32, #tpu.memory_space<vmem>> -> memref<1x32xf32, #tpu.memory_space<vmem>>
      %dma_start3A_252 = arith.constant 0 : i32
      %dma_start3A_253 = tpu.memref_slice %arg5[%squeeze3A_245, %dma_start3A_252] : memref<1000000x32xf32, #tpu.memory_space<hbm>> -> memref<1x32xf32, #tpu.memory_space<hbm>>
      tpu.enqueue_dma source(%dma_start3A_253 : memref<1x32xf32, #tpu.memory_space<hbm>>) target(%dma_start3A_251 : memref<1x32xf32, #tpu.memory_space<vmem>>) target_semaphore(%arg14 : memref<!tpu.dma_semaphore, #tpu.memory_space<semaphore_mem>>)
      %mul3A_254 = arith.constant 16 : i32
      %mul3A_255 = arith.muli %add3A_224, %mul3A_254 : i32
      %add3A_256 = arith.constant 1 : i32
      %add3A_257 = arith.addi %mul3A_255, %add3A_256 : i32
      %slice3A_258 = vector.extract_strided_slice %get3A_229 {offsets = [1], sizes = [1], strides = [1]} : vector<16xi32> to vector<1xi32>
      %squeeze3A_259 = vector.extract %slice3A_258[0] : i32 from vector<1xi32>
      %dma_start3A_260 = arith.constant 0 : i32
      %dma_start3A_261 = tpu.memref_slice %arg9[%add3A_257, %dma_start3A_260] : memref<256x32xf32, #tpu.memory_space<vmem>> -> memref<1x32xf32, #tpu.memory_space<vmem>>
      %dma_start3A_262 = arith.constant 0 : i32
      %dma_start3A_263 = tpu.memref_slice %arg4[%squeeze3A_259, %dma_start3A_262] : memref<1000000x32xf32, #tpu.memory_space<hbm>> -> memref<1x32xf32, #tpu.memory_space<hbm>>
      %dma_start3A_264 = arith.constant 0 : i32
      %dma_start3A_265 = tpu.memref_slice %arg9[%add3A_257, %dma_start3A_264] : memref<256x32xf32, #tpu.memory_space<vmem>> -> memref<1x32xf32, #tpu.memory_space<vmem>>
      %dma_start3A_266 = arith.constant 0 : i32
      %dma_start3A_267 = tpu.memref_slice %arg4[%squeeze3A_259, %dma_start3A_266] : memref<1000000x32xf32, #tpu.memory_space<hbm>> -> memref<1x32xf32, #tpu.memory_space<hbm>>
      tpu.enqueue_dma source(%dma_start3A_267 : memref<1x32xf32, #tpu.memory_space<hbm>>) target(%dma_start3A_265 : memref<1x32xf32, #tpu.memory_space<vmem>>) target_semaphore(%arg15 : memref<!tpu.dma_semaphore, #tpu.memory_space<semaphore_mem>>)
      %slice3A_268 = vector.extract_strided_slice %get3A_231 {offsets = [1], sizes = [1], strides = [1]} : vector<16xi32> to vector<1xi32>
      %squeeze3A_269 = vector.extract %slice3A_268[0] : i32 from vector<1xi32>
      %dma_start3A_270 = arith.constant 0 : i32
      %dma_start3A_271 = tpu.memref_slice %arg10[%add3A_257, %dma_start3A_270] : memref<256x32xf32, #tpu.memory_space<vmem>> -> memref<1x32xf32, #tpu.memory_space<vmem>>
      %dma_start3A_272 = arith.constant 0 : i32
      %dma_start3A_273 = tpu.memref_slice %arg5[%squeeze3A_269, %dma_start3A_272] : memref<1000000x32xf32, #tpu.memory_space<hbm>> -> memref<1x32xf32, #tpu.memory_space<hbm>>
      %dma_start3A_274 = arith.constant 0 : i32
      %dma_start3A_275 = tpu.memref_slice %arg10[%add3A_257, %dma_start3A_274] : memref<256x32xf32, #tpu.memory_space<vmem>> -> memref<1x32xf32, #tpu.memory_space<vmem>>
      %dma_start3A_276 = arith.constant 0 : i32
      %dma_start3A_277 = tpu.memref_slice %arg5[%squeeze3A_269, %dma_start3A_276] : memref<1000000x32xf32, #tpu.memory_space<hbm>> -> memref<1x32xf32, #tpu.memory_space<hbm>>
      tpu.enqueue_dma source(%dma_start3A_277 : memref<1x32xf32, #tpu.memory_space<hbm>>) target(%dma_start3A_275 : memref<1x32xf32, #tpu.memory_space<vmem>>) target_semaphore(%arg16 : memref<!tpu.dma_semaphore, #tpu.memory_space<semaphore_mem>>)
      %mul3A_278 = arith.constant 16 : i32
      %mul3A_279 = arith.muli %add3A_224, %mul3A_278 : i32
      %add3A_280 = arith.constant 2 : i32
      %add3A_281 = arith.addi %mul3A_279, %add3A_280 : i32
      %slice3A_282 = vector.extract_strided_slice %get3A_229 {offsets = [2], sizes = [1], strides = [1]} : vector<16xi32> to vector<1xi32>
      %squeeze3A_283 = vector.extract %slice3A_282[0] : i32 from vector<1xi32>
      %dma_start3A_284 = arith.constant 0 : i32
      %dma_start3A_285 = tpu.memref_slice %arg9[%add3A_281, %dma_start3A_284] : memref<256x32xf32, #tpu.memory_space<vmem>> -> memref<1x32xf32, #tpu.memory_space<vmem>>
      %dma_start3A_286 = arith.constant 0 : i32
      %dma_start3A_287 = tpu.memref_slice %arg4[%squeeze3A_283, %dma_start3A_286] : memref<1000000x32xf32, #tpu.memory_space<hbm>> -> memref<1x32xf32, #tpu.memory_space<hbm>>
      %dma_start3A_288 = arith.constant 0 : i32
      %dma_start3A_289 = tpu.memref_slice %arg9[%add3A_281, %dma_start3A_288] : memref<256x32xf32, #tpu.memory_space<vmem>> -> memref<1x32xf32, #tpu.memory_space<vmem>>
      %dma_start3A_290 = arith.constant 0 : i32
      %dma_start3A_291 = tpu.memref_slice %arg4[%squeeze3A_283, %dma_start3A_290] : memref<1000000x32xf32, #tpu.memory_space<hbm>> -> memref<1x32xf32, #tpu.memory_space<hbm>>
      tpu.enqueue_dma source(%dma_start3A_291 : memref<1x32xf32, #tpu.memory_space<hbm>>) target(%dma_start3A_289 : memref<1x32xf32, #tpu.memory_space<vmem>>) target_semaphore(%arg17 : memref<!tpu.dma_semaphore, #tpu.memory_space<semaphore_mem>>)
      %slice3A_292 = vector.extract_strided_slice %get3A_231 {offsets = [2], sizes = [1], strides = [1]} : vector<16xi32> to vector<1xi32>
      %squeeze3A_293 = vector.extract %slice3A_292[0] : i32 from vector<1xi32>
      %dma_start3A_294 = arith.constant 0 : i32
      %dma_start3A_295 = tpu.memref_slice %arg10[%add3A_281, %dma_start3A_294] : memref<256x32xf32, #tpu.memory_space<vmem>> -> memref<1x32xf32, #tpu.memory_space<vmem>>
      %dma_start3A_296 = arith.constant 0 : i32
      %dma_start3A_297 = tpu.memref_slice %arg5[%squeeze3A_293, %dma_start3A_296] : memref<1000000x32xf32, #tpu.memory_space<hbm>> -> memref<1x32xf32, #tpu.memory_space<hbm>>
      %dma_start3A_298 = arith.constant 0 : i32
      %dma_start3A_299 = tpu.memref_slice %arg10[%add3A_281, %dma_start3A_298] : memref<256x32xf32, #tpu.memory_space<vmem>> -> memref<1x32xf32, #tpu.memory_space<vmem>>
      %dma_start3A_300 = arith.constant 0 : i32
      %dma_start3A_301 = tpu.memref_slice %arg5[%squeeze3A_293, %dma_start3A_300] : memref<1000000x32xf32, #tpu.memory_space<hbm>> -> memref<1x32xf32, #tpu.memory_space<hbm>>
      tpu.enqueue_dma source(%dma_start3A_301 : memref<1x32xf32, #tpu.memory_space<hbm>>) target(%dma_start3A_299 : memref<1x32xf32, #tpu.memory_space<vmem>>) target_semaphore(%arg18 : memref<!tpu.dma_semaphore, #tpu.memory_space<semaphore_mem>>)
      %mul3A_302 = arith.constant 16 : i32
      %mul3A_303 = arith.muli %add3A_224, %mul3A_302 : i32
      %add3A_304 = arith.constant 3 : i32
      %add3A_305 = arith.addi %mul3A_303, %add3A_304 : i32
      %slice3A_306 = vector.extract_strided_slice %get3A_229 {offsets = [3], sizes = [1], strides = [1]} : vector<16xi32> to vector<1xi32>
      %squeeze3A_307 = vector.extract %slice3A_306[0] : i32 from vector<1xi32>
      %dma_start3A_308 = arith.constant 0 : i32
      %dma_start3A_309 = tpu.memref_slice %arg9[%add3A_305, %dma_start3A_308] : memref<256x32xf32, #tpu.memory_space<vmem>> -> memref<1x32xf32, #tpu.memory_space<vmem>>
      %dma_start3A_310 = arith.constant 0 : i32
      %dma_start3A_311 = tpu.memref_slice %arg4[%squeeze3A_307, %dma_start3A_310] : memref<1000000x32xf32, #tpu.memory_space<hbm>> -> memref<1x32xf32, #tpu.memory_space<hbm>>
      %dma_start3A_312 = arith.constant 0 : i32
      %dma_start3A_313 = tpu.memref_slice %arg9[%add3A_305, %dma_start3A_312] : memref<256x32xf32, #tpu.memory_space<vmem>> -> memref<1x32xf32, #tpu.memory_space<vmem>>
      %dma_start3A_314 = arith.constant 0 : i32
      %dma_start3A_315 = tpu.memref_slice %arg4[%squeeze3A_307, %dma_start3A_314] : memref<1000000x32xf32, #tpu.memory_space<hbm>> -> memref<1x32xf32, #tpu.memory_space<hbm>>
      tpu.enqueue_dma source(%dma_start3A_315 : memref<1x32xf32, #tpu.memory_space<hbm>>) target(%dma_start3A_313 : memref<1x32xf32, #tpu.memory_space<vmem>>) target_semaphore(%arg19 : memref<!tpu.dma_semaphore, #tpu.memory_space<semaphore_mem>>)
      %slice3A_316 = vector.extract_strided_slice %get3A_231 {offsets = [3], sizes = [1], strides = [1]} : vector<16xi32> to vector<1xi32>
      %squeeze3A_317 = vector.extract %slice3A_316[0] : i32 from vector<1xi32>
      %dma_start3A_318 = arith.constant 0 : i32
      %dma_start3A_319 = tpu.memref_slice %arg10[%add3A_305, %dma_start3A_318] : memref<256x32xf32, #tpu.memory_space<vmem>> -> memref<1x32xf32, #tpu.memory_space<vmem>>
      %dma_start3A_320 = arith.constant 0 : i32
      %dma_start3A_321 = tpu.memref_slice %arg5[%squeeze3A_317, %dma_start3A_320] : memref<1000000x32xf32, #tpu.memory_space<hbm>> -> memref<1x32xf32, #tpu.memory_space<hbm>>
      %dma_start3A_322 = arith.constant 0 : i32
      %dma_start3A_323 = tpu.memref_slice %arg10[%add3A_305, %dma_start3A_322] : memref<256x32xf32, #tpu.memory_space<vmem>> -> memref<1x32xf32, #tpu.memory_space<vmem>>
      %dma_start3A_324 = arith.constant 0 : i32
      %dma_start3A_325 = tpu.memref_slice %arg5[%squeeze3A_317, %dma_start3A_324] : memref<1000000x32xf32, #tpu.memory_space<hbm>> -> memref<1x32xf32, #tpu.memory_space<hbm>>
      tpu.enqueue_dma source(%dma_start3A_325 : memref<1x32xf32, #tpu.memory_space<hbm>>) target(%dma_start3A_323 : memref<1x32xf32, #tpu.memory_space<vmem>>) target_semaphore(%arg20 : memref<!tpu.dma_semaphore, #tpu.memory_space<semaphore_mem>>)
      %mul3A_326 = arith.constant 16 : i32
      %mul3A_327 = arith.muli %add3A_224, %mul3A_326 : i32
      %add3A_328 = arith.constant 4 : i32
      %add3A_329 = arith.addi %mul3A_327, %add3A_328 : i32
      %slice3A_330 = vector.extract_strided_slice %get3A_229 {offsets = [4], sizes = [1], strides = [1]} : vector<16xi32> to vector<1xi32>
      %squeeze3A_331 = vector.extract %slice3A_330[0] : i32 from vector<1xi32>
      %dma_start3A_332 = arith.constant 0 : i32
      %dma_start3A_333 = tpu.memref_slice %arg9[%add3A_329, %dma_start3A_332] : memref<256x32xf32, #tpu.memory_space<vmem>> -> memref<1x32xf32, #tpu.memory_space<vmem>>
      %dma_start3A_334 = arith.constant 0 : i32
      %dma_start3A_335 = tpu.memref_slice %arg4[%squeeze3A_331, %dma_start3A_334] : memref<1000000x32xf32, #tpu.memory_space<hbm>> -> memref<1x32xf32, #tpu.memory_space<hbm>>
      %dma_start3A_336 = arith.constant 0 : i32
      %dma_start3A_337 = tpu.memref_slice %arg9[%add3A_329, %dma_start3A_336] : memref<256x32xf32, #tpu.memory_space<vmem>> -> memref<1x32xf32, #tpu.memory_space<vmem>>
      %dma_start3A_338 = arith.constant 0 : i32
      %dma_start3A_339 = tpu.memref_slice %arg4[%squeeze3A_331, %dma_start3A_338] : memref<1000000x32xf32, #tpu.memory_space<hbm>> -> memref<1x32xf32, #tpu.memory_space<hbm>>
      tpu.enqueue_dma source(%dma_start3A_339 : memref<1x32xf32, #tpu.memory_space<hbm>>) target(%dma_start3A_337 : memref<1x32xf32, #tpu.memory_space<vmem>>) target_semaphore(%arg13 : memref<!tpu.dma_semaphore, #tpu.memory_space<semaphore_mem>>)
      %slice3A_340 = vector.extract_strided_slice %get3A_231 {offsets = [4], sizes = [1], strides = [1]} : vector<16xi32> to vector<1xi32>
      %squeeze3A_341 = vector.extract %slice3A_340[0] : i32 from vector<1xi32>
      %dma_start3A_342 = arith.constant 0 : i32
      %dma_start3A_343 = tpu.memref_slice %arg10[%add3A_329, %dma_start3A_342] : memref<256x32xf32, #tpu.memory_space<vmem>> -> memref<1x32xf32, #tpu.memory_space<vmem>>
      %dma_start3A_344 = arith.constant 0 : i32
      %dma_start3A_345 = tpu.memref_slice %arg5[%squeeze3A_341, %dma_start3A_344] : memref<1000000x32xf32, #tpu.memory_space<hbm>> -> memref<1x32xf32, #tpu.memory_space<hbm>>
      %dma_start3A_346 = arith.constant 0 : i32
      %dma_start3A_347 = tpu.memref_slice %arg10[%add3A_329, %dma_start3A_346] : memref<256x32xf32, #tpu.memory_space<vmem>> -> memref<1x32xf32, #tpu.memory_space<vmem>>
      %dma_start3A_348 = arith.constant 0 : i32
      %dma_start3A_349 = tpu.memref_slice %arg5[%squeeze3A_341, %dma_start3A_348] : memref<1000000x32xf32, #tpu.memory_space<hbm>> -> memref<1x32xf32, #tpu.memory_space<hbm>>
      tpu.enqueue_dma source(%dma_start3A_349 : memref<1x32xf32, #tpu.memory_space<hbm>>) target(%dma_start3A_347 : memref<1x32xf32, #tpu.memory_space<vmem>>) target_semaphore(%arg14 : memref<!tpu.dma_semaphore, #tpu.memory_space<semaphore_mem>>)
      %mul3A_350 = arith.constant 16 : i32
      %mul3A_351 = arith.muli %add3A_224, %mul3A_350 : i32
      %add3A_352 = arith.constant 5 : i32
      %add3A_353 = arith.addi %mul3A_351, %add3A_352 : i32
      %slice3A_354 = vector.extract_strided_slice %get3A_229 {offsets = [5], sizes = [1], strides = [1]} : vector<16xi32> to vector<1xi32>
      %squeeze3A_355 = vector.extract %slice3A_354[0] : i32 from vector<1xi32>
      %dma_start3A_356 = arith.constant 0 : i32
      %dma_start3A_357 = tpu.memref_slice %arg9[%add3A_353, %dma_start3A_356] : memref<256x32xf32, #tpu.memory_space<vmem>> -> memref<1x32xf32, #tpu.memory_space<vmem>>
      %dma_start3A_358 = arith.constant 0 : i32
      %dma_start3A_359 = tpu.memref_slice %arg4[%squeeze3A_355, %dma_start3A_358] : memref<1000000x32xf32, #tpu.memory_space<hbm>> -> memref<1x32xf32, #tpu.memory_space<hbm>>
      %dma_start3A_360 = arith.constant 0 : i32
      %dma_start3A_361 = tpu.memref_slice %arg9[%add3A_353, %dma_start3A_360] : memref<256x32xf32, #tpu.memory_space<vmem>> -> memref<1x32xf32, #tpu.memory_space<vmem>>
      %dma_start3A_362 = arith.constant 0 : i32
      %dma_start3A_363 = tpu.memref_slice %arg4[%squeeze3A_355, %dma_start3A_362] : memref<1000000x32xf32, #tpu.memory_space<hbm>> -> memref<1x32xf32, #tpu.memory_space<hbm>>
      tpu.enqueue_dma source(%dma_start3A_363 : memref<1x32xf32, #tpu.memory_space<hbm>>) target(%dma_start3A_361 : memref<1x32xf32, #tpu.memory_space<vmem>>) target_semaphore(%arg15 : memref<!tpu.dma_semaphore, #tpu.memory_space<semaphore_mem>>)
      %slice3A_364 = vector.extract_strided_slice %get3A_231 {offsets = [5], sizes = [1], strides = [1]} : vector<16xi32> to vector<1xi32>
      %squeeze3A_365 = vector.extract %slice3A_364[0] : i32 from vector<1xi32>
      %dma_start3A_366 = arith.constant 0 : i32
      %dma_start3A_367 = tpu.memref_slice %arg10[%add3A_353, %dma_start3A_366] : memref<256x32xf32, #tpu.memory_space<vmem>> -> memref<1x32xf32, #tpu.memory_space<vmem>>
      %dma_start3A_368 = arith.constant 0 : i32
      %dma_start3A_369 = tpu.memref_slice %arg5[%squeeze3A_365, %dma_start3A_368] : memref<1000000x32xf32, #tpu.memory_space<hbm>> -> memref<1x32xf32, #tpu.memory_space<hbm>>
      %dma_start3A_370 = arith.constant 0 : i32
      %dma_start3A_371 = tpu.memref_slice %arg10[%add3A_353, %dma_start3A_370] : memref<256x32xf32, #tpu.memory_space<vmem>> -> memref<1x32xf32, #tpu.memory_space<vmem>>
      %dma_start3A_372 = arith.constant 0 : i32
      %dma_start3A_373 = tpu.memref_slice %arg5[%squeeze3A_365, %dma_start3A_372] : memref<1000000x32xf32, #tpu.memory_space<hbm>> -> memref<1x32xf32, #tpu.memory_space<hbm>>
      tpu.enqueue_dma source(%dma_start3A_373 : memref<1x32xf32, #tpu.memory_space<hbm>>) target(%dma_start3A_371 : memref<1x32xf32, #tpu.memory_space<vmem>>) target_semaphore(%arg16 : memref<!tpu.dma_semaphore, #tpu.memory_space<semaphore_mem>>)
      %mul3A_374 = arith.constant 16 : i32
      %mul3A_375 = arith.muli %add3A_224, %mul3A_374 : i32
      %add3A_376 = arith.constant 6 : i32
      %add3A_377 = arith.addi %mul3A_375, %add3A_376 : i32
      %slice3A_378 = vector.extract_strided_slice %get3A_229 {offsets = [6], sizes = [1], strides = [1]} : vector<16xi32> to vector<1xi32>
      %squeeze3A_379 = vector.extract %slice3A_378[0] : i32 from vector<1xi32>
      %dma_start3A_380 = arith.constant 0 : i32
      %dma_start3A_381 = tpu.memref_slice %arg9[%add3A_377, %dma_start3A_380] : memref<256x32xf32, #tpu.memory_space<vmem>> -> memref<1x32xf32, #tpu.memory_space<vmem>>
      %dma_start3A_382 = arith.constant 0 : i32
      %dma_start3A_383 = tpu.memref_slice %arg4[%squeeze3A_379, %dma_start3A_382] : memref<1000000x32xf32, #tpu.memory_space<hbm>> -> memref<1x32xf32, #tpu.memory_space<hbm>>
      %dma_start3A_384 = arith.constant 0 : i32
      %dma_start3A_385 = tpu.memref_slice %arg9[%add3A_377, %dma_start3A_384] : memref<256x32xf32, #tpu.memory_space<vmem>> -> memref<1x32xf32, #tpu.memory_space<vmem>>
      %dma_start3A_386 = arith.constant 0 : i32
      %dma_start3A_387 = tpu.memref_slice %arg4[%squeeze3A_379, %dma_start3A_386] : memref<1000000x32xf32, #tpu.memory_space<hbm>> -> memref<1x32xf32, #tpu.memory_space<hbm>>
      tpu.enqueue_dma source(%dma_start3A_387 : memref<1x32xf32, #tpu.memory_space<hbm>>) target(%dma_start3A_385 : memref<1x32xf32, #tpu.memory_space<vmem>>) target_semaphore(%arg17 : memref<!tpu.dma_semaphore, #tpu.memory_space<semaphore_mem>>)
      %slice3A_388 = vector.extract_strided_slice %get3A_231 {offsets = [6], sizes = [1], strides = [1]} : vector<16xi32> to vector<1xi32>
      %squeeze3A_389 = vector.extract %slice3A_388[0] : i32 from vector<1xi32>
      %dma_start3A_390 = arith.constant 0 : i32
      %dma_start3A_391 = tpu.memref_slice %arg10[%add3A_377, %dma_start3A_390] : memref<256x32xf32, #tpu.memory_space<vmem>> -> memref<1x32xf32, #tpu.memory_space<vmem>>
      %dma_start3A_392 = arith.constant 0 : i32
      %dma_start3A_393 = tpu.memref_slice %arg5[%squeeze3A_389, %dma_start3A_392] : memref<1000000x32xf32, #tpu.memory_space<hbm>> -> memref<1x32xf32, #tpu.memory_space<hbm>>
      %dma_start3A_394 = arith.constant 0 : i32
      %dma_start3A_395 = tpu.memref_slice %arg10[%add3A_377, %dma_start3A_394] : memref<256x32xf32, #tpu.memory_space<vmem>> -> memref<1x32xf32, #tpu.memory_space<vmem>>
      %dma_start3A_396 = arith.constant 0 : i32
      %dma_start3A_397 = tpu.memref_slice %arg5[%squeeze3A_389, %dma_start3A_396] : memref<1000000x32xf32, #tpu.memory_space<hbm>> -> memref<1x32xf32, #tpu.memory_space<hbm>>
      tpu.enqueue_dma source(%dma_start3A_397 : memref<1x32xf32, #tpu.memory_space<hbm>>) target(%dma_start3A_395 : memref<1x32xf32, #tpu.memory_space<vmem>>) target_semaphore(%arg18 : memref<!tpu.dma_semaphore, #tpu.memory_space<semaphore_mem>>)
      %mul3A_398 = arith.constant 16 : i32
      %mul3A_399 = arith.muli %add3A_224, %mul3A_398 : i32
      %add3A_400 = arith.constant 7 : i32
      %add3A_401 = arith.addi %mul3A_399, %add3A_400 : i32
      %slice3A_402 = vector.extract_strided_slice %get3A_229 {offsets = [7], sizes = [1], strides = [1]} : vector<16xi32> to vector<1xi32>
      %squeeze3A_403 = vector.extract %slice3A_402[0] : i32 from vector<1xi32>
      %dma_start3A_404 = arith.constant 0 : i32
      %dma_start3A_405 = tpu.memref_slice %arg9[%add3A_401, %dma_start3A_404] : memref<256x32xf32, #tpu.memory_space<vmem>> -> memref<1x32xf32, #tpu.memory_space<vmem>>
      %dma_start3A_406 = arith.constant 0 : i32
      %dma_start3A_407 = tpu.memref_slice %arg4[%squeeze3A_403, %dma_start3A_406] : memref<1000000x32xf32, #tpu.memory_space<hbm>> -> memref<1x32xf32, #tpu.memory_space<hbm>>
      %dma_start3A_408 = arith.constant 0 : i32
      %dma_start3A_409 = tpu.memref_slice %arg9[%add3A_401, %dma_start3A_408] : memref<256x32xf32, #tpu.memory_space<vmem>> -> memref<1x32xf32, #tpu.memory_space<vmem>>
      %dma_start3A_410 = arith.constant 0 : i32
      %dma_start3A_411 = tpu.memref_slice %arg4[%squeeze3A_403, %dma_start3A_410] : memref<1000000x32xf32, #tpu.memory_space<hbm>> -> memref<1x32xf32, #tpu.memory_space<hbm>>
      tpu.enqueue_dma source(%dma_start3A_411 : memref<1x32xf32, #tpu.memory_space<hbm>>) target(%dma_start3A_409 : memref<1x32xf32, #tpu.memory_space<vmem>>) target_semaphore(%arg19 : memref<!tpu.dma_semaphore, #tpu.memory_space<semaphore_mem>>)
      %slice3A_412 = vector.extract_strided_slice %get3A_231 {offsets = [7], sizes = [1], strides = [1]} : vector<16xi32> to vector<1xi32>
      %squeeze3A_413 = vector.extract %slice3A_412[0] : i32 from vector<1xi32>
      %dma_start3A_414 = arith.constant 0 : i32
      %dma_start3A_415 = tpu.memref_slice %arg10[%add3A_401, %dma_start3A_414] : memref<256x32xf32, #tpu.memory_space<vmem>> -> memref<1x32xf32, #tpu.memory_space<vmem>>
      %dma_start3A_416 = arith.constant 0 : i32
      %dma_start3A_417 = tpu.memref_slice %arg5[%squeeze3A_413, %dma_start3A_416] : memref<1000000x32xf32, #tpu.memory_space<hbm>> -> memref<1x32xf32, #tpu.memory_space<hbm>>
      %dma_start3A_418 = arith.constant 0 : i32
      %dma_start3A_419 = tpu.memref_slice %arg10[%add3A_401, %dma_start3A_418] : memref<256x32xf32, #tpu.memory_space<vmem>> -> memref<1x32xf32, #tpu.memory_space<vmem>>
      %dma_start3A_420 = arith.constant 0 : i32
      %dma_start3A_421 = tpu.memref_slice %arg5[%squeeze3A_413, %dma_start3A_420] : memref<1000000x32xf32, #tpu.memory_space<hbm>> -> memref<1x32xf32, #tpu.memory_space<hbm>>
      tpu.enqueue_dma source(%dma_start3A_421 : memref<1x32xf32, #tpu.memory_space<hbm>>) target(%dma_start3A_419 : memref<1x32xf32, #tpu.memory_space<vmem>>) target_semaphore(%arg20 : memref<!tpu.dma_semaphore, #tpu.memory_space<semaphore_mem>>)
      %mul3A_422 = arith.constant 16 : i32
      %mul3A_423 = arith.muli %add3A_224, %mul3A_422 : i32
      %add3A_424 = arith.constant 8 : i32
      %add3A_425 = arith.addi %mul3A_423, %add3A_424 : i32
      %slice3A_426 = vector.extract_strided_slice %get3A_229 {offsets = [8], sizes = [1], strides = [1]} : vector<16xi32> to vector<1xi32>
      %squeeze3A_427 = vector.extract %slice3A_426[0] : i32 from vector<1xi32>
      %dma_start3A_428 = arith.constant 0 : i32
      %dma_start3A_429 = tpu.memref_slice %arg9[%add3A_425, %dma_start3A_428] : memref<256x32xf32, #tpu.memory_space<vmem>> -> memref<1x32xf32, #tpu.memory_space<vmem>>
      %dma_start3A_430 = arith.constant 0 : i32
      %dma_start3A_431 = tpu.memref_slice %arg4[%squeeze3A_427, %dma_start3A_430] : memref<1000000x32xf32, #tpu.memory_space<hbm>> -> memref<1x32xf32, #tpu.memory_space<hbm>>
      %dma_start3A_432 = arith.constant 0 : i32
      %dma_start3A_433 = tpu.memref_slice %arg9[%add3A_425, %dma_start3A_432] : memref<256x32xf32, #tpu.memory_space<vmem>> -> memref<1x32xf32, #tpu.memory_space<vmem>>
      %dma_start3A_434 = arith.constant 0 : i32
      %dma_start3A_435 = tpu.memref_slice %arg4[%squeeze3A_427, %dma_start3A_434] : memref<1000000x32xf32, #tpu.memory_space<hbm>> -> memref<1x32xf32, #tpu.memory_space<hbm>>
      tpu.enqueue_dma source(%dma_start3A_435 : memref<1x32xf32, #tpu.memory_space<hbm>>) target(%dma_start3A_433 : memref<1x32xf32, #tpu.memory_space<vmem>>) target_semaphore(%arg13 : memref<!tpu.dma_semaphore, #tpu.memory_space<semaphore_mem>>)
      %slice3A_436 = vector.extract_strided_slice %get3A_231 {offsets = [8], sizes = [1], strides = [1]} : vector<16xi32> to vector<1xi32>
      %squeeze3A_437 = vector.extract %slice3A_436[0] : i32 from vector<1xi32>
      %dma_start3A_438 = arith.constant 0 : i32
      %dma_start3A_439 = tpu.memref_slice %arg10[%add3A_425, %dma_start3A_438] : memref<256x32xf32, #tpu.memory_space<vmem>> -> memref<1x32xf32, #tpu.memory_space<vmem>>
      %dma_start3A_440 = arith.constant 0 : i32
      %dma_start3A_441 = tpu.memref_slice %arg5[%squeeze3A_437, %dma_start3A_440] : memref<1000000x32xf32, #tpu.memory_space<hbm>> -> memref<1x32xf32, #tpu.memory_space<hbm>>
      %dma_start3A_442 = arith.constant 0 : i32
      %dma_start3A_443 = tpu.memref_slice %arg10[%add3A_425, %dma_start3A_442] : memref<256x32xf32, #tpu.memory_space<vmem>> -> memref<1x32xf32, #tpu.memory_space<vmem>>
      %dma_start3A_444 = arith.constant 0 : i32
      %dma_start3A_445 = tpu.memref_slice %arg5[%squeeze3A_437, %dma_start3A_444] : memref<1000000x32xf32, #tpu.memory_space<hbm>> -> memref<1x32xf32, #tpu.memory_space<hbm>>
      tpu.enqueue_dma source(%dma_start3A_445 : memref<1x32xf32, #tpu.memory_space<hbm>>) target(%dma_start3A_443 : memref<1x32xf32, #tpu.memory_space<vmem>>) target_semaphore(%arg14 : memref<!tpu.dma_semaphore, #tpu.memory_space<semaphore_mem>>)
      %mul3A_446 = arith.constant 16 : i32
      %mul3A_447 = arith.muli %add3A_224, %mul3A_446 : i32
      %add3A_448 = arith.constant 9 : i32
      %add3A_449 = arith.addi %mul3A_447, %add3A_448 : i32
      %slice3A_450 = vector.extract_strided_slice %get3A_229 {offsets = [9], sizes = [1], strides = [1]} : vector<16xi32> to vector<1xi32>
      %squeeze3A_451 = vector.extract %slice3A_450[0] : i32 from vector<1xi32>
      %dma_start3A_452 = arith.constant 0 : i32
      %dma_start3A_453 = tpu.memref_slice %arg9[%add3A_449, %dma_start3A_452] : memref<256x32xf32, #tpu.memory_space<vmem>> -> memref<1x32xf32, #tpu.memory_space<vmem>>
      %dma_start3A_454 = arith.constant 0 : i32
      %dma_start3A_455 = tpu.memref_slice %arg4[%squeeze3A_451, %dma_start3A_454] : memref<1000000x32xf32, #tpu.memory_space<hbm>> -> memref<1x32xf32, #tpu.memory_space<hbm>>
      %dma_start3A_456 = arith.constant 0 : i32
      %dma_start3A_457 = tpu.memref_slice %arg9[%add3A_449, %dma_start3A_456] : memref<256x32xf32, #tpu.memory_space<vmem>> -> memref<1x32xf32, #tpu.memory_space<vmem>>
      %dma_start3A_458 = arith.constant 0 : i32
      %dma_start3A_459 = tpu.memref_slice %arg4[%squeeze3A_451, %dma_start3A_458] : memref<1000000x32xf32, #tpu.memory_space<hbm>> -> memref<1x32xf32, #tpu.memory_space<hbm>>
      tpu.enqueue_dma source(%dma_start3A_459 : memref<1x32xf32, #tpu.memory_space<hbm>>) target(%dma_start3A_457 : memref<1x32xf32, #tpu.memory_space<vmem>>) target_semaphore(%arg15 : memref<!tpu.dma_semaphore, #tpu.memory_space<semaphore_mem>>)
      %slice3A_460 = vector.extract_strided_slice %get3A_231 {offsets = [9], sizes = [1], strides = [1]} : vector<16xi32> to vector<1xi32>
      %squeeze3A_461 = vector.extract %slice3A_460[0] : i32 from vector<1xi32>
      %dma_start3A_462 = arith.constant 0 : i32
      %dma_start3A_463 = tpu.memref_slice %arg10[%add3A_449, %dma_start3A_462] : memref<256x32xf32, #tpu.memory_space<vmem>> -> memref<1x32xf32, #tpu.memory_space<vmem>>
      %dma_start3A_464 = arith.constant 0 : i32
      %dma_start3A_465 = tpu.memref_slice %arg5[%squeeze3A_461, %dma_start3A_464] : memref<1000000x32xf32, #tpu.memory_space<hbm>> -> memref<1x32xf32, #tpu.memory_space<hbm>>
      %dma_start3A_466 = arith.constant 0 : i32
      %dma_start3A_467 = tpu.memref_slice %arg10[%add3A_449, %dma_start3A_466] : memref<256x32xf32, #tpu.memory_space<vmem>> -> memref<1x32xf32, #tpu.memory_space<vmem>>
      %dma_start3A_468 = arith.constant 0 : i32
      %dma_start3A_469 = tpu.memref_slice %arg5[%squeeze3A_461, %dma_start3A_468] : memref<1000000x32xf32, #tpu.memory_space<hbm>> -> memref<1x32xf32, #tpu.memory_space<hbm>>
      tpu.enqueue_dma source(%dma_start3A_469 : memref<1x32xf32, #tpu.memory_space<hbm>>) target(%dma_start3A_467 : memref<1x32xf32, #tpu.memory_space<vmem>>) target_semaphore(%arg16 : memref<!tpu.dma_semaphore, #tpu.memory_space<semaphore_mem>>)
      %mul3A_470 = arith.constant 16 : i32
      %mul3A_471 = arith.muli %add3A_224, %mul3A_470 : i32
      %add3A_472 = arith.constant 10 : i32
      %add3A_473 = arith.addi %mul3A_471, %add3A_472 : i32
      %slice3A_474 = vector.extract_strided_slice %get3A_229 {offsets = [10], sizes = [1], strides = [1]} : vector<16xi32> to vector<1xi32>
      %squeeze3A_475 = vector.extract %slice3A_474[0] : i32 from vector<1xi32>
      %dma_start3A_476 = arith.constant 0 : i32
      %dma_start3A_477 = tpu.memref_slice %arg9[%add3A_473, %dma_start3A_476] : memref<256x32xf32, #tpu.memory_space<vmem>> -> memref<1x32xf32, #tpu.memory_space<vmem>>
      %dma_start3A_478 = arith.constant 0 : i32
      %dma_start3A_479 = tpu.memref_slice %arg4[%squeeze3A_475, %dma_start3A_478] : memref<1000000x32xf32, #tpu.memory_space<hbm>> -> memref<1x32xf32, #tpu.memory_space<hbm>>
      %dma_start3A_480 = arith.constant 0 : i32
      %dma_start3A_481 = tpu.memref_slice %arg9[%add3A_473, %dma_start3A_480] : memref<256x32xf32, #tpu.memory_space<vmem>> -> memref<1x32xf32, #tpu.memory_space<vmem>>
      %dma_start3A_482 = arith.constant 0 : i32
      %dma_start3A_483 = tpu.memref_slice %arg4[%squeeze3A_475, %dma_start3A_482] : memref<1000000x32xf32, #tpu.memory_space<hbm>> -> memref<1x32xf32, #tpu.memory_space<hbm>>
      tpu.enqueue_dma source(%dma_start3A_483 : memref<1x32xf32, #tpu.memory_space<hbm>>) target(%dma_start3A_481 : memref<1x32xf32, #tpu.memory_space<vmem>>) target_semaphore(%arg17 : memref<!tpu.dma_semaphore, #tpu.memory_space<semaphore_mem>>)
      %slice3A_484 = vector.extract_strided_slice %get3A_231 {offsets = [10], sizes = [1], strides = [1]} : vector<16xi32> to vector<1xi32>
      %squeeze3A_485 = vector.extract %slice3A_484[0] : i32 from vector<1xi32>
      %dma_start3A_486 = arith.constant 0 : i32
      %dma_start3A_487 = tpu.memref_slice %arg10[%add3A_473, %dma_start3A_486] : memref<256x32xf32, #tpu.memory_space<vmem>> -> memref<1x32xf32, #tpu.memory_space<vmem>>
      %dma_start3A_488 = arith.constant 0 : i32
      %dma_start3A_489 = tpu.memref_slice %arg5[%squeeze3A_485, %dma_start3A_488] : memref<1000000x32xf32, #tpu.memory_space<hbm>> -> memref<1x32xf32, #tpu.memory_space<hbm>>
      %dma_start3A_490 = arith.constant 0 : i32
      %dma_start3A_491 = tpu.memref_slice %arg10[%add3A_473, %dma_start3A_490] : memref<256x32xf32, #tpu.memory_space<vmem>> -> memref<1x32xf32, #tpu.memory_space<vmem>>
      %dma_start3A_492 = arith.constant 0 : i32
      %dma_start3A_493 = tpu.memref_slice %arg5[%squeeze3A_485, %dma_start3A_492] : memref<1000000x32xf32, #tpu.memory_space<hbm>> -> memref<1x32xf32, #tpu.memory_space<hbm>>
      tpu.enqueue_dma source(%dma_start3A_493 : memref<1x32xf32, #tpu.memory_space<hbm>>) target(%dma_start3A_491 : memref<1x32xf32, #tpu.memory_space<vmem>>) target_semaphore(%arg18 : memref<!tpu.dma_semaphore, #tpu.memory_space<semaphore_mem>>)
      %mul3A_494 = arith.constant 16 : i32
      %mul3A_495 = arith.muli %add3A_224, %mul3A_494 : i32
      %add3A_496 = arith.constant 11 : i32
      %add3A_497 = arith.addi %mul3A_495, %add3A_496 : i32
      %slice3A_498 = vector.extract_strided_slice %get3A_229 {offsets = [11], sizes = [1], strides = [1]} : vector<16xi32> to vector<1xi32>
      %squeeze3A_499 = vector.extract %slice3A_498[0] : i32 from vector<1xi32>
      %dma_start3A_500 = arith.constant 0 : i32
      %dma_start3A_501 = tpu.memref_slice %arg9[%add3A_497, %dma_start3A_500] : memref<256x32xf32, #tpu.memory_space<vmem>> -> memref<1x32xf32, #tpu.memory_space<vmem>>
      %dma_start3A_502 = arith.constant 0 : i32
      %dma_start3A_503 = tpu.memref_slice %arg4[%squeeze3A_499, %dma_start3A_502] : memref<1000000x32xf32, #tpu.memory_space<hbm>> -> memref<1x32xf32, #tpu.memory_space<hbm>>
      %dma_start3A_504 = arith.constant 0 : i32
      %dma_start3A_505 = tpu.memref_slice %arg9[%add3A_497, %dma_start3A_504] : memref<256x32xf32, #tpu.memory_space<vmem>> -> memref<1x32xf32, #tpu.memory_space<vmem>>
      %dma_start3A_506 = arith.constant 0 : i32
      %dma_start3A_507 = tpu.memref_slice %arg4[%squeeze3A_499, %dma_start3A_506] : memref<1000000x32xf32, #tpu.memory_space<hbm>> -> memref<1x32xf32, #tpu.memory_space<hbm>>
      tpu.enqueue_dma source(%dma_start3A_507 : memref<1x32xf32, #tpu.memory_space<hbm>>) target(%dma_start3A_505 : memref<1x32xf32, #tpu.memory_space<vmem>>) target_semaphore(%arg19 : memref<!tpu.dma_semaphore, #tpu.memory_space<semaphore_mem>>)
      %slice3A_508 = vector.extract_strided_slice %get3A_231 {offsets = [11], sizes = [1], strides = [1]} : vector<16xi32> to vector<1xi32>
      %squeeze3A_509 = vector.extract %slice3A_508[0] : i32 from vector<1xi32>
      %dma_start3A_510 = arith.constant 0 : i32
      %dma_start3A_511 = tpu.memref_slice %arg10[%add3A_497, %dma_start3A_510] : memref<256x32xf32, #tpu.memory_space<vmem>> -> memref<1x32xf32, #tpu.memory_space<vmem>>
      %dma_start3A_512 = arith.constant 0 : i32
      %dma_start3A_513 = tpu.memref_slice %arg5[%squeeze3A_509, %dma_start3A_512] : memref<1000000x32xf32, #tpu.memory_space<hbm>> -> memref<1x32xf32, #tpu.memory_space<hbm>>
      %dma_start3A_514 = arith.constant 0 : i32
      %dma_start3A_515 = tpu.memref_slice %arg10[%add3A_497, %dma_start3A_514] : memref<256x32xf32, #tpu.memory_space<vmem>> -> memref<1x32xf32, #tpu.memory_space<vmem>>
      %dma_start3A_516 = arith.constant 0 : i32
      %dma_start3A_517 = tpu.memref_slice %arg5[%squeeze3A_509, %dma_start3A_516] : memref<1000000x32xf32, #tpu.memory_space<hbm>> -> memref<1x32xf32, #tpu.memory_space<hbm>>
      tpu.enqueue_dma source(%dma_start3A_517 : memref<1x32xf32, #tpu.memory_space<hbm>>) target(%dma_start3A_515 : memref<1x32xf32, #tpu.memory_space<vmem>>) target_semaphore(%arg20 : memref<!tpu.dma_semaphore, #tpu.memory_space<semaphore_mem>>)
      %mul3A_518 = arith.constant 16 : i32
      %mul3A_519 = arith.muli %add3A_224, %mul3A_518 : i32
      %add3A_520 = arith.constant 12 : i32
      %add3A_521 = arith.addi %mul3A_519, %add3A_520 : i32
      %slice3A_522 = vector.extract_strided_slice %get3A_229 {offsets = [12], sizes = [1], strides = [1]} : vector<16xi32> to vector<1xi32>
      %squeeze3A_523 = vector.extract %slice3A_522[0] : i32 from vector<1xi32>
      %dma_start3A_524 = arith.constant 0 : i32
      %dma_start3A_525 = tpu.memref_slice %arg9[%add3A_521, %dma_start3A_524] : memref<256x32xf32, #tpu.memory_space<vmem>> -> memref<1x32xf32, #tpu.memory_space<vmem>>
      %dma_start3A_526 = arith.constant 0 : i32
      %dma_start3A_527 = tpu.memref_slice %arg4[%squeeze3A_523, %dma_start3A_526] : memref<1000000x32xf32, #tpu.memory_space<hbm>> -> memref<1x32xf32, #tpu.memory_space<hbm>>
      %dma_start3A_528 = arith.constant 0 : i32
      %dma_start3A_529 = tpu.memref_slice %arg9[%add3A_521, %dma_start3A_528] : memref<256x32xf32, #tpu.memory_space<vmem>> -> memref<1x32xf32, #tpu.memory_space<vmem>>
      %dma_start3A_530 = arith.constant 0 : i32
      %dma_start3A_531 = tpu.memref_slice %arg4[%squeeze3A_523, %dma_start3A_530] : memref<1000000x32xf32, #tpu.memory_space<hbm>> -> memref<1x32xf32, #tpu.memory_space<hbm>>
      tpu.enqueue_dma source(%dma_start3A_531 : memref<1x32xf32, #tpu.memory_space<hbm>>) target(%dma_start3A_529 : memref<1x32xf32, #tpu.memory_space<vmem>>) target_semaphore(%arg13 : memref<!tpu.dma_semaphore, #tpu.memory_space<semaphore_mem>>)
      %slice3A_532 = vector.extract_strided_slice %get3A_231 {offsets = [12], sizes = [1], strides = [1]} : vector<16xi32> to vector<1xi32>
      %squeeze3A_533 = vector.extract %slice3A_532[0] : i32 from vector<1xi32>
      %dma_start3A_534 = arith.constant 0 : i32
      %dma_start3A_535 = tpu.memref_slice %arg10[%add3A_521, %dma_start3A_534] : memref<256x32xf32, #tpu.memory_space<vmem>> -> memref<1x32xf32, #tpu.memory_space<vmem>>
      %dma_start3A_536 = arith.constant 0 : i32
      %dma_start3A_537 = tpu.memref_slice %arg5[%squeeze3A_533, %dma_start3A_536] : memref<1000000x32xf32, #tpu.memory_space<hbm>> -> memref<1x32xf32, #tpu.memory_space<hbm>>
      %dma_start3A_538 = arith.constant 0 : i32
      %dma_start3A_539 = tpu.memref_slice %arg10[%add3A_521, %dma_start3A_538] : memref<256x32xf32, #tpu.memory_space<vmem>> -> memref<1x32xf32, #tpu.memory_space<vmem>>
      %dma_start3A_540 = arith.constant 0 : i32
      %dma_start3A_541 = tpu.memref_slice %arg5[%squeeze3A_533, %dma_start3A_540] : memref<1000000x32xf32, #tpu.memory_space<hbm>> -> memref<1x32xf32, #tpu.memory_space<hbm>>
      tpu.enqueue_dma source(%dma_start3A_541 : memref<1x32xf32, #tpu.memory_space<hbm>>) target(%dma_start3A_539 : memref<1x32xf32, #tpu.memory_space<vmem>>) target_semaphore(%arg14 : memref<!tpu.dma_semaphore, #tpu.memory_space<semaphore_mem>>)
      %mul3A_542 = arith.constant 16 : i32
      %mul3A_543 = arith.muli %add3A_224, %mul3A_542 : i32
      %add3A_544 = arith.constant 13 : i32
      %add3A_545 = arith.addi %mul3A_543, %add3A_544 : i32
      %slice3A_546 = vector.extract_strided_slice %get3A_229 {offsets = [13], sizes = [1], strides = [1]} : vector<16xi32> to vector<1xi32>
      %squeeze3A_547 = vector.extract %slice3A_546[0] : i32 from vector<1xi32>
      %dma_start3A_548 = arith.constant 0 : i32
      %dma_start3A_549 = tpu.memref_slice %arg9[%add3A_545, %dma_start3A_548] : memref<256x32xf32, #tpu.memory_space<vmem>> -> memref<1x32xf32, #tpu.memory_space<vmem>>
      %dma_start3A_550 = arith.constant 0 : i32
      %dma_start3A_551 = tpu.memref_slice %arg4[%squeeze3A_547, %dma_start3A_550] : memref<1000000x32xf32, #tpu.memory_space<hbm>> -> memref<1x32xf32, #tpu.memory_space<hbm>>
      %dma_start3A_552 = arith.constant 0 : i32
      %dma_start3A_553 = tpu.memref_slice %arg9[%add3A_545, %dma_start3A_552] : memref<256x32xf32, #tpu.memory_space<vmem>> -> memref<1x32xf32, #tpu.memory_space<vmem>>
      %dma_start3A_554 = arith.constant 0 : i32
      %dma_start3A_555 = tpu.memref_slice %arg4[%squeeze3A_547, %dma_start3A_554] : memref<1000000x32xf32, #tpu.memory_space<hbm>> -> memref<1x32xf32, #tpu.memory_space<hbm>>
      tpu.enqueue_dma source(%dma_start3A_555 : memref<1x32xf32, #tpu.memory_space<hbm>>) target(%dma_start3A_553 : memref<1x32xf32, #tpu.memory_space<vmem>>) target_semaphore(%arg15 : memref<!tpu.dma_semaphore, #tpu.memory_space<semaphore_mem>>)
      %slice3A_556 = vector.extract_strided_slice %get3A_231 {offsets = [13], sizes = [1], strides = [1]} : vector<16xi32> to vector<1xi32>
      %squeeze3A_557 = vector.extract %slice3A_556[0] : i32 from vector<1xi32>
      %dma_start3A_558 = arith.constant 0 : i32
      %dma_start3A_559 = tpu.memref_slice %arg10[%add3A_545, %dma_start3A_558] : memref<256x32xf32, #tpu.memory_space<vmem>> -> memref<1x32xf32, #tpu.memory_space<vmem>>
      %dma_start3A_560 = arith.constant 0 : i32
      %dma_start3A_561 = tpu.memref_slice %arg5[%squeeze3A_557, %dma_start3A_560] : memref<1000000x32xf32, #tpu.memory_space<hbm>> -> memref<1x32xf32, #tpu.memory_space<hbm>>
      %dma_start3A_562 = arith.constant 0 : i32
      %dma_start3A_563 = tpu.memref_slice %arg10[%add3A_545, %dma_start3A_562] : memref<256x32xf32, #tpu.memory_space<vmem>> -> memref<1x32xf32, #tpu.memory_space<vmem>>
      %dma_start3A_564 = arith.constant 0 : i32
      %dma_start3A_565 = tpu.memref_slice %arg5[%squeeze3A_557, %dma_start3A_564] : memref<1000000x32xf32, #tpu.memory_space<hbm>> -> memref<1x32xf32, #tpu.memory_space<hbm>>
      tpu.enqueue_dma source(%dma_start3A_565 : memref<1x32xf32, #tpu.memory_space<hbm>>) target(%dma_start3A_563 : memref<1x32xf32, #tpu.memory_space<vmem>>) target_semaphore(%arg16 : memref<!tpu.dma_semaphore, #tpu.memory_space<semaphore_mem>>)
      %mul3A_566 = arith.constant 16 : i32
      %mul3A_567 = arith.muli %add3A_224, %mul3A_566 : i32
      %add3A_568 = arith.constant 14 : i32
      %add3A_569 = arith.addi %mul3A_567, %add3A_568 : i32
      %slice3A_570 = vector.extract_strided_slice %get3A_229 {offsets = [14], sizes = [1], strides = [1]} : vector<16xi32> to vector<1xi32>
      %squeeze3A_571 = vector.extract %slice3A_570[0] : i32 from vector<1xi32>
      %dma_start3A_572 = arith.constant 0 : i32
      %dma_start3A_573 = tpu.memref_slice %arg9[%add3A_569, %dma_start3A_572] : memref<256x32xf32, #tpu.memory_space<vmem>> -> memref<1x32xf32, #tpu.memory_space<vmem>>
      %dma_start3A_574 = arith.constant 0 : i32
      %dma_start3A_575 = tpu.memref_slice %arg4[%squeeze3A_571, %dma_start3A_574] : memref<1000000x32xf32, #tpu.memory_space<hbm>> -> memref<1x32xf32, #tpu.memory_space<hbm>>
      %dma_start3A_576 = arith.constant 0 : i32
      %dma_start3A_577 = tpu.memref_slice %arg9[%add3A_569, %dma_start3A_576] : memref<256x32xf32, #tpu.memory_space<vmem>> -> memref<1x32xf32, #tpu.memory_space<vmem>>
      %dma_start3A_578 = arith.constant 0 : i32
      %dma_start3A_579 = tpu.memref_slice %arg4[%squeeze3A_571, %dma_start3A_578] : memref<1000000x32xf32, #tpu.memory_space<hbm>> -> memref<1x32xf32, #tpu.memory_space<hbm>>
      tpu.enqueue_dma source(%dma_start3A_579 : memref<1x32xf32, #tpu.memory_space<hbm>>) target(%dma_start3A_577 : memref<1x32xf32, #tpu.memory_space<vmem>>) target_semaphore(%arg17 : memref<!tpu.dma_semaphore, #tpu.memory_space<semaphore_mem>>)
      %slice3A_580 = vector.extract_strided_slice %get3A_231 {offsets = [14], sizes = [1], strides = [1]} : vector<16xi32> to vector<1xi32>
      %squeeze3A_581 = vector.extract %slice3A_580[0] : i32 from vector<1xi32>
      %dma_start3A_582 = arith.constant 0 : i32
      %dma_start3A_583 = tpu.memref_slice %arg10[%add3A_569, %dma_start3A_582] : memref<256x32xf32, #tpu.memory_space<vmem>> -> memref<1x32xf32, #tpu.memory_space<vmem>>
      %dma_start3A_584 = arith.constant 0 : i32
      %dma_start3A_585 = tpu.memref_slice %arg5[%squeeze3A_581, %dma_start3A_584] : memref<1000000x32xf32, #tpu.memory_space<hbm>> -> memref<1x32xf32, #tpu.memory_space<hbm>>
      %dma_start3A_586 = arith.constant 0 : i32
      %dma_start3A_587 = tpu.memref_slice %arg10[%add3A_569, %dma_start3A_586] : memref<256x32xf32, #tpu.memory_space<vmem>> -> memref<1x32xf32, #tpu.memory_space<vmem>>
      %dma_start3A_588 = arith.constant 0 : i32
      %dma_start3A_589 = tpu.memref_slice %arg5[%squeeze3A_581, %dma_start3A_588] : memref<1000000x32xf32, #tpu.memory_space<hbm>> -> memref<1x32xf32, #tpu.memory_space<hbm>>
      tpu.enqueue_dma source(%dma_start3A_589 : memref<1x32xf32, #tpu.memory_space<hbm>>) target(%dma_start3A_587 : memref<1x32xf32, #tpu.memory_space<vmem>>) target_semaphore(%arg18 : memref<!tpu.dma_semaphore, #tpu.memory_space<semaphore_mem>>)
      %mul3A_590 = arith.constant 16 : i32
      %mul3A_591 = arith.muli %add3A_224, %mul3A_590 : i32
      %add3A_592 = arith.constant 15 : i32
      %add3A_593 = arith.addi %mul3A_591, %add3A_592 : i32
      %slice3A_594 = vector.extract_strided_slice %get3A_229 {offsets = [15], sizes = [1], strides = [1]} : vector<16xi32> to vector<1xi32>
      %squeeze3A_595 = vector.extract %slice3A_594[0] : i32 from vector<1xi32>
      %dma_start3A_596 = arith.constant 0 : i32
      %dma_start3A_597 = tpu.memref_slice %arg9[%add3A_593, %dma_start3A_596] : memref<256x32xf32, #tpu.memory_space<vmem>> -> memref<1x32xf32, #tpu.memory_space<vmem>>
      %dma_start3A_598 = arith.constant 0 : i32
      %dma_start3A_599 = tpu.memref_slice %arg4[%squeeze3A_595, %dma_start3A_598] : memref<1000000x32xf32, #tpu.memory_space<hbm>> -> memref<1x32xf32, #tpu.memory_space<hbm>>
      %dma_start3A_600 = arith.constant 0 : i32
      %dma_start3A_601 = tpu.memref_slice %arg9[%add3A_593, %dma_start3A_600] : memref<256x32xf32, #tpu.memory_space<vmem>> -> memref<1x32xf32, #tpu.memory_space<vmem>>
      %dma_start3A_602 = arith.constant 0 : i32
      %dma_start3A_603 = tpu.memref_slice %arg4[%squeeze3A_595, %dma_start3A_602] : memref<1000000x32xf32, #tpu.memory_space<hbm>> -> memref<1x32xf32, #tpu.memory_space<hbm>>
      tpu.enqueue_dma source(%dma_start3A_603 : memref<1x32xf32, #tpu.memory_space<hbm>>) target(%dma_start3A_601 : memref<1x32xf32, #tpu.memory_space<vmem>>) target_semaphore(%arg19 : memref<!tpu.dma_semaphore, #tpu.memory_space<semaphore_mem>>)
      %slice3A_604 = vector.extract_strided_slice %get3A_231 {offsets = [15], sizes = [1], strides = [1]} : vector<16xi32> to vector<1xi32>
      %squeeze3A_605 = vector.extract %slice3A_604[0] : i32 from vector<1xi32>
      %dma_start3A_606 = arith.constant 0 : i32
      %dma_start3A_607 = tpu.memref_slice %arg10[%add3A_593, %dma_start3A_606] : memref<256x32xf32, #tpu.memory_space<vmem>> -> memref<1x32xf32, #tpu.memory_space<vmem>>
      %dma_start3A_608 = arith.constant 0 : i32
      %dma_start3A_609 = tpu.memref_slice %arg5[%squeeze3A_605, %dma_start3A_608] : memref<1000000x32xf32, #tpu.memory_space<hbm>> -> memref<1x32xf32, #tpu.memory_space<hbm>>
      %dma_start3A_610 = arith.constant 0 : i32
      %dma_start3A_611 = tpu.memref_slice %arg10[%add3A_593, %dma_start3A_610] : memref<256x32xf32, #tpu.memory_space<vmem>> -> memref<1x32xf32, #tpu.memory_space<vmem>>
      %dma_start3A_612 = arith.constant 0 : i32
      %dma_start3A_613 = tpu.memref_slice %arg5[%squeeze3A_605, %dma_start3A_612] : memref<1000000x32xf32, #tpu.memory_space<hbm>> -> memref<1x32xf32, #tpu.memory_space<hbm>>
      tpu.enqueue_dma source(%dma_start3A_613 : memref<1x32xf32, #tpu.memory_space<hbm>>) target(%dma_start3A_611 : memref<1x32xf32, #tpu.memory_space<vmem>>) target_semaphore(%arg20 : memref<!tpu.dma_semaphore, #tpu.memory_space<semaphore_mem>>)
    }
    %scan3A_12 = arith.constant 16 : i32
    %dma_wait3A_13 = arith.constant 0 : i32
    %dma_wait3A_14 = arith.constant 0 : i32
    %dma_wait3A_15 = tpu.memref_slice %arg9[%dma_wait3A_13, %dma_wait3A_14] : memref<256x32xf32, #tpu.memory_space<vmem>> -> memref<64x32xf32, #tpu.memory_space<vmem>>
    %dma_wait3A_16 = arith.constant 0 : i32
    %dma_wait3A_17 = arith.constant 0 : i32
    %dma_wait3A_18 = tpu.memref_slice %arg4[%dma_wait3A_16, %dma_wait3A_17] : memref<1000000x32xf32, #tpu.memory_space<hbm>> -> memref<64x32xf32, #tpu.memory_space<hbm>>
    %dma_wait3A_19 = arith.constant 0 : i32
    %dma_wait3A_20 = arith.constant 0 : i32
    %dma_wait3A_21 = tpu.memref_slice %arg9[%dma_wait3A_19, %dma_wait3A_20] : memref<256x32xf32, #tpu.memory_space<vmem>> -> memref<64x32xf32, #tpu.memory_space<vmem>>
    %dma_wait3A_22 = arith.constant 0 : i32
    %dma_wait3A_23 = arith.constant 0 : i32
    %dma_wait3A_24 = tpu.memref_slice %arg4[%dma_wait3A_22, %dma_wait3A_23] : memref<1000000x32xf32, #tpu.memory_space<hbm>> -> memref<64x32xf32, #tpu.memory_space<hbm>>
    tpu.wait_dma2 semaphore(%arg13 : memref<!tpu.dma_semaphore, #tpu.memory_space<semaphore_mem>>) src(%dma_wait3A_24 : memref<64x32xf32, #tpu.memory_space<hbm>>) dst(%dma_wait3A_21 : memref<64x32xf32, #tpu.memory_space<vmem>>)
    %dma_wait3A_25 = arith.constant 0 : i32
    %dma_wait3A_26 = arith.constant 0 : i32
    %dma_wait3A_27 = tpu.memref_slice %arg9[%dma_wait3A_25, %dma_wait3A_26] : memref<256x32xf32, #tpu.memory_space<vmem>> -> memref<64x32xf32, #tpu.memory_space<vmem>>
    %dma_wait3A_28 = arith.constant 0 : i32
    %dma_wait3A_29 = arith.constant 0 : i32
    %dma_wait3A_30 = tpu.memref_slice %arg4[%dma_wait3A_28, %dma_wait3A_29] : memref<1000000x32xf32, #tpu.memory_space<hbm>> -> memref<64x32xf32, #tpu.memory_space<hbm>>
    %dma_wait3A_31 = arith.constant 0 : i32
    %dma_wait3A_32 = arith.constant 0 : i32
    %dma_wait3A_33 = tpu.memref_slice %arg9[%dma_wait3A_31, %dma_wait3A_32] : memref<256x32xf32, #tpu.memory_space<vmem>> -> memref<64x32xf32, #tpu.memory_space<vmem>>
    %dma_wait3A_34 = arith.constant 0 : i32
    %dma_wait3A_35 = arith.constant 0 : i32
    %dma_wait3A_36 = tpu.memref_slice %arg4[%dma_wait3A_34, %dma_wait3A_35] : memref<1000000x32xf32, #tpu.memory_space<hbm>> -> memref<64x32xf32, #tpu.memory_space<hbm>>
    tpu.wait_dma2 semaphore(%arg14 : memref<!tpu.dma_semaphore, #tpu.memory_space<semaphore_mem>>) src(%dma_wait3A_36 : memref<64x32xf32, #tpu.memory_space<hbm>>) dst(%dma_wait3A_33 : memref<64x32xf32, #tpu.memory_space<vmem>>)
    %dma_wait3A_37 = arith.constant 0 : i32
    %dma_wait3A_38 = arith.constant 0 : i32
    %dma_wait3A_39 = tpu.memref_slice %arg9[%dma_wait3A_37, %dma_wait3A_38] : memref<256x32xf32, #tpu.memory_space<vmem>> -> memref<64x32xf32, #tpu.memory_space<vmem>>
    %dma_wait3A_40 = arith.constant 0 : i32
    %dma_wait3A_41 = arith.constant 0 : i32
    %dma_wait3A_42 = tpu.memref_slice %arg4[%dma_wait3A_40, %dma_wait3A_41] : memref<1000000x32xf32, #tpu.memory_space<hbm>> -> memref<64x32xf32, #tpu.memory_space<hbm>>
    %dma_wait3A_43 = arith.constant 0 : i32
    %dma_wait3A_44 = arith.constant 0 : i32
    %dma_wait3A_45 = tpu.memref_slice %arg9[%dma_wait3A_43, %dma_wait3A_44] : memref<256x32xf32, #tpu.memory_space<vmem>> -> memref<64x32xf32, #tpu.memory_space<vmem>>
    %dma_wait3A_46 = arith.constant 0 : i32
    %dma_wait3A_47 = arith.constant 0 : i32
    %dma_wait3A_48 = tpu.memref_slice %arg4[%dma_wait3A_46, %dma_wait3A_47] : memref<1000000x32xf32, #tpu.memory_space<hbm>> -> memref<64x32xf32, #tpu.memory_space<hbm>>
    tpu.wait_dma2 semaphore(%arg15 : memref<!tpu.dma_semaphore, #tpu.memory_space<semaphore_mem>>) src(%dma_wait3A_48 : memref<64x32xf32, #tpu.memory_space<hbm>>) dst(%dma_wait3A_45 : memref<64x32xf32, #tpu.memory_space<vmem>>)
    %dma_wait3A_49 = arith.constant 0 : i32
    %dma_wait3A_50 = arith.constant 0 : i32
    %dma_wait3A_51 = tpu.memref_slice %arg9[%dma_wait3A_49, %dma_wait3A_50] : memref<256x32xf32, #tpu.memory_space<vmem>> -> memref<64x32xf32, #tpu.memory_space<vmem>>
    %dma_wait3A_52 = arith.constant 0 : i32
    %dma_wait3A_53 = arith.constant 0 : i32
    %dma_wait3A_54 = tpu.memref_slice %arg4[%dma_wait3A_52, %dma_wait3A_53] : memref<1000000x32xf32, #tpu.memory_space<hbm>> -> memref<64x32xf32, #tpu.memory_space<hbm>>
    %dma_wait3A_55 = arith.constant 0 : i32
    %dma_wait3A_56 = arith.constant 0 : i32
    %dma_wait3A_57 = tpu.memref_slice %arg9[%dma_wait3A_55, %dma_wait3A_56] : memref<256x32xf32, #tpu.memory_space<vmem>> -> memref<64x32xf32, #tpu.memory_space<vmem>>
    %dma_wait3A_58 = arith.constant 0 : i32
    %dma_wait3A_59 = arith.constant 0 : i32
    %dma_wait3A_60 = tpu.memref_slice %arg4[%dma_wait3A_58, %dma_wait3A_59] : memref<1000000x32xf32, #tpu.memory_space<hbm>> -> memref<64x32xf32, #tpu.memory_space<hbm>>
    tpu.wait_dma2 semaphore(%arg16 : memref<!tpu.dma_semaphore, #tpu.memory_space<semaphore_mem>>) src(%dma_wait3A_60 : memref<64x32xf32, #tpu.memory_space<hbm>>) dst(%dma_wait3A_57 : memref<64x32xf32, #tpu.memory_space<vmem>>)
    %dma_wait3A_61 = arith.constant 0 : i32
    %dma_wait3A_62 = arith.constant 0 : i32
    %dma_wait3A_63 = tpu.memref_slice %arg9[%dma_wait3A_61, %dma_wait3A_62] : memref<256x32xf32, #tpu.memory_space<vmem>> -> memref<64x32xf32, #tpu.memory_space<vmem>>
    %dma_wait3A_64 = arith.constant 0 : i32
    %dma_wait3A_65 = arith.constant 0 : i32
    %dma_wait3A_66 = tpu.memref_slice %arg4[%dma_wait3A_64, %dma_wait3A_65] : memref<1000000x32xf32, #tpu.memory_space<hbm>> -> memref<64x32xf32, #tpu.memory_space<hbm>>
    %dma_wait3A_67 = arith.constant 0 : i32
    %dma_wait3A_68 = arith.constant 0 : i32
    %dma_wait3A_69 = tpu.memref_slice %arg9[%dma_wait3A_67, %dma_wait3A_68] : memref<256x32xf32, #tpu.memory_space<vmem>> -> memref<64x32xf32, #tpu.memory_space<vmem>>
    %dma_wait3A_70 = arith.constant 0 : i32
    %dma_wait3A_71 = arith.constant 0 : i32
    %dma_wait3A_72 = tpu.memref_slice %arg4[%dma_wait3A_70, %dma_wait3A_71] : memref<1000000x32xf32, #tpu.memory_space<hbm>> -> memref<64x32xf32, #tpu.memory_space<hbm>>
    tpu.wait_dma2 semaphore(%arg17 : memref<!tpu.dma_semaphore, #tpu.memory_space<semaphore_mem>>) src(%dma_wait3A_72 : memref<64x32xf32, #tpu.memory_space<hbm>>) dst(%dma_wait3A_69 : memref<64x32xf32, #tpu.memory_space<vmem>>)
    %dma_wait3A_73 = arith.constant 0 : i32
    %dma_wait3A_74 = arith.constant 0 : i32
    %dma_wait3A_75 = tpu.memref_slice %arg9[%dma_wait3A_73, %dma_wait3A_74] : memref<256x32xf32, #tpu.memory_space<vmem>> -> memref<64x32xf32, #tpu.memory_space<vmem>>
    %dma_wait3A_76 = arith.constant 0 : i32
    %dma_wait3A_77 = arith.constant 0 : i32
    %dma_wait3A_78 = tpu.memref_slice %arg4[%dma_wait3A_76, %dma_wait3A_77] : memref<1000000x32xf32, #tpu.memory_space<hbm>> -> memref<64x32xf32, #tpu.memory_space<hbm>>
    %dma_wait3A_79 = arith.constant 0 : i32
    %dma_wait3A_80 = arith.constant 0 : i32
    %dma_wait3A_81 = tpu.memref_slice %arg9[%dma_wait3A_79, %dma_wait3A_80] : memref<256x32xf32, #tpu.memory_space<vmem>> -> memref<64x32xf32, #tpu.memory_space<vmem>>
    %dma_wait3A_82 = arith.constant 0 : i32
    %dma_wait3A_83 = arith.constant 0 : i32
    %dma_wait3A_84 = tpu.memref_slice %arg4[%dma_wait3A_82, %dma_wait3A_83] : memref<1000000x32xf32, #tpu.memory_space<hbm>> -> memref<64x32xf32, #tpu.memory_space<hbm>>
    tpu.wait_dma2 semaphore(%arg18 : memref<!tpu.dma_semaphore, #tpu.memory_space<semaphore_mem>>) src(%dma_wait3A_84 : memref<64x32xf32, #tpu.memory_space<hbm>>) dst(%dma_wait3A_81 : memref<64x32xf32, #tpu.memory_space<vmem>>)
    %dma_wait3A_85 = arith.constant 0 : i32
    %dma_wait3A_86 = arith.constant 0 : i32
    %dma_wait3A_87 = tpu.memref_slice %arg9[%dma_wait3A_85, %dma_wait3A_86] : memref<256x32xf32, #tpu.memory_space<vmem>> -> memref<64x32xf32, #tpu.memory_space<vmem>>
    %dma_wait3A_88 = arith.constant 0 : i32
    %dma_wait3A_89 = arith.constant 0 : i32
    %dma_wait3A_90 = tpu.memref_slice %arg4[%dma_wait3A_88, %dma_wait3A_89] : memref<1000000x32xf32, #tpu.memory_space<hbm>> -> memref<64x32xf32, #tpu.memory_space<hbm>>
    %dma_wait3A_91 = arith.constant 0 : i32
    %dma_wait3A_92 = arith.constant 0 : i32
    %dma_wait3A_93 = tpu.memref_slice %arg9[%dma_wait3A_91, %dma_wait3A_92] : memref<256x32xf32, #tpu.memory_space<vmem>> -> memref<64x32xf32, #tpu.memory_space<vmem>>
    %dma_wait3A_94 = arith.constant 0 : i32
    %dma_wait3A_95 = arith.constant 0 : i32
    %dma_wait3A_96 = tpu.memref_slice %arg4[%dma_wait3A_94, %dma_wait3A_95] : memref<1000000x32xf32, #tpu.memory_space<hbm>> -> memref<64x32xf32, #tpu.memory_space<hbm>>
    tpu.wait_dma2 semaphore(%arg19 : memref<!tpu.dma_semaphore, #tpu.memory_space<semaphore_mem>>) src(%dma_wait3A_96 : memref<64x32xf32, #tpu.memory_space<hbm>>) dst(%dma_wait3A_93 : memref<64x32xf32, #tpu.memory_space<vmem>>)
    %dma_wait3A_97 = arith.constant 0 : i32
    %dma_wait3A_98 = arith.constant 0 : i32
    %dma_wait3A_99 = tpu.memref_slice %arg9[%dma_wait3A_97, %dma_wait3A_98] : memref<256x32xf32, #tpu.memory_space<vmem>> -> memref<64x32xf32, #tpu.memory_space<vmem>>
    %dma_wait3A_100 = arith.constant 0 : i32
    %dma_wait3A_101 = arith.constant 0 : i32
    %dma_wait3A_102 = tpu.memref_slice %arg4[%dma_wait3A_100, %dma_wait3A_101] : memref<1000000x32xf32, #tpu.memory_space<hbm>> -> memref<64x32xf32, #tpu.memory_space<hbm>>
    %dma_wait3A_103 = arith.constant 0 : i32
    %dma_wait3A_104 = arith.constant 0 : i32
    %dma_wait3A_105 = tpu.memref_slice %arg9[%dma_wait3A_103, %dma_wait3A_104] : memref<256x32xf32, #tpu.memory_space<vmem>> -> memref<64x32xf32, #tpu.memory_space<vmem>>
    %dma_wait3A_106 = arith.constant 0 : i32
    %dma_wait3A_107 = arith.constant 0 : i32
    %dma_wait3A_108 = tpu.memref_slice %arg4[%dma_wait3A_106, %dma_wait3A_107] : memref<1000000x32xf32, #tpu.memory_space<hbm>> -> memref<64x32xf32, #tpu.memory_space<hbm>>
    tpu.wait_dma2 semaphore(%arg20 : memref<!tpu.dma_semaphore, #tpu.memory_space<semaphore_mem>>) src(%dma_wait3A_108 : memref<64x32xf32, #tpu.memory_space<hbm>>) dst(%dma_wait3A_105 : memref<64x32xf32, #tpu.memory_space<vmem>>)
    %scan3A_109 = arith.constant 0 : i32
    %scan3A_110 = arith.constant 16 : i32
    %scan3A_111 = arith.addi %scan3A_109, %scan3A_110 : i32
    %scan3A_112 = arith.constant 1 : i32
    scf.for %scan3A_220 = %scan3A_109 to %scan3A_111 step %scan3A_112  : i32 {
      %mul3A_221 = arith.constant 1 : i32
      %mul3A_222 = arith.muli %scan3A_220, %mul3A_221 : i32
      %add3A_223 = arith.constant 0 : i32
      %add3A_224 = arith.addi %add3A_223, %mul3A_222 : i32
      %broadcast_in_dim3A = arith.constant 0.000000e+00 : f32
      %broadcast_in_dim3A_225 = vector.broadcast %broadcast_in_dim3A : f32 to vector<16xf32>
      %mul3A_226 = arith.constant 16 : i32
      %mul3A_227 = arith.muli %add3A_224, %mul3A_226 : i32
      %add3A_228 = arith.constant 0 : i32
      %add3A_229 = arith.addi %mul3A_227, %add3A_228 : i32
      %get3A = arith.index_cast %add3A_229 : i32 to index
      %get3A_230 = arith.constant 0 : index
      %get3A_231 = tpu.vector_load %arg9[%get3A, %get3A_230] {strides = array<i32>} : memref<256x32xf32, #tpu.memory_space<vmem>>, vector<16xf32>,
      %get3A_232 = arith.index_cast %add3A_229 : i32 to index
      %get3A_233 = arith.constant 16 : index
      %get3A_234 = tpu.vector_load %arg9[%get3A_232, %get3A_233] {strides = array<i32>} : memref<256x32xf32, #tpu.memory_space<vmem>>, vector<16xf32>,
      %get3A_235 = arith.index_cast %add3A_229 : i32 to index
      %get3A_236 = arith.constant 0 : index
      %get3A_237 = tpu.vector_load %arg10[%get3A_235, %get3A_236] {strides = array<i32>} : memref<256x32xf32, #tpu.memory_space<vmem>>, vector<16xf32>,
      %get3A_238 = arith.index_cast %add3A_229 : i32 to index
      %get3A_239 = arith.constant 16 : index
      %get3A_240 = tpu.vector_load %arg10[%get3A_238, %get3A_239] {strides = array<i32>} : memref<256x32xf32, #tpu.memory_space<vmem>>, vector<16xf32>,
      %mul3A_241 = arith.mulf %get3A_231, %get3A_237 : vector<16xf32>
      %mul3A_242 = arith.mulf %get3A_234, %get3A_240 : vector<16xf32>
      %add3A_243 = arith.addf %mul3A_241, %mul3A_242 : vector<16xf32>
      %reduce_sum3A = arith.constant true
      %reduce_sum3A_244 = vector.broadcast %reduce_sum3A : i1 to vector<16xi1>
      %reduce_sum3A_245 = tpu.scan <sum>, %add3A_243 masked %reduce_sum3A_244 : vector<16xf32>, vector<16xi1> -> vector<16xf32>
      %reduce_sum3A_246 = vector.extract %reduce_sum3A_245[15] : f32 from vector<16xf32>
      %eq3A = arith.constant 0 : i32
      %eq3A_247 = vector.broadcast %eq3A : i32 to vector<16xi32>
      %eq3A_248 = arith.cmpi eq, %iota3A, %eq3A_247 : vector<16xi32>
      %broadcast_in_dim3A_249 = vector.broadcast %reduce_sum3A_246 : f32 to vector<16xf32>
      %select_n3A = arith.select %eq3A_248, %broadcast_in_dim3A_249, %broadcast_in_dim3A_225 : vector<16xi1>, vector<16xf32>
      %mul3A_250 = arith.constant 16 : i32
      %mul3A_251 = arith.muli %add3A_224, %mul3A_250 : i32
      %add3A_252 = arith.constant 1 : i32
      %add3A_253 = arith.addi %mul3A_251, %add3A_252 : i32
      %get3A_254 = arith.index_cast %add3A_253 : i32 to index
      %get3A_255 = arith.constant 0 : index
      %get3A_256 = tpu.vector_load %arg9[%get3A_254, %get3A_255] {strides = array<i32>} : memref<256x32xf32, #tpu.memory_space<vmem>>, vector<16xf32>,
      %get3A_257 = arith.index_cast %add3A_253 : i32 to index
      %get3A_258 = arith.constant 16 : index
      %get3A_259 = tpu.vector_load %arg9[%get3A_257, %get3A_258] {strides = array<i32>} : memref<256x32xf32, #tpu.memory_space<vmem>>, vector<16xf32>,
      %get3A_260 = arith.index_cast %add3A_253 : i32 to index
      %get3A_261 = arith.constant 0 : index
      %get3A_262 = tpu.vector_load %arg10[%get3A_260, %get3A_261] {strides = array<i32>} : memref<256x32xf32, #tpu.memory_space<vmem>>, vector<16xf32>,
      %get3A_263 = arith.index_cast %add3A_253 : i32 to index
      %get3A_264 = arith.constant 16 : index
      %get3A_265 = tpu.vector_load %arg10[%get3A_263, %get3A_264] {strides = array<i32>} : memref<256x32xf32, #tpu.memory_space<vmem>>, vector<16xf32>,
      %mul3A_266 = arith.mulf %get3A_256, %get3A_262 : vector<16xf32>
      %mul3A_267 = arith.mulf %get3A_259, %get3A_265 : vector<16xf32>
      %add3A_268 = arith.addf %mul3A_266, %mul3A_267 : vector<16xf32>
      %reduce_sum3A_269 = arith.constant true
      %reduce_sum3A_270 = vector.broadcast %reduce_sum3A_269 : i1 to vector<16xi1>
      %reduce_sum3A_271 = tpu.scan <sum>, %add3A_268 masked %reduce_sum3A_270 : vector<16xf32>, vector<16xi1> -> vector<16xf32>
      %reduce_sum3A_272 = vector.extract %reduce_sum3A_271[15] : f32 from vector<16xf32>
      %eq3A_273 = arith.constant 1 : i32
      %eq3A_274 = vector.broadcast %eq3A_273 : i32 to vector<16xi32>
      %eq3A_275 = arith.cmpi eq, %iota3A, %eq3A_274 : vector<16xi32>
      %broadcast_in_dim3A_276 = vector.broadcast %reduce_sum3A_272 : f32 to vector<16xf32>
      %select_n3A_277 = arith.select %eq3A_275, %broadcast_in_dim3A_276, %select_n3A : vector<16xi1>, vector<16xf32>
      %mul3A_278 = arith.constant 16 : i32
      %mul3A_279 = arith.muli %add3A_224, %mul3A_278 : i32
      %add3A_280 = arith.constant 2 : i32
      %add3A_281 = arith.addi %mul3A_279, %add3A_280 : i32
      %get3A_282 = arith.index_cast %add3A_281 : i32 to index
      %get3A_283 = arith.constant 0 : index
      %get3A_284 = tpu.vector_load %arg9[%get3A_282, %get3A_283] {strides = array<i32>} : memref<256x32xf32, #tpu.memory_space<vmem>>, vector<16xf32>,
      %get3A_285 = arith.index_cast %add3A_281 : i32 to index
      %get3A_286 = arith.constant 16 : index
      %get3A_287 = tpu.vector_load %arg9[%get3A_285, %get3A_286] {strides = array<i32>} : memref<256x32xf32, #tpu.memory_space<vmem>>, vector<16xf32>,
      %get3A_288 = arith.index_cast %add3A_281 : i32 to index
      %get3A_289 = arith.constant 0 : index
      %get3A_290 = tpu.vector_load %arg10[%get3A_288, %get3A_289] {strides = array<i32>} : memref<256x32xf32, #tpu.memory_space<vmem>>, vector<16xf32>,
      %get3A_291 = arith.index_cast %add3A_281 : i32 to index
      %get3A_292 = arith.constant 16 : index
      %get3A_293 = tpu.vector_load %arg10[%get3A_291, %get3A_292] {strides = array<i32>} : memref<256x32xf32, #tpu.memory_space<vmem>>, vector<16xf32>,
      %mul3A_294 = arith.mulf %get3A_284, %get3A_290 : vector<16xf32>
      %mul3A_295 = arith.mulf %get3A_287, %get3A_293 : vector<16xf32>
      %add3A_296 = arith.addf %mul3A_294, %mul3A_295 : vector<16xf32>
      %reduce_sum3A_297 = arith.constant true
      %reduce_sum3A_298 = vector.broadcast %reduce_sum3A_297 : i1 to vector<16xi1>
      %reduce_sum3A_299 = tpu.scan <sum>, %add3A_296 masked %reduce_sum3A_298 : vector<16xf32>, vector<16xi1> -> vector<16xf32>
      %reduce_sum3A_300 = vector.extract %reduce_sum3A_299[15] : f32 from vector<16xf32>
      %eq3A_301 = arith.constant 2 : i32
      %eq3A_302 = vector.broadcast %eq3A_301 : i32 to vector<16xi32>
      %eq3A_303 = arith.cmpi eq, %iota3A, %eq3A_302 : vector<16xi32>
      %broadcast_in_dim3A_304 = vector.broadcast %reduce_sum3A_300 : f32 to vector<16xf32>
      %select_n3A_305 = arith.select %eq3A_303, %broadcast_in_dim3A_304, %select_n3A_277 : vector<16xi1>, vector<16xf32>
      %mul3A_306 = arith.constant 16 : i32
      %mul3A_307 = arith.muli %add3A_224, %mul3A_306 : i32
      %add3A_308 = arith.constant 3 : i32
      %add3A_309 = arith.addi %mul3A_307, %add3A_308 : i32
      %get3A_310 = arith.index_cast %add3A_309 : i32 to index
      %get3A_311 = arith.constant 0 : index
      %get3A_312 = tpu.vector_load %arg9[%get3A_310, %get3A_311] {strides = array<i32>} : memref<256x32xf32, #tpu.memory_space<vmem>>, vector<16xf32>,
      %get3A_313 = arith.index_cast %add3A_309 : i32 to index
      %get3A_314 = arith.constant 16 : index
      %get3A_315 = tpu.vector_load %arg9[%get3A_313, %get3A_314] {strides = array<i32>} : memref<256x32xf32, #tpu.memory_space<vmem>>, vector<16xf32>,
      %get3A_316 = arith.index_cast %add3A_309 : i32 to index
      %get3A_317 = arith.constant 0 : index
      %get3A_318 = tpu.vector_load %arg10[%get3A_316, %get3A_317] {strides = array<i32>} : memref<256x32xf32, #tpu.memory_space<vmem>>, vector<16xf32>,
      %get3A_319 = arith.index_cast %add3A_309 : i32 to index
      %get3A_320 = arith.constant 16 : index
      %get3A_321 = tpu.vector_load %arg10[%get3A_319, %get3A_320] {strides = array<i32>} : memref<256x32xf32, #tpu.memory_space<vmem>>, vector<16xf32>,
      %mul3A_322 = arith.mulf %get3A_312, %get3A_318 : vector<16xf32>
      %mul3A_323 = arith.mulf %get3A_315, %get3A_321 : vector<16xf32>
      %add3A_324 = arith.addf %mul3A_322, %mul3A_323 : vector<16xf32>
      %reduce_sum3A_325 = arith.constant true
      %reduce_sum3A_326 = vector.broadcast %reduce_sum3A_325 : i1 to vector<16xi1>
      %reduce_sum3A_327 = tpu.scan <sum>, %add3A_324 masked %reduce_sum3A_326 : vector<16xf32>, vector<16xi1> -> vector<16xf32>
      %reduce_sum3A_328 = vector.extract %reduce_sum3A_327[15] : f32 from vector<16xf32>
      %eq3A_329 = arith.constant 3 : i32
      %eq3A_330 = vector.broadcast %eq3A_329 : i32 to vector<16xi32>
      %eq3A_331 = arith.cmpi eq, %iota3A, %eq3A_330 : vector<16xi32>
      %broadcast_in_dim3A_332 = vector.broadcast %reduce_sum3A_328 : f32 to vector<16xf32>
      %select_n3A_333 = arith.select %eq3A_331, %broadcast_in_dim3A_332, %select_n3A_305 : vector<16xi1>, vector<16xf32>
      %mul3A_334 = arith.constant 16 : i32
      %mul3A_335 = arith.muli %add3A_224, %mul3A_334 : i32
      %add3A_336 = arith.constant 4 : i32
      %add3A_337 = arith.addi %mul3A_335, %add3A_336 : i32
      %get3A_338 = arith.index_cast %add3A_337 : i32 to index
      %get3A_339 = arith.constant 0 : index
      %get3A_340 = tpu.vector_load %arg9[%get3A_338, %get3A_339] {strides = array<i32>} : memref<256x32xf32, #tpu.memory_space<vmem>>, vector<16xf32>,
      %get3A_341 = arith.index_cast %add3A_337 : i32 to index
      %get3A_342 = arith.constant 16 : index
      %get3A_343 = tpu.vector_load %arg9[%get3A_341, %get3A_342] {strides = array<i32>} : memref<256x32xf32, #tpu.memory_space<vmem>>, vector<16xf32>,
      %get3A_344 = arith.index_cast %add3A_337 : i32 to index
      %get3A_345 = arith.constant 0 : index
      %get3A_346 = tpu.vector_load %arg10[%get3A_344, %get3A_345] {strides = array<i32>} : memref<256x32xf32, #tpu.memory_space<vmem>>, vector<16xf32>,
      %get3A_347 = arith.index_cast %add3A_337 : i32 to index
      %get3A_348 = arith.constant 16 : index
      %get3A_349 = tpu.vector_load %arg10[%get3A_347, %get3A_348] {strides = array<i32>} : memref<256x32xf32, #tpu.memory_space<vmem>>, vector<16xf32>,
      %mul3A_350 = arith.mulf %get3A_340, %get3A_346 : vector<16xf32>
      %mul3A_351 = arith.mulf %get3A_343, %get3A_349 : vector<16xf32>
      %add3A_352 = arith.addf %mul3A_350, %mul3A_351 : vector<16xf32>
      %reduce_sum3A_353 = arith.constant true
      %reduce_sum3A_354 = vector.broadcast %reduce_sum3A_353 : i1 to vector<16xi1>
      %reduce_sum3A_355 = tpu.scan <sum>, %add3A_352 masked %reduce_sum3A_354 : vector<16xf32>, vector<16xi1> -> vector<16xf32>
      %reduce_sum3A_356 = vector.extract %reduce_sum3A_355[15] : f32 from vector<16xf32>
      %eq3A_357 = arith.constant 4 : i32
      %eq3A_358 = vector.broadcast %eq3A_357 : i32 to vector<16xi32>
      %eq3A_359 = arith.cmpi eq, %iota3A, %eq3A_358 : vector<16xi32>
      %broadcast_in_dim3A_360 = vector.broadcast %reduce_sum3A_356 : f32 to vector<16xf32>
      %select_n3A_361 = arith.select %eq3A_359, %broadcast_in_dim3A_360, %select_n3A_333 : vector<16xi1>, vector<16xf32>
      %mul3A_362 = arith.constant 16 : i32
      %mul3A_363 = arith.muli %add3A_224, %mul3A_362 : i32
      %add3A_364 = arith.constant 5 : i32
      %add3A_365 = arith.addi %mul3A_363, %add3A_364 : i32
      %get3A_366 = arith.index_cast %add3A_365 : i32 to index
      %get3A_367 = arith.constant 0 : index
      %get3A_368 = tpu.vector_load %arg9[%get3A_366, %get3A_367] {strides = array<i32>} : memref<256x32xf32, #tpu.memory_space<vmem>>, vector<16xf32>,
      %get3A_369 = arith.index_cast %add3A_365 : i32 to index
      %get3A_370 = arith.constant 16 : index
      %get3A_371 = tpu.vector_load %arg9[%get3A_369, %get3A_370] {strides = array<i32>} : memref<256x32xf32, #tpu.memory_space<vmem>>, vector<16xf32>,
      %get3A_372 = arith.index_cast %add3A_365 : i32 to index
      %get3A_373 = arith.constant 0 : index
      %get3A_374 = tpu.vector_load %arg10[%get3A_372, %get3A_373] {strides = array<i32>} : memref<256x32xf32, #tpu.memory_space<vmem>>, vector<16xf32>,
      %get3A_375 = arith.index_cast %add3A_365 : i32 to index
      %get3A_376 = arith.constant 16 : index
      %get3A_377 = tpu.vector_load %arg10[%get3A_375, %get3A_376] {strides = array<i32>} : memref<256x32xf32, #tpu.memory_space<vmem>>, vector<16xf32>,
      %mul3A_378 = arith.mulf %get3A_368, %get3A_374 : vector<16xf32>
      %mul3A_379 = arith.mulf %get3A_371, %get3A_377 : vector<16xf32>
      %add3A_380 = arith.addf %mul3A_378, %mul3A_379 : vector<16xf32>
      %reduce_sum3A_381 = arith.constant true
      %reduce_sum3A_382 = vector.broadcast %reduce_sum3A_381 : i1 to vector<16xi1>
      %reduce_sum3A_383 = tpu.scan <sum>, %add3A_380 masked %reduce_sum3A_382 : vector<16xf32>, vector<16xi1> -> vector<16xf32>
      %reduce_sum3A_384 = vector.extract %reduce_sum3A_383[15] : f32 from vector<16xf32>
      %eq3A_385 = arith.constant 5 : i32
      %eq3A_386 = vector.broadcast %eq3A_385 : i32 to vector<16xi32>
      %eq3A_387 = arith.cmpi eq, %iota3A, %eq3A_386 : vector<16xi32>
      %broadcast_in_dim3A_388 = vector.broadcast %reduce_sum3A_384 : f32 to vector<16xf32>
      %select_n3A_389 = arith.select %eq3A_387, %broadcast_in_dim3A_388, %select_n3A_361 : vector<16xi1>, vector<16xf32>
      %mul3A_390 = arith.constant 16 : i32
      %mul3A_391 = arith.muli %add3A_224, %mul3A_390 : i32
      %add3A_392 = arith.constant 6 : i32
      %add3A_393 = arith.addi %mul3A_391, %add3A_392 : i32
      %get3A_394 = arith.index_cast %add3A_393 : i32 to index
      %get3A_395 = arith.constant 0 : index
      %get3A_396 = tpu.vector_load %arg9[%get3A_394, %get3A_395] {strides = array<i32>} : memref<256x32xf32, #tpu.memory_space<vmem>>, vector<16xf32>,
      %get3A_397 = arith.index_cast %add3A_393 : i32 to index
      %get3A_398 = arith.constant 16 : index
      %get3A_399 = tpu.vector_load %arg9[%get3A_397, %get3A_398] {strides = array<i32>} : memref<256x32xf32, #tpu.memory_space<vmem>>, vector<16xf32>,
      %get3A_400 = arith.index_cast %add3A_393 : i32 to index
      %get3A_401 = arith.constant 0 : index
      %get3A_402 = tpu.vector_load %arg10[%get3A_400, %get3A_401] {strides = array<i32>} : memref<256x32xf32, #tpu.memory_space<vmem>>, vector<16xf32>,
      %get3A_403 = arith.index_cast %add3A_393 : i32 to index
      %get3A_404 = arith.constant 16 : index
      %get3A_405 = tpu.vector_load %arg10[%get3A_403, %get3A_404] {strides = array<i32>} : memref<256x32xf32, #tpu.memory_space<vmem>>, vector<16xf32>,
      %mul3A_406 = arith.mulf %get3A_396, %get3A_402 : vector<16xf32>
      %mul3A_407 = arith.mulf %get3A_399, %get3A_405 : vector<16xf32>
      %add3A_408 = arith.addf %mul3A_406, %mul3A_407 : vector<16xf32>
      %reduce_sum3A_409 = arith.constant true
      %reduce_sum3A_410 = vector.broadcast %reduce_sum3A_409 : i1 to vector<16xi1>
      %reduce_sum3A_411 = tpu.scan <sum>, %add3A_408 masked %reduce_sum3A_410 : vector<16xf32>, vector<16xi1> -> vector<16xf32>
      %reduce_sum3A_412 = vector.extract %reduce_sum3A_411[15] : f32 from vector<16xf32>
      %eq3A_413 = arith.constant 6 : i32
      %eq3A_414 = vector.broadcast %eq3A_413 : i32 to vector<16xi32>
      %eq3A_415 = arith.cmpi eq, %iota3A, %eq3A_414 : vector<16xi32>
      %broadcast_in_dim3A_416 = vector.broadcast %reduce_sum3A_412 : f32 to vector<16xf32>
      %select_n3A_417 = arith.select %eq3A_415, %broadcast_in_dim3A_416, %select_n3A_389 : vector<16xi1>, vector<16xf32>
      %mul3A_418 = arith.constant 16 : i32
      %mul3A_419 = arith.muli %add3A_224, %mul3A_418 : i32
      %add3A_420 = arith.constant 7 : i32
      %add3A_421 = arith.addi %mul3A_419, %add3A_420 : i32
      %get3A_422 = arith.index_cast %add3A_421 : i32 to index
      %get3A_423 = arith.constant 0 : index
      %get3A_424 = tpu.vector_load %arg9[%get3A_422, %get3A_423] {strides = array<i32>} : memref<256x32xf32, #tpu.memory_space<vmem>>, vector<16xf32>,
      %get3A_425 = arith.index_cast %add3A_421 : i32 to index
      %get3A_426 = arith.constant 16 : index
      %get3A_427 = tpu.vector_load %arg9[%get3A_425, %get3A_426] {strides = array<i32>} : memref<256x32xf32, #tpu.memory_space<vmem>>, vector<16xf32>,
      %get3A_428 = arith.index_cast %add3A_421 : i32 to index
      %get3A_429 = arith.constant 0 : index
      %get3A_430 = tpu.vector_load %arg10[%get3A_428, %get3A_429] {strides = array<i32>} : memref<256x32xf32, #tpu.memory_space<vmem>>, vector<16xf32>,
      %get3A_431 = arith.index_cast %add3A_421 : i32 to index
      %get3A_432 = arith.constant 16 : index
      %get3A_433 = tpu.vector_load %arg10[%get3A_431, %get3A_432] {strides = array<i32>} : memref<256x32xf32, #tpu.memory_space<vmem>>, vector<16xf32>,
      %mul3A_434 = arith.mulf %get3A_424, %get3A_430 : vector<16xf32>
      %mul3A_435 = arith.mulf %get3A_427, %get3A_433 : vector<16xf32>
      %add3A_436 = arith.addf %mul3A_434, %mul3A_435 : vector<16xf32>
      %reduce_sum3A_437 = arith.constant true
      %reduce_sum3A_438 = vector.broadcast %reduce_sum3A_437 : i1 to vector<16xi1>
      %reduce_sum3A_439 = tpu.scan <sum>, %add3A_436 masked %reduce_sum3A_438 : vector<16xf32>, vector<16xi1> -> vector<16xf32>
      %reduce_sum3A_440 = vector.extract %reduce_sum3A_439[15] : f32 from vector<16xf32>
      %eq3A_441 = arith.constant 7 : i32
      %eq3A_442 = vector.broadcast %eq3A_441 : i32 to vector<16xi32>
      %eq3A_443 = arith.cmpi eq, %iota3A, %eq3A_442 : vector<16xi32>
      %broadcast_in_dim3A_444 = vector.broadcast %reduce_sum3A_440 : f32 to vector<16xf32>
      %select_n3A_445 = arith.select %eq3A_443, %broadcast_in_dim3A_444, %select_n3A_417 : vector<16xi1>, vector<16xf32>
      %mul3A_446 = arith.constant 16 : i32
      %mul3A_447 = arith.muli %add3A_224, %mul3A_446 : i32
      %add3A_448 = arith.constant 8 : i32
      %add3A_449 = arith.addi %mul3A_447, %add3A_448 : i32
      %get3A_450 = arith.index_cast %add3A_449 : i32 to index
      %get3A_451 = arith.constant 0 : index
      %get3A_452 = tpu.vector_load %arg9[%get3A_450, %get3A_451] {strides = array<i32>} : memref<256x32xf32, #tpu.memory_space<vmem>>, vector<16xf32>,
      %get3A_453 = arith.index_cast %add3A_449 : i32 to index
      %get3A_454 = arith.constant 16 : index
      %get3A_455 = tpu.vector_load %arg9[%get3A_453, %get3A_454] {strides = array<i32>} : memref<256x32xf32, #tpu.memory_space<vmem>>, vector<16xf32>,
      %get3A_456 = arith.index_cast %add3A_449 : i32 to index
      %get3A_457 = arith.constant 0 : index
      %get3A_458 = tpu.vector_load %arg10[%get3A_456, %get3A_457] {strides = array<i32>} : memref<256x32xf32, #tpu.memory_space<vmem>>, vector<16xf32>,
      %get3A_459 = arith.index_cast %add3A_449 : i32 to index
      %get3A_460 = arith.constant 16 : index
      %get3A_461 = tpu.vector_load %arg10[%get3A_459, %get3A_460] {strides = array<i32>} : memref<256x32xf32, #tpu.memory_space<vmem>>, vector<16xf32>,
      %mul3A_462 = arith.mulf %get3A_452, %get3A_458 : vector<16xf32>
      %mul3A_463 = arith.mulf %get3A_455, %get3A_461 : vector<16xf32>
      %add3A_464 = arith.addf %mul3A_462, %mul3A_463 : vector<16xf32>
      %reduce_sum3A_465 = arith.constant true
      %reduce_sum3A_466 = vector.broadcast %reduce_sum3A_465 : i1 to vector<16xi1>
      %reduce_sum3A_467 = tpu.scan <sum>, %add3A_464 masked %reduce_sum3A_466 : vector<16xf32>, vector<16xi1> -> vector<16xf32>
      %reduce_sum3A_468 = vector.extract %reduce_sum3A_467[15] : f32 from vector<16xf32>
      %eq3A_469 = arith.constant 8 : i32
      %eq3A_470 = vector.broadcast %eq3A_469 : i32 to vector<16xi32>
      %eq3A_471 = arith.cmpi eq, %iota3A, %eq3A_470 : vector<16xi32>
      %broadcast_in_dim3A_472 = vector.broadcast %reduce_sum3A_468 : f32 to vector<16xf32>
      %select_n3A_473 = arith.select %eq3A_471, %broadcast_in_dim3A_472, %select_n3A_445 : vector<16xi1>, vector<16xf32>
      %mul3A_474 = arith.constant 16 : i32
      %mul3A_475 = arith.muli %add3A_224, %mul3A_474 : i32
      %add3A_476 = arith.constant 9 : i32
      %add3A_477 = arith.addi %mul3A_475, %add3A_476 : i32
      %get3A_478 = arith.index_cast %add3A_477 : i32 to index
      %get3A_479 = arith.constant 0 : index
      %get3A_480 = tpu.vector_load %arg9[%get3A_478, %get3A_479] {strides = array<i32>} : memref<256x32xf32, #tpu.memory_space<vmem>>, vector<16xf32>,
      %get3A_481 = arith.index_cast %add3A_477 : i32 to index
      %get3A_482 = arith.constant 16 : index
      %get3A_483 = tpu.vector_load %arg9[%get3A_481, %get3A_482] {strides = array<i32>} : memref<256x32xf32, #tpu.memory_space<vmem>>, vector<16xf32>,
      %get3A_484 = arith.index_cast %add3A_477 : i32 to index
      %get3A_485 = arith.constant 0 : index
      %get3A_486 = tpu.vector_load %arg10[%get3A_484, %get3A_485] {strides = array<i32>} : memref<256x32xf32, #tpu.memory_space<vmem>>, vector<16xf32>,
      %get3A_487 = arith.index_cast %add3A_477 : i32 to index
      %get3A_488 = arith.constant 16 : index
      %get3A_489 = tpu.vector_load %arg10[%get3A_487, %get3A_488] {strides = array<i32>} : memref<256x32xf32, #tpu.memory_space<vmem>>, vector<16xf32>,
      %mul3A_490 = arith.mulf %get3A_480, %get3A_486 : vector<16xf32>
      %mul3A_491 = arith.mulf %get3A_483, %get3A_489 : vector<16xf32>
      %add3A_492 = arith.addf %mul3A_490, %mul3A_491 : vector<16xf32>
      %reduce_sum3A_493 = arith.constant true
      %reduce_sum3A_494 = vector.broadcast %reduce_sum3A_493 : i1 to vector<16xi1>
      %reduce_sum3A_495 = tpu.scan <sum>, %add3A_492 masked %reduce_sum3A_494 : vector<16xf32>, vector<16xi1> -> vector<16xf32>
      %reduce_sum3A_496 = vector.extract %reduce_sum3A_495[15] : f32 from vector<16xf32>
      %eq3A_497 = arith.constant 9 : i32
      %eq3A_498 = vector.broadcast %eq3A_497 : i32 to vector<16xi32>
      %eq3A_499 = arith.cmpi eq, %iota3A, %eq3A_498 : vector<16xi32>
      %broadcast_in_dim3A_500 = vector.broadcast %reduce_sum3A_496 : f32 to vector<16xf32>
      %select_n3A_501 = arith.select %eq3A_499, %broadcast_in_dim3A_500, %select_n3A_473 : vector<16xi1>, vector<16xf32>
      %mul3A_502 = arith.constant 16 : i32
      %mul3A_503 = arith.muli %add3A_224, %mul3A_502 : i32
      %add3A_504 = arith.constant 10 : i32
      %add3A_505 = arith.addi %mul3A_503, %add3A_504 : i32
      %get3A_506 = arith.index_cast %add3A_505 : i32 to index
      %get3A_507 = arith.constant 0 : index
      %get3A_508 = tpu.vector_load %arg9[%get3A_506, %get3A_507] {strides = array<i32>} : memref<256x32xf32, #tpu.memory_space<vmem>>, vector<16xf32>,
      %get3A_509 = arith.index_cast %add3A_505 : i32 to index
      %get3A_510 = arith.constant 16 : index
      %get3A_511 = tpu.vector_load %arg9[%get3A_509, %get3A_510] {strides = array<i32>} : memref<256x32xf32, #tpu.memory_space<vmem>>, vector<16xf32>,
      %get3A_512 = arith.index_cast %add3A_505 : i32 to index
      %get3A_513 = arith.constant 0 : index
      %get3A_514 = tpu.vector_load %arg10[%get3A_512, %get3A_513] {strides = array<i32>} : memref<256x32xf32, #tpu.memory_space<vmem>>, vector<16xf32>,
      %get3A_515 = arith.index_cast %add3A_505 : i32 to index
      %get3A_516 = arith.constant 16 : index
      %get3A_517 = tpu.vector_load %arg10[%get3A_515, %get3A_516] {strides = array<i32>} : memref<256x32xf32, #tpu.memory_space<vmem>>, vector<16xf32>,
      %mul3A_518 = arith.mulf %get3A_508, %get3A_514 : vector<16xf32>
      %mul3A_519 = arith.mulf %get3A_511, %get3A_517 : vector<16xf32>
      %add3A_520 = arith.addf %mul3A_518, %mul3A_519 : vector<16xf32>
      %reduce_sum3A_521 = arith.constant true
      %reduce_sum3A_522 = vector.broadcast %reduce_sum3A_521 : i1 to vector<16xi1>
      %reduce_sum3A_523 = tpu.scan <sum>, %add3A_520 masked %reduce_sum3A_522 : vector<16xf32>, vector<16xi1> -> vector<16xf32>
      %reduce_sum3A_524 = vector.extract %reduce_sum3A_523[15] : f32 from vector<16xf32>
      %eq3A_525 = arith.constant 10 : i32
      %eq3A_526 = vector.broadcast %eq3A_525 : i32 to vector<16xi32>
      %eq3A_527 = arith.cmpi eq, %iota3A, %eq3A_526 : vector<16xi32>
      %broadcast_in_dim3A_528 = vector.broadcast %reduce_sum3A_524 : f32 to vector<16xf32>
      %select_n3A_529 = arith.select %eq3A_527, %broadcast_in_dim3A_528, %select_n3A_501 : vector<16xi1>, vector<16xf32>
      %mul3A_530 = arith.constant 16 : i32
      %mul3A_531 = arith.muli %add3A_224, %mul3A_530 : i32
      %add3A_532 = arith.constant 11 : i32
      %add3A_533 = arith.addi %mul3A_531, %add3A_532 : i32
      %get3A_534 = arith.index_cast %add3A_533 : i32 to index
      %get3A_535 = arith.constant 0 : index
      %get3A_536 = tpu.vector_load %arg9[%get3A_534, %get3A_535] {strides = array<i32>} : memref<256x32xf32, #tpu.memory_space<vmem>>, vector<16xf32>,
      %get3A_537 = arith.index_cast %add3A_533 : i32 to index
      %get3A_538 = arith.constant 16 : index
      %get3A_539 = tpu.vector_load %arg9[%get3A_537, %get3A_538] {strides = array<i32>} : memref<256x32xf32, #tpu.memory_space<vmem>>, vector<16xf32>,
      %get3A_540 = arith.index_cast %add3A_533 : i32 to index
      %get3A_541 = arith.constant 0 : index
      %get3A_542 = tpu.vector_load %arg10[%get3A_540, %get3A_541] {strides = array<i32>} : memref<256x32xf32, #tpu.memory_space<vmem>>, vector<16xf32>,
      %get3A_543 = arith.index_cast %add3A_533 : i32 to index
      %get3A_544 = arith.constant 16 : index
      %get3A_545 = tpu.vector_load %arg10[%get3A_543, %get3A_544] {strides = array<i32>} : memref<256x32xf32, #tpu.memory_space<vmem>>, vector<16xf32>,
      %mul3A_546 = arith.mulf %get3A_536, %get3A_542 : vector<16xf32>
      %mul3A_547 = arith.mulf %get3A_539, %get3A_545 : vector<16xf32>
      %add3A_548 = arith.addf %mul3A_546, %mul3A_547 : vector<16xf32>
      %reduce_sum3A_549 = arith.constant true
      %reduce_sum3A_550 = vector.broadcast %reduce_sum3A_549 : i1 to vector<16xi1>
      %reduce_sum3A_551 = tpu.scan <sum>, %add3A_548 masked %reduce_sum3A_550 : vector<16xf32>, vector<16xi1> -> vector<16xf32>
      %reduce_sum3A_552 = vector.extract %reduce_sum3A_551[15] : f32 from vector<16xf32>
      %eq3A_553 = arith.constant 11 : i32
      %eq3A_554 = vector.broadcast %eq3A_553 : i32 to vector<16xi32>
      %eq3A_555 = arith.cmpi eq, %iota3A, %eq3A_554 : vector<16xi32>
      %broadcast_in_dim3A_556 = vector.broadcast %reduce_sum3A_552 : f32 to vector<16xf32>
      %select_n3A_557 = arith.select %eq3A_555, %broadcast_in_dim3A_556, %select_n3A_529 : vector<16xi1>, vector<16xf32>
      %mul3A_558 = arith.constant 16 : i32
      %mul3A_559 = arith.muli %add3A_224, %mul3A_558 : i32
      %add3A_560 = arith.constant 12 : i32
      %add3A_561 = arith.addi %mul3A_559, %add3A_560 : i32
      %get3A_562 = arith.index_cast %add3A_561 : i32 to index
      %get3A_563 = arith.constant 0 : index
      %get3A_564 = tpu.vector_load %arg9[%get3A_562, %get3A_563] {strides = array<i32>} : memref<256x32xf32, #tpu.memory_space<vmem>>, vector<16xf32>,
      %get3A_565 = arith.index_cast %add3A_561 : i32 to index
      %get3A_566 = arith.constant 16 : index
      %get3A_567 = tpu.vector_load %arg9[%get3A_565, %get3A_566] {strides = array<i32>} : memref<256x32xf32, #tpu.memory_space<vmem>>, vector<16xf32>,
      %get3A_568 = arith.index_cast %add3A_561 : i32 to index
      %get3A_569 = arith.constant 0 : index
      %get3A_570 = tpu.vector_load %arg10[%get3A_568, %get3A_569] {strides = array<i32>} : memref<256x32xf32, #tpu.memory_space<vmem>>, vector<16xf32>,
      %get3A_571 = arith.index_cast %add3A_561 : i32 to index
      %get3A_572 = arith.constant 16 : index
      %get3A_573 = tpu.vector_load %arg10[%get3A_571, %get3A_572] {strides = array<i32>} : memref<256x32xf32, #tpu.memory_space<vmem>>, vector<16xf32>,
      %mul3A_574 = arith.mulf %get3A_564, %get3A_570 : vector<16xf32>
      %mul3A_575 = arith.mulf %get3A_567, %get3A_573 : vector<16xf32>
      %add3A_576 = arith.addf %mul3A_574, %mul3A_575 : vector<16xf32>
      %reduce_sum3A_577 = arith.constant true
      %reduce_sum3A_578 = vector.broadcast %reduce_sum3A_577 : i1 to vector<16xi1>
      %reduce_sum3A_579 = tpu.scan <sum>, %add3A_576 masked %reduce_sum3A_578 : vector<16xf32>, vector<16xi1> -> vector<16xf32>
      %reduce_sum3A_580 = vector.extract %reduce_sum3A_579[15] : f32 from vector<16xf32>
      %eq3A_581 = arith.constant 12 : i32
      %eq3A_582 = vector.broadcast %eq3A_581 : i32 to vector<16xi32>
      %eq3A_583 = arith.cmpi eq, %iota3A, %eq3A_582 : vector<16xi32>
      %broadcast_in_dim3A_584 = vector.broadcast %reduce_sum3A_580 : f32 to vector<16xf32>
      %select_n3A_585 = arith.select %eq3A_583, %broadcast_in_dim3A_584, %select_n3A_557 : vector<16xi1>, vector<16xf32>
      %mul3A_586 = arith.constant 16 : i32
      %mul3A_587 = arith.muli %add3A_224, %mul3A_586 : i32
      %add3A_588 = arith.constant 13 : i32
      %add3A_589 = arith.addi %mul3A_587, %add3A_588 : i32
      %get3A_590 = arith.index_cast %add3A_589 : i32 to index
      %get3A_591 = arith.constant 0 : index
      %get3A_592 = tpu.vector_load %arg9[%get3A_590, %get3A_591] {strides = array<i32>} : memref<256x32xf32, #tpu.memory_space<vmem>>, vector<16xf32>,
      %get3A_593 = arith.index_cast %add3A_589 : i32 to index
      %get3A_594 = arith.constant 16 : index
      %get3A_595 = tpu.vector_load %arg9[%get3A_593, %get3A_594] {strides = array<i32>} : memref<256x32xf32, #tpu.memory_space<vmem>>, vector<16xf32>,
      %get3A_596 = arith.index_cast %add3A_589 : i32 to index
      %get3A_597 = arith.constant 0 : index
      %get3A_598 = tpu.vector_load %arg10[%get3A_596, %get3A_597] {strides = array<i32>} : memref<256x32xf32, #tpu.memory_space<vmem>>, vector<16xf32>,
      %get3A_599 = arith.index_cast %add3A_589 : i32 to index
      %get3A_600 = arith.constant 16 : index
      %get3A_601 = tpu.vector_load %arg10[%get3A_599, %get3A_600] {strides = array<i32>} : memref<256x32xf32, #tpu.memory_space<vmem>>, vector<16xf32>,
      %mul3A_602 = arith.mulf %get3A_592, %get3A_598 : vector<16xf32>
      %mul3A_603 = arith.mulf %get3A_595, %get3A_601 : vector<16xf32>
      %add3A_604 = arith.addf %mul3A_602, %mul3A_603 : vector<16xf32>
      %reduce_sum3A_605 = arith.constant true
      %reduce_sum3A_606 = vector.broadcast %reduce_sum3A_605 : i1 to vector<16xi1>
      %reduce_sum3A_607 = tpu.scan <sum>, %add3A_604 masked %reduce_sum3A_606 : vector<16xf32>, vector<16xi1> -> vector<16xf32>
      %reduce_sum3A_608 = vector.extract %reduce_sum3A_607[15] : f32 from vector<16xf32>
      %eq3A_609 = arith.constant 13 : i32
      %eq3A_610 = vector.broadcast %eq3A_609 : i32 to vector<16xi32>
      %eq3A_611 = arith.cmpi eq, %iota3A, %eq3A_610 : vector<16xi32>
      %broadcast_in_dim3A_612 = vector.broadcast %reduce_sum3A_608 : f32 to vector<16xf32>
      %select_n3A_613 = arith.select %eq3A_611, %broadcast_in_dim3A_612, %select_n3A_585 : vector<16xi1>, vector<16xf32>
      %mul3A_614 = arith.constant 16 : i32
      %mul3A_615 = arith.muli %add3A_224, %mul3A_614 : i32
      %add3A_616 = arith.constant 14 : i32
      %add3A_617 = arith.addi %mul3A_615, %add3A_616 : i32
      %get3A_618 = arith.index_cast %add3A_617 : i32 to index
      %get3A_619 = arith.constant 0 : index
      %get3A_620 = tpu.vector_load %arg9[%get3A_618, %get3A_619] {strides = array<i32>} : memref<256x32xf32, #tpu.memory_space<vmem>>, vector<16xf32>,
      %get3A_621 = arith.index_cast %add3A_617 : i32 to index
      %get3A_622 = arith.constant 16 : index
      %get3A_623 = tpu.vector_load %arg9[%get3A_621, %get3A_622] {strides = array<i32>} : memref<256x32xf32, #tpu.memory_space<vmem>>, vector<16xf32>,
      %get3A_624 = arith.index_cast %add3A_617 : i32 to index
      %get3A_625 = arith.constant 0 : index
      %get3A_626 = tpu.vector_load %arg10[%get3A_624, %get3A_625] {strides = array<i32>} : memref<256x32xf32, #tpu.memory_space<vmem>>, vector<16xf32>,
      %get3A_627 = arith.index_cast %add3A_617 : i32 to index
      %get3A_628 = arith.constant 16 : index
      %get3A_629 = tpu.vector_load %arg10[%get3A_627, %get3A_628] {strides = array<i32>} : memref<256x32xf32, #tpu.memory_space<vmem>>, vector<16xf32>,
      %mul3A_630 = arith.mulf %get3A_620, %get3A_626 : vector<16xf32>
      %mul3A_631 = arith.mulf %get3A_623, %get3A_629 : vector<16xf32>
      %add3A_632 = arith.addf %mul3A_630, %mul3A_631 : vector<16xf32>
      %reduce_sum3A_633 = arith.constant true
      %reduce_sum3A_634 = vector.broadcast %reduce_sum3A_633 : i1 to vector<16xi1>
      %reduce_sum3A_635 = tpu.scan <sum>, %add3A_632 masked %reduce_sum3A_634 : vector<16xf32>, vector<16xi1> -> vector<16xf32>
      %reduce_sum3A_636 = vector.extract %reduce_sum3A_635[15] : f32 from vector<16xf32>
      %eq3A_637 = arith.constant 14 : i32
      %eq3A_638 = vector.broadcast %eq3A_637 : i32 to vector<16xi32>
      %eq3A_639 = arith.cmpi eq, %iota3A, %eq3A_638 : vector<16xi32>
      %broadcast_in_dim3A_640 = vector.broadcast %reduce_sum3A_636 : f32 to vector<16xf32>
      %select_n3A_641 = arith.select %eq3A_639, %broadcast_in_dim3A_640, %select_n3A_613 : vector<16xi1>, vector<16xf32>
      %mul3A_642 = arith.constant 16 : i32
      %mul3A_643 = arith.muli %add3A_224, %mul3A_642 : i32
      %add3A_644 = arith.constant 15 : i32
      %add3A_645 = arith.addi %mul3A_643, %add3A_644 : i32
      %get3A_646 = arith.index_cast %add3A_645 : i32 to index
      %get3A_647 = arith.constant 0 : index
      %get3A_648 = tpu.vector_load %arg9[%get3A_646, %get3A_647] {strides = array<i32>} : memref<256x32xf32, #tpu.memory_space<vmem>>, vector<16xf32>,
      %get3A_649 = arith.index_cast %add3A_645 : i32 to index
      %get3A_650 = arith.constant 16 : index
      %get3A_651 = tpu.vector_load %arg9[%get3A_649, %get3A_650] {strides = array<i32>} : memref<256x32xf32, #tpu.memory_space<vmem>>, vector<16xf32>,
      %get3A_652 = arith.index_cast %add3A_645 : i32 to index
      %get3A_653 = arith.constant 0 : index
      %get3A_654 = tpu.vector_load %arg10[%get3A_652, %get3A_653] {strides = array<i32>} : memref<256x32xf32, #tpu.memory_space<vmem>>, vector<16xf32>,
      %get3A_655 = arith.index_cast %add3A_645 : i32 to index
      %get3A_656 = arith.constant 16 : index
      %get3A_657 = tpu.vector_load %arg10[%get3A_655, %get3A_656] {strides = array<i32>} : memref<256x32xf32, #tpu.memory_space<vmem>>, vector<16xf32>,
      %mul3A_658 = arith.mulf %get3A_648, %get3A_654 : vector<16xf32>
      %mul3A_659 = arith.mulf %get3A_651, %get3A_657 : vector<16xf32>
      %add3A_660 = arith.addf %mul3A_658, %mul3A_659 : vector<16xf32>
      %reduce_sum3A_661 = arith.constant true
      %reduce_sum3A_662 = vector.broadcast %reduce_sum3A_661 : i1 to vector<16xi1>
      %reduce_sum3A_663 = tpu.scan <sum>, %add3A_660 masked %reduce_sum3A_662 : vector<16xf32>, vector<16xi1> -> vector<16xf32>
      %reduce_sum3A_664 = vector.extract %reduce_sum3A_663[15] : f32 from vector<16xf32>
      %eq3A_665 = arith.constant 15 : i32
      %eq3A_666 = vector.broadcast %eq3A_665 : i32 to vector<16xi32>
      %eq3A_667 = arith.cmpi eq, %iota3A, %eq3A_666 : vector<16xi32>
      %broadcast_in_dim3A_668 = vector.broadcast %reduce_sum3A_664 : f32 to vector<16xf32>
      %select_n3A_669 = arith.select %eq3A_667, %broadcast_in_dim3A_668, %select_n3A_641 : vector<16xi1>, vector<16xf32>
      %mul3A_670 = arith.constant 16 : i32
      %mul3A_671 = arith.muli %add3A_224, %mul3A_670 : i32
      %add3A_672 = arith.constant 0 : i32
      %add3A_673 = arith.addi %add3A_672, %mul3A_671 : i32
      %swap3A = arith.index_cast %add3A_673 : i32 to index
      %swap3A_674 = tpu.vector_load %arg11[%swap3A] {strides = array<i32>} : memref<512xf32, #tpu.memory_space<vmem>>, vector<16xf32>,
      tpu.vector_store %arg11[%swap3A], %select_n3A_669 {strides = array<i32>} : memref<512xf32, #tpu.memory_space<vmem>>, vector<16xf32>,
    }
    %scan3A_113 = arith.constant 16 : i32
    %scan3A_114 = arith.constant 0 : i32
    %scan3A_115 = arith.constant 16 : i32
    %scan3A_116 = arith.addi %scan3A_114, %scan3A_115 : i32
    %scan3A_117 = arith.constant 1 : i32
    scf.for %scan3A_220 = %scan3A_114 to %scan3A_116 step %scan3A_117  : i32 {
      %mul3A_221 = arith.constant 1 : i32
      %mul3A_222 = arith.muli %scan3A_220, %mul3A_221 : i32
      %add3A_223 = arith.constant 0 : i32
      %add3A_224 = arith.addi %add3A_223, %mul3A_222 : i32
      %mul3A_225 = arith.constant 16 : i32
      %mul3A_226 = arith.muli %add3A_224, %mul3A_225 : i32
      %add3A_227 = arith.constant 256 : i32
      %add3A_228 = arith.addi %add3A_227, %mul3A_226 : i32
      %get3A = arith.index_cast %add3A_228 : i32 to index
      %get3A_229 = tpu.vector_load %arg7[%get3A] {strides = array<i32>} : memref<512xi32, #tpu.memory_space<vmem>>, vector<16xi32>,
      %get3A_230 = arith.index_cast %add3A_228 : i32 to index
      %get3A_231 = tpu.vector_load %arg8[%get3A_230] {strides = array<i32>} : memref<512xi32, #tpu.memory_space<vmem>>, vector<16xi32>,
      %mul3A_232 = arith.constant 16 : i32
      %mul3A_233 = arith.muli %add3A_224, %mul3A_232 : i32
      %add3A_234 = arith.constant 0 : i32
      %add3A_235 = arith.addi %mul3A_233, %add3A_234 : i32
      %slice3A = vector.extract_strided_slice %get3A_229 {offsets = [0], sizes = [1], strides = [1]} : vector<16xi32> to vector<1xi32>
      %squeeze3A = vector.extract %slice3A[0] : i32 from vector<1xi32>
      %dma_start3A_236 = arith.constant 0 : i32
      %dma_start3A_237 = tpu.memref_slice %arg9[%add3A_235, %dma_start3A_236] : memref<256x32xf32, #tpu.memory_space<vmem>> -> memref<1x32xf32, #tpu.memory_space<vmem>>
      %dma_start3A_238 = arith.constant 0 : i32
      %dma_start3A_239 = tpu.memref_slice %arg4[%squeeze3A, %dma_start3A_238] : memref<1000000x32xf32, #tpu.memory_space<hbm>> -> memref<1x32xf32, #tpu.memory_space<hbm>>
      %dma_start3A_240 = arith.constant 0 : i32
      %dma_start3A_241 = tpu.memref_slice %arg9[%add3A_235, %dma_start3A_240] : memref<256x32xf32, #tpu.memory_space<vmem>> -> memref<1x32xf32, #tpu.memory_space<vmem>>
      %dma_start3A_242 = arith.constant 0 : i32
      %dma_start3A_243 = tpu.memref_slice %arg4[%squeeze3A, %dma_start3A_242] : memref<1000000x32xf32, #tpu.memory_space<hbm>> -> memref<1x32xf32, #tpu.memory_space<hbm>>
      tpu.enqueue_dma source(%dma_start3A_243 : memref<1x32xf32, #tpu.memory_space<hbm>>) target(%dma_start3A_241 : memref<1x32xf32, #tpu.memory_space<vmem>>) target_semaphore(%arg13 : memref<!tpu.dma_semaphore, #tpu.memory_space<semaphore_mem>>)
      %slice3A_244 = vector.extract_strided_slice %get3A_231 {offsets = [0], sizes = [1], strides = [1]} : vector<16xi32> to vector<1xi32>
      %squeeze3A_245 = vector.extract %slice3A_244[0] : i32 from vector<1xi32>
      %dma_start3A_246 = arith.constant 0 : i32
      %dma_start3A_247 = tpu.memref_slice %arg10[%add3A_235, %dma_start3A_246] : memref<256x32xf32, #tpu.memory_space<vmem>> -> memref<1x32xf32, #tpu.memory_space<vmem>>
      %dma_start3A_248 = arith.constant 0 : i32
      %dma_start3A_249 = tpu.memref_slice %arg5[%squeeze3A_245, %dma_start3A_248] : memref<1000000x32xf32, #tpu.memory_space<hbm>> -> memref<1x32xf32, #tpu.memory_space<hbm>>
      %dma_start3A_250 = arith.constant 0 : i32
      %dma_start3A_251 = tpu.memref_slice %arg10[%add3A_235, %dma_start3A_250] : memref<256x32xf32, #tpu.memory_space<vmem>> -> memref<1x32xf32, #tpu.memory_space<vmem>>
      %dma_start3A_252 = arith.constant 0 : i32
      %dma_start3A_253 = tpu.memref_slice %arg5[%squeeze3A_245, %dma_start3A_252] : memref<1000000x32xf32, #tpu.memory_space<hbm>> -> memref<1x32xf32, #tpu.memory_space<hbm>>
      tpu.enqueue_dma source(%dma_start3A_253 : memref<1x32xf32, #tpu.memory_space<hbm>>) target(%dma_start3A_251 : memref<1x32xf32, #tpu.memory_space<vmem>>) target_semaphore(%arg14 : memref<!tpu.dma_semaphore, #tpu.memory_space<semaphore_mem>>)
      %mul3A_254 = arith.constant 16 : i32
      %mul3A_255 = arith.muli %add3A_224, %mul3A_254 : i32
      %add3A_256 = arith.constant 1 : i32
      %add3A_257 = arith.addi %mul3A_255, %add3A_256 : i32
      %slice3A_258 = vector.extract_strided_slice %get3A_229 {offsets = [1], sizes = [1], strides = [1]} : vector<16xi32> to vector<1xi32>
      %squeeze3A_259 = vector.extract %slice3A_258[0] : i32 from vector<1xi32>
      %dma_start3A_260 = arith.constant 0 : i32
      %dma_start3A_261 = tpu.memref_slice %arg9[%add3A_257, %dma_start3A_260] : memref<256x32xf32, #tpu.memory_space<vmem>> -> memref<1x32xf32, #tpu.memory_space<vmem>>
      %dma_start3A_262 = arith.constant 0 : i32
      %dma_start3A_263 = tpu.memref_slice %arg4[%squeeze3A_259, %dma_start3A_262] : memref<1000000x32xf32, #tpu.memory_space<hbm>> -> memref<1x32xf32, #tpu.memory_space<hbm>>
      %dma_start3A_264 = arith.constant 0 : i32
      %dma_start3A_265 = tpu.memref_slice %arg9[%add3A_257, %dma_start3A_264] : memref<256x32xf32, #tpu.memory_space<vmem>> -> memref<1x32xf32, #tpu.memory_space<vmem>>
      %dma_start3A_266 = arith.constant 0 : i32
      %dma_start3A_267 = tpu.memref_slice %arg4[%squeeze3A_259, %dma_start3A_266] : memref<1000000x32xf32, #tpu.memory_space<hbm>> -> memref<1x32xf32, #tpu.memory_space<hbm>>
      tpu.enqueue_dma source(%dma_start3A_267 : memref<1x32xf32, #tpu.memory_space<hbm>>) target(%dma_start3A_265 : memref<1x32xf32, #tpu.memory_space<vmem>>) target_semaphore(%arg15 : memref<!tpu.dma_semaphore, #tpu.memory_space<semaphore_mem>>)
      %slice3A_268 = vector.extract_strided_slice %get3A_231 {offsets = [1], sizes = [1], strides = [1]} : vector<16xi32> to vector<1xi32>
      %squeeze3A_269 = vector.extract %slice3A_268[0] : i32 from vector<1xi32>
      %dma_start3A_270 = arith.constant 0 : i32
      %dma_start3A_271 = tpu.memref_slice %arg10[%add3A_257, %dma_start3A_270] : memref<256x32xf32, #tpu.memory_space<vmem>> -> memref<1x32xf32, #tpu.memory_space<vmem>>
      %dma_start3A_272 = arith.constant 0 : i32
      %dma_start3A_273 = tpu.memref_slice %arg5[%squeeze3A_269, %dma_start3A_272] : memref<1000000x32xf32, #tpu.memory_space<hbm>> -> memref<1x32xf32, #tpu.memory_space<hbm>>
      %dma_start3A_274 = arith.constant 0 : i32
      %dma_start3A_275 = tpu.memref_slice %arg10[%add3A_257, %dma_start3A_274] : memref<256x32xf32, #tpu.memory_space<vmem>> -> memref<1x32xf32, #tpu.memory_space<vmem>>
      %dma_start3A_276 = arith.constant 0 : i32
      %dma_start3A_277 = tpu.memref_slice %arg5[%squeeze3A_269, %dma_start3A_276] : memref<1000000x32xf32, #tpu.memory_space<hbm>> -> memref<1x32xf32, #tpu.memory_space<hbm>>
      tpu.enqueue_dma source(%dma_start3A_277 : memref<1x32xf32, #tpu.memory_space<hbm>>) target(%dma_start3A_275 : memref<1x32xf32, #tpu.memory_space<vmem>>) target_semaphore(%arg16 : memref<!tpu.dma_semaphore, #tpu.memory_space<semaphore_mem>>)
      %mul3A_278 = arith.constant 16 : i32
      %mul3A_279 = arith.muli %add3A_224, %mul3A_278 : i32
      %add3A_280 = arith.constant 2 : i32
      %add3A_281 = arith.addi %mul3A_279, %add3A_280 : i32
      %slice3A_282 = vector.extract_strided_slice %get3A_229 {offsets = [2], sizes = [1], strides = [1]} : vector<16xi32> to vector<1xi32>
      %squeeze3A_283 = vector.extract %slice3A_282[0] : i32 from vector<1xi32>
      %dma_start3A_284 = arith.constant 0 : i32
      %dma_start3A_285 = tpu.memref_slice %arg9[%add3A_281, %dma_start3A_284] : memref<256x32xf32, #tpu.memory_space<vmem>> -> memref<1x32xf32, #tpu.memory_space<vmem>>
      %dma_start3A_286 = arith.constant 0 : i32
      %dma_start3A_287 = tpu.memref_slice %arg4[%squeeze3A_283, %dma_start3A_286] : memref<1000000x32xf32, #tpu.memory_space<hbm>> -> memref<1x32xf32, #tpu.memory_space<hbm>>
      %dma_start3A_288 = arith.constant 0 : i32
      %dma_start3A_289 = tpu.memref_slice %arg9[%add3A_281, %dma_start3A_288] : memref<256x32xf32, #tpu.memory_space<vmem>> -> memref<1x32xf32, #tpu.memory_space<vmem>>
      %dma_start3A_290 = arith.constant 0 : i32
      %dma_start3A_291 = tpu.memref_slice %arg4[%squeeze3A_283, %dma_start3A_290] : memref<1000000x32xf32, #tpu.memory_space<hbm>> -> memref<1x32xf32, #tpu.memory_space<hbm>>
      tpu.enqueue_dma source(%dma_start3A_291 : memref<1x32xf32, #tpu.memory_space<hbm>>) target(%dma_start3A_289 : memref<1x32xf32, #tpu.memory_space<vmem>>) target_semaphore(%arg17 : memref<!tpu.dma_semaphore, #tpu.memory_space<semaphore_mem>>)
      %slice3A_292 = vector.extract_strided_slice %get3A_231 {offsets = [2], sizes = [1], strides = [1]} : vector<16xi32> to vector<1xi32>
      %squeeze3A_293 = vector.extract %slice3A_292[0] : i32 from vector<1xi32>
      %dma_start3A_294 = arith.constant 0 : i32
      %dma_start3A_295 = tpu.memref_slice %arg10[%add3A_281, %dma_start3A_294] : memref<256x32xf32, #tpu.memory_space<vmem>> -> memref<1x32xf32, #tpu.memory_space<vmem>>
      %dma_start3A_296 = arith.constant 0 : i32
      %dma_start3A_297 = tpu.memref_slice %arg5[%squeeze3A_293, %dma_start3A_296] : memref<1000000x32xf32, #tpu.memory_space<hbm>> -> memref<1x32xf32, #tpu.memory_space<hbm>>
      %dma_start3A_298 = arith.constant 0 : i32
      %dma_start3A_299 = tpu.memref_slice %arg10[%add3A_281, %dma_start3A_298] : memref<256x32xf32, #tpu.memory_space<vmem>> -> memref<1x32xf32, #tpu.memory_space<vmem>>
      %dma_start3A_300 = arith.constant 0 : i32
      %dma_start3A_301 = tpu.memref_slice %arg5[%squeeze3A_293, %dma_start3A_300] : memref<1000000x32xf32, #tpu.memory_space<hbm>> -> memref<1x32xf32, #tpu.memory_space<hbm>>
      tpu.enqueue_dma source(%dma_start3A_301 : memref<1x32xf32, #tpu.memory_space<hbm>>) target(%dma_start3A_299 : memref<1x32xf32, #tpu.memory_space<vmem>>) target_semaphore(%arg18 : memref<!tpu.dma_semaphore, #tpu.memory_space<semaphore_mem>>)
      %mul3A_302 = arith.constant 16 : i32
      %mul3A_303 = arith.muli %add3A_224, %mul3A_302 : i32
      %add3A_304 = arith.constant 3 : i32
      %add3A_305 = arith.addi %mul3A_303, %add3A_304 : i32
      %slice3A_306 = vector.extract_strided_slice %get3A_229 {offsets = [3], sizes = [1], strides = [1]} : vector<16xi32> to vector<1xi32>
      %squeeze3A_307 = vector.extract %slice3A_306[0] : i32 from vector<1xi32>
      %dma_start3A_308 = arith.constant 0 : i32
      %dma_start3A_309 = tpu.memref_slice %arg9[%add3A_305, %dma_start3A_308] : memref<256x32xf32, #tpu.memory_space<vmem>> -> memref<1x32xf32, #tpu.memory_space<vmem>>
      %dma_start3A_310 = arith.constant 0 : i32
      %dma_start3A_311 = tpu.memref_slice %arg4[%squeeze3A_307, %dma_start3A_310] : memref<1000000x32xf32, #tpu.memory_space<hbm>> -> memref<1x32xf32, #tpu.memory_space<hbm>>
      %dma_start3A_312 = arith.constant 0 : i32
      %dma_start3A_313 = tpu.memref_slice %arg9[%add3A_305, %dma_start3A_312] : memref<256x32xf32, #tpu.memory_space<vmem>> -> memref<1x32xf32, #tpu.memory_space<vmem>>
      %dma_start3A_314 = arith.constant 0 : i32
      %dma_start3A_315 = tpu.memref_slice %arg4[%squeeze3A_307, %dma_start3A_314] : memref<1000000x32xf32, #tpu.memory_space<hbm>> -> memref<1x32xf32, #tpu.memory_space<hbm>>
      tpu.enqueue_dma source(%dma_start3A_315 : memref<1x32xf32, #tpu.memory_space<hbm>>) target(%dma_start3A_313 : memref<1x32xf32, #tpu.memory_space<vmem>>) target_semaphore(%arg19 : memref<!tpu.dma_semaphore, #tpu.memory_space<semaphore_mem>>)
      %slice3A_316 = vector.extract_strided_slice %get3A_231 {offsets = [3], sizes = [1], strides = [1]} : vector<16xi32> to vector<1xi32>
      %squeeze3A_317 = vector.extract %slice3A_316[0] : i32 from vector<1xi32>
      %dma_start3A_318 = arith.constant 0 : i32
      %dma_start3A_319 = tpu.memref_slice %arg10[%add3A_305, %dma_start3A_318] : memref<256x32xf32, #tpu.memory_space<vmem>> -> memref<1x32xf32, #tpu.memory_space<vmem>>
      %dma_start3A_320 = arith.constant 0 : i32
      %dma_start3A_321 = tpu.memref_slice %arg5[%squeeze3A_317, %dma_start3A_320] : memref<1000000x32xf32, #tpu.memory_space<hbm>> -> memref<1x32xf32, #tpu.memory_space<hbm>>
      %dma_start3A_322 = arith.constant 0 : i32
      %dma_start3A_323 = tpu.memref_slice %arg10[%add3A_305, %dma_start3A_322] : memref<256x32xf32, #tpu.memory_space<vmem>> -> memref<1x32xf32, #tpu.memory_space<vmem>>
      %dma_start3A_324 = arith.constant 0 : i32
      %dma_start3A_325 = tpu.memref_slice %arg5[%squeeze3A_317, %dma_start3A_324] : memref<1000000x32xf32, #tpu.memory_space<hbm>> -> memref<1x32xf32, #tpu.memory_space<hbm>>
      tpu.enqueue_dma source(%dma_start3A_325 : memref<1x32xf32, #tpu.memory_space<hbm>>) target(%dma_start3A_323 : memref<1x32xf32, #tpu.memory_space<vmem>>) target_semaphore(%arg20 : memref<!tpu.dma_semaphore, #tpu.memory_space<semaphore_mem>>)
      %mul3A_326 = arith.constant 16 : i32
      %mul3A_327 = arith.muli %add3A_224, %mul3A_326 : i32
      %add3A_328 = arith.constant 4 : i32
      %add3A_329 = arith.addi %mul3A_327, %add3A_328 : i32
      %slice3A_330 = vector.extract_strided_slice %get3A_229 {offsets = [4], sizes = [1], strides = [1]} : vector<16xi32> to vector<1xi32>
      %squeeze3A_331 = vector.extract %slice3A_330[0] : i32 from vector<1xi32>
      %dma_start3A_332 = arith.constant 0 : i32
      %dma_start3A_333 = tpu.memref_slice %arg9[%add3A_329, %dma_start3A_332] : memref<256x32xf32, #tpu.memory_space<vmem>> -> memref<1x32xf32, #tpu.memory_space<vmem>>
      %dma_start3A_334 = arith.constant 0 : i32
      %dma_start3A_335 = tpu.memref_slice %arg4[%squeeze3A_331, %dma_start3A_334] : memref<1000000x32xf32, #tpu.memory_space<hbm>> -> memref<1x32xf32, #tpu.memory_space<hbm>>
      %dma_start3A_336 = arith.constant 0 : i32
      %dma_start3A_337 = tpu.memref_slice %arg9[%add3A_329, %dma_start3A_336] : memref<256x32xf32, #tpu.memory_space<vmem>> -> memref<1x32xf32, #tpu.memory_space<vmem>>
      %dma_start3A_338 = arith.constant 0 : i32
      %dma_start3A_339 = tpu.memref_slice %arg4[%squeeze3A_331, %dma_start3A_338] : memref<1000000x32xf32, #tpu.memory_space<hbm>> -> memref<1x32xf32, #tpu.memory_space<hbm>>
      tpu.enqueue_dma source(%dma_start3A_339 : memref<1x32xf32, #tpu.memory_space<hbm>>) target(%dma_start3A_337 : memref<1x32xf32, #tpu.memory_space<vmem>>) target_semaphore(%arg13 : memref<!tpu.dma_semaphore, #tpu.memory_space<semaphore_mem>>)
      %slice3A_340 = vector.extract_strided_slice %get3A_231 {offsets = [4], sizes = [1], strides = [1]} : vector<16xi32> to vector<1xi32>
      %squeeze3A_341 = vector.extract %slice3A_340[0] : i32 from vector<1xi32>
      %dma_start3A_342 = arith.constant 0 : i32
      %dma_start3A_343 = tpu.memref_slice %arg10[%add3A_329, %dma_start3A_342] : memref<256x32xf32, #tpu.memory_space<vmem>> -> memref<1x32xf32, #tpu.memory_space<vmem>>
      %dma_start3A_344 = arith.constant 0 : i32
      %dma_start3A_345 = tpu.memref_slice %arg5[%squeeze3A_341, %dma_start3A_344] : memref<1000000x32xf32, #tpu.memory_space<hbm>> -> memref<1x32xf32, #tpu.memory_space<hbm>>
      %dma_start3A_346 = arith.constant 0 : i32
      %dma_start3A_347 = tpu.memref_slice %arg10[%add3A_329, %dma_start3A_346] : memref<256x32xf32, #tpu.memory_space<vmem>> -> memref<1x32xf32, #tpu.memory_space<vmem>>
      %dma_start3A_348 = arith.constant 0 : i32
      %dma_start3A_349 = tpu.memref_slice %arg5[%squeeze3A_341, %dma_start3A_348] : memref<1000000x32xf32, #tpu.memory_space<hbm>> -> memref<1x32xf32, #tpu.memory_space<hbm>>
      tpu.enqueue_dma source(%dma_start3A_349 : memref<1x32xf32, #tpu.memory_space<hbm>>) target(%dma_start3A_347 : memref<1x32xf32, #tpu.memory_space<vmem>>) target_semaphore(%arg14 : memref<!tpu.dma_semaphore, #tpu.memory_space<semaphore_mem>>)
      %mul3A_350 = arith.constant 16 : i32
      %mul3A_351 = arith.muli %add3A_224, %mul3A_350 : i32
      %add3A_352 = arith.constant 5 : i32
      %add3A_353 = arith.addi %mul3A_351, %add3A_352 : i32
      %slice3A_354 = vector.extract_strided_slice %get3A_229 {offsets = [5], sizes = [1], strides = [1]} : vector<16xi32> to vector<1xi32>
      %squeeze3A_355 = vector.extract %slice3A_354[0] : i32 from vector<1xi32>
      %dma_start3A_356 = arith.constant 0 : i32
      %dma_start3A_357 = tpu.memref_slice %arg9[%add3A_353, %dma_start3A_356] : memref<256x32xf32, #tpu.memory_space<vmem>> -> memref<1x32xf32, #tpu.memory_space<vmem>>
      %dma_start3A_358 = arith.constant 0 : i32
      %dma_start3A_359 = tpu.memref_slice %arg4[%squeeze3A_355, %dma_start3A_358] : memref<1000000x32xf32, #tpu.memory_space<hbm>> -> memref<1x32xf32, #tpu.memory_space<hbm>>
      %dma_start3A_360 = arith.constant 0 : i32
      %dma_start3A_361 = tpu.memref_slice %arg9[%add3A_353, %dma_start3A_360] : memref<256x32xf32, #tpu.memory_space<vmem>> -> memref<1x32xf32, #tpu.memory_space<vmem>>
      %dma_start3A_362 = arith.constant 0 : i32
      %dma_start3A_363 = tpu.memref_slice %arg4[%squeeze3A_355, %dma_start3A_362] : memref<1000000x32xf32, #tpu.memory_space<hbm>> -> memref<1x32xf32, #tpu.memory_space<hbm>>
      tpu.enqueue_dma source(%dma_start3A_363 : memref<1x32xf32, #tpu.memory_space<hbm>>) target(%dma_start3A_361 : memref<1x32xf32, #tpu.memory_space<vmem>>) target_semaphore(%arg15 : memref<!tpu.dma_semaphore, #tpu.memory_space<semaphore_mem>>)
      %slice3A_364 = vector.extract_strided_slice %get3A_231 {offsets = [5], sizes = [1], strides = [1]} : vector<16xi32> to vector<1xi32>
      %squeeze3A_365 = vector.extract %slice3A_364[0] : i32 from vector<1xi32>
      %dma_start3A_366 = arith.constant 0 : i32
      %dma_start3A_367 = tpu.memref_slice %arg10[%add3A_353, %dma_start3A_366] : memref<256x32xf32, #tpu.memory_space<vmem>> -> memref<1x32xf32, #tpu.memory_space<vmem>>
      %dma_start3A_368 = arith.constant 0 : i32
      %dma_start3A_369 = tpu.memref_slice %arg5[%squeeze3A_365, %dma_start3A_368] : memref<1000000x32xf32, #tpu.memory_space<hbm>> -> memref<1x32xf32, #tpu.memory_space<hbm>>
      %dma_start3A_370 = arith.constant 0 : i32
      %dma_start3A_371 = tpu.memref_slice %arg10[%add3A_353, %dma_start3A_370] : memref<256x32xf32, #tpu.memory_space<vmem>> -> memref<1x32xf32, #tpu.memory_space<vmem>>
      %dma_start3A_372 = arith.constant 0 : i32
      %dma_start3A_373 = tpu.memref_slice %arg5[%squeeze3A_365, %dma_start3A_372] : memref<1000000x32xf32, #tpu.memory_space<hbm>> -> memref<1x32xf32, #tpu.memory_space<hbm>>
      tpu.enqueue_dma source(%dma_start3A_373 : memref<1x32xf32, #tpu.memory_space<hbm>>) target(%dma_start3A_371 : memref<1x32xf32, #tpu.memory_space<vmem>>) target_semaphore(%arg16 : memref<!tpu.dma_semaphore, #tpu.memory_space<semaphore_mem>>)
      %mul3A_374 = arith.constant 16 : i32
      %mul3A_375 = arith.muli %add3A_224, %mul3A_374 : i32
      %add3A_376 = arith.constant 6 : i32
      %add3A_377 = arith.addi %mul3A_375, %add3A_376 : i32
      %slice3A_378 = vector.extract_strided_slice %get3A_229 {offsets = [6], sizes = [1], strides = [1]} : vector<16xi32> to vector<1xi32>
      %squeeze3A_379 = vector.extract %slice3A_378[0] : i32 from vector<1xi32>
      %dma_start3A_380 = arith.constant 0 : i32
      %dma_start3A_381 = tpu.memref_slice %arg9[%add3A_377, %dma_start3A_380] : memref<256x32xf32, #tpu.memory_space<vmem>> -> memref<1x32xf32, #tpu.memory_space<vmem>>
      %dma_start3A_382 = arith.constant 0 : i32
      %dma_start3A_383 = tpu.memref_slice %arg4[%squeeze3A_379, %dma_start3A_382] : memref<1000000x32xf32, #tpu.memory_space<hbm>> -> memref<1x32xf32, #tpu.memory_space<hbm>>
      %dma_start3A_384 = arith.constant 0 : i32
      %dma_start3A_385 = tpu.memref_slice %arg9[%add3A_377, %dma_start3A_384] : memref<256x32xf32, #tpu.memory_space<vmem>> -> memref<1x32xf32, #tpu.memory_space<vmem>>
      %dma_start3A_386 = arith.constant 0 : i32
      %dma_start3A_387 = tpu.memref_slice %arg4[%squeeze3A_379, %dma_start3A_386] : memref<1000000x32xf32, #tpu.memory_space<hbm>> -> memref<1x32xf32, #tpu.memory_space<hbm>>
      tpu.enqueue_dma source(%dma_start3A_387 : memref<1x32xf32, #tpu.memory_space<hbm>>) target(%dma_start3A_385 : memref<1x32xf32, #tpu.memory_space<vmem>>) target_semaphore(%arg17 : memref<!tpu.dma_semaphore, #tpu.memory_space<semaphore_mem>>)
      %slice3A_388 = vector.extract_strided_slice %get3A_231 {offsets = [6], sizes = [1], strides = [1]} : vector<16xi32> to vector<1xi32>
      %squeeze3A_389 = vector.extract %slice3A_388[0] : i32 from vector<1xi32>
      %dma_start3A_390 = arith.constant 0 : i32
      %dma_start3A_391 = tpu.memref_slice %arg10[%add3A_377, %dma_start3A_390] : memref<256x32xf32, #tpu.memory_space<vmem>> -> memref<1x32xf32, #tpu.memory_space<vmem>>
      %dma_start3A_392 = arith.constant 0 : i32
      %dma_start3A_393 = tpu.memref_slice %arg5[%squeeze3A_389, %dma_start3A_392] : memref<1000000x32xf32, #tpu.memory_space<hbm>> -> memref<1x32xf32, #tpu.memory_space<hbm>>
      %dma_start3A_394 = arith.constant 0 : i32
      %dma_start3A_395 = tpu.memref_slice %arg10[%add3A_377, %dma_start3A_394] : memref<256x32xf32, #tpu.memory_space<vmem>> -> memref<1x32xf32, #tpu.memory_space<vmem>>
      %dma_start3A_396 = arith.constant 0 : i32
      %dma_start3A_397 = tpu.memref_slice %arg5[%squeeze3A_389, %dma_start3A_396] : memref<1000000x32xf32, #tpu.memory_space<hbm>> -> memref<1x32xf32, #tpu.memory_space<hbm>>
      tpu.enqueue_dma source(%dma_start3A_397 : memref<1x32xf32, #tpu.memory_space<hbm>>) target(%dma_start3A_395 : memref<1x32xf32, #tpu.memory_space<vmem>>) target_semaphore(%arg18 : memref<!tpu.dma_semaphore, #tpu.memory_space<semaphore_mem>>)
      %mul3A_398 = arith.constant 16 : i32
      %mul3A_399 = arith.muli %add3A_224, %mul3A_398 : i32
      %add3A_400 = arith.constant 7 : i32
      %add3A_401 = arith.addi %mul3A_399, %add3A_400 : i32
      %slice3A_402 = vector.extract_strided_slice %get3A_229 {offsets = [7], sizes = [1], strides = [1]} : vector<16xi32> to vector<1xi32>
      %squeeze3A_403 = vector.extract %slice3A_402[0] : i32 from vector<1xi32>
      %dma_start3A_404 = arith.constant 0 : i32
      %dma_start3A_405 = tpu.memref_slice %arg9[%add3A_401, %dma_start3A_404] : memref<256x32xf32, #tpu.memory_space<vmem>> -> memref<1x32xf32, #tpu.memory_space<vmem>>
      %dma_start3A_406 = arith.constant 0 : i32
      %dma_start3A_407 = tpu.memref_slice %arg4[%squeeze3A_403, %dma_start3A_406] : memref<1000000x32xf32, #tpu.memory_space<hbm>> -> memref<1x32xf32, #tpu.memory_space<hbm>>
      %dma_start3A_408 = arith.constant 0 : i32
      %dma_start3A_409 = tpu.memref_slice %arg9[%add3A_401, %dma_start3A_408] : memref<256x32xf32, #tpu.memory_space<vmem>> -> memref<1x32xf32, #tpu.memory_space<vmem>>
      %dma_start3A_410 = arith.constant 0 : i32
      %dma_start3A_411 = tpu.memref_slice %arg4[%squeeze3A_403, %dma_start3A_410] : memref<1000000x32xf32, #tpu.memory_space<hbm>> -> memref<1x32xf32, #tpu.memory_space<hbm>>
      tpu.enqueue_dma source(%dma_start3A_411 : memref<1x32xf32, #tpu.memory_space<hbm>>) target(%dma_start3A_409 : memref<1x32xf32, #tpu.memory_space<vmem>>) target_semaphore(%arg19 : memref<!tpu.dma_semaphore, #tpu.memory_space<semaphore_mem>>)
      %slice3A_412 = vector.extract_strided_slice %get3A_231 {offsets = [7], sizes = [1], strides = [1]} : vector<16xi32> to vector<1xi32>
      %squeeze3A_413 = vector.extract %slice3A_412[0] : i32 from vector<1xi32>
      %dma_start3A_414 = arith.constant 0 : i32
      %dma_start3A_415 = tpu.memref_slice %arg10[%add3A_401, %dma_start3A_414] : memref<256x32xf32, #tpu.memory_space<vmem>> -> memref<1x32xf32, #tpu.memory_space<vmem>>
      %dma_start3A_416 = arith.constant 0 : i32
      %dma_start3A_417 = tpu.memref_slice %arg5[%squeeze3A_413, %dma_start3A_416] : memref<1000000x32xf32, #tpu.memory_space<hbm>> -> memref<1x32xf32, #tpu.memory_space<hbm>>
      %dma_start3A_418 = arith.constant 0 : i32
      %dma_start3A_419 = tpu.memref_slice %arg10[%add3A_401, %dma_start3A_418] : memref<256x32xf32, #tpu.memory_space<vmem>> -> memref<1x32xf32, #tpu.memory_space<vmem>>
      %dma_start3A_420 = arith.constant 0 : i32
      %dma_start3A_421 = tpu.memref_slice %arg5[%squeeze3A_413, %dma_start3A_420] : memref<1000000x32xf32, #tpu.memory_space<hbm>> -> memref<1x32xf32, #tpu.memory_space<hbm>>
      tpu.enqueue_dma source(%dma_start3A_421 : memref<1x32xf32, #tpu.memory_space<hbm>>) target(%dma_start3A_419 : memref<1x32xf32, #tpu.memory_space<vmem>>) target_semaphore(%arg20 : memref<!tpu.dma_semaphore, #tpu.memory_space<semaphore_mem>>)
      %mul3A_422 = arith.constant 16 : i32
      %mul3A_423 = arith.muli %add3A_224, %mul3A_422 : i32
      %add3A_424 = arith.constant 8 : i32
      %add3A_425 = arith.addi %mul3A_423, %add3A_424 : i32
      %slice3A_426 = vector.extract_strided_slice %get3A_229 {offsets = [8], sizes = [1], strides = [1]} : vector<16xi32> to vector<1xi32>
      %squeeze3A_427 = vector.extract %slice3A_426[0] : i32 from vector<1xi32>
      %dma_start3A_428 = arith.constant 0 : i32
      %dma_start3A_429 = tpu.memref_slice %arg9[%add3A_425, %dma_start3A_428] : memref<256x32xf32, #tpu.memory_space<vmem>> -> memref<1x32xf32, #tpu.memory_space<vmem>>
      %dma_start3A_430 = arith.constant 0 : i32
      %dma_start3A_431 = tpu.memref_slice %arg4[%squeeze3A_427, %dma_start3A_430] : memref<1000000x32xf32, #tpu.memory_space<hbm>> -> memref<1x32xf32, #tpu.memory_space<hbm>>
      %dma_start3A_432 = arith.constant 0 : i32
      %dma_start3A_433 = tpu.memref_slice %arg9[%add3A_425, %dma_start3A_432] : memref<256x32xf32, #tpu.memory_space<vmem>> -> memref<1x32xf32, #tpu.memory_space<vmem>>
      %dma_start3A_434 = arith.constant 0 : i32
      %dma_start3A_435 = tpu.memref_slice %arg4[%squeeze3A_427, %dma_start3A_434] : memref<1000000x32xf32, #tpu.memory_space<hbm>> -> memref<1x32xf32, #tpu.memory_space<hbm>>
      tpu.enqueue_dma source(%dma_start3A_435 : memref<1x32xf32, #tpu.memory_space<hbm>>) target(%dma_start3A_433 : memref<1x32xf32, #tpu.memory_space<vmem>>) target_semaphore(%arg13 : memref<!tpu.dma_semaphore, #tpu.memory_space<semaphore_mem>>)
      %slice3A_436 = vector.extract_strided_slice %get3A_231 {offsets = [8], sizes = [1], strides = [1]} : vector<16xi32> to vector<1xi32>
      %squeeze3A_437 = vector.extract %slice3A_436[0] : i32 from vector<1xi32>
      %dma_start3A_438 = arith.constant 0 : i32
      %dma_start3A_439 = tpu.memref_slice %arg10[%add3A_425, %dma_start3A_438] : memref<256x32xf32, #tpu.memory_space<vmem>> -> memref<1x32xf32, #tpu.memory_space<vmem>>
      %dma_start3A_440 = arith.constant 0 : i32
      %dma_start3A_441 = tpu.memref_slice %arg5[%squeeze3A_437, %dma_start3A_440] : memref<1000000x32xf32, #tpu.memory_space<hbm>> -> memref<1x32xf32, #tpu.memory_space<hbm>>
      %dma_start3A_442 = arith.constant 0 : i32
      %dma_start3A_443 = tpu.memref_slice %arg10[%add3A_425, %dma_start3A_442] : memref<256x32xf32, #tpu.memory_space<vmem>> -> memref<1x32xf32, #tpu.memory_space<vmem>>
      %dma_start3A_444 = arith.constant 0 : i32
      %dma_start3A_445 = tpu.memref_slice %arg5[%squeeze3A_437, %dma_start3A_444] : memref<1000000x32xf32, #tpu.memory_space<hbm>> -> memref<1x32xf32, #tpu.memory_space<hbm>>
      tpu.enqueue_dma source(%dma_start3A_445 : memref<1x32xf32, #tpu.memory_space<hbm>>) target(%dma_start3A_443 : memref<1x32xf32, #tpu.memory_space<vmem>>) target_semaphore(%arg14 : memref<!tpu.dma_semaphore, #tpu.memory_space<semaphore_mem>>)
      %mul3A_446 = arith.constant 16 : i32
      %mul3A_447 = arith.muli %add3A_224, %mul3A_446 : i32
      %add3A_448 = arith.constant 9 : i32
      %add3A_449 = arith.addi %mul3A_447, %add3A_448 : i32
      %slice3A_450 = vector.extract_strided_slice %get3A_229 {offsets = [9], sizes = [1], strides = [1]} : vector<16xi32> to vector<1xi32>
      %squeeze3A_451 = vector.extract %slice3A_450[0] : i32 from vector<1xi32>
      %dma_start3A_452 = arith.constant 0 : i32
      %dma_start3A_453 = tpu.memref_slice %arg9[%add3A_449, %dma_start3A_452] : memref<256x32xf32, #tpu.memory_space<vmem>> -> memref<1x32xf32, #tpu.memory_space<vmem>>
      %dma_start3A_454 = arith.constant 0 : i32
      %dma_start3A_455 = tpu.memref_slice %arg4[%squeeze3A_451, %dma_start3A_454] : memref<1000000x32xf32, #tpu.memory_space<hbm>> -> memref<1x32xf32, #tpu.memory_space<hbm>>
      %dma_start3A_456 = arith.constant 0 : i32
      %dma_start3A_457 = tpu.memref_slice %arg9[%add3A_449, %dma_start3A_456] : memref<256x32xf32, #tpu.memory_space<vmem>> -> memref<1x32xf32, #tpu.memory_space<vmem>>
      %dma_start3A_458 = arith.constant 0 : i32
      %dma_start3A_459 = tpu.memref_slice %arg4[%squeeze3A_451, %dma_start3A_458] : memref<1000000x32xf32, #tpu.memory_space<hbm>> -> memref<1x32xf32, #tpu.memory_space<hbm>>
      tpu.enqueue_dma source(%dma_start3A_459 : memref<1x32xf32, #tpu.memory_space<hbm>>) target(%dma_start3A_457 : memref<1x32xf32, #tpu.memory_space<vmem>>) target_semaphore(%arg15 : memref<!tpu.dma_semaphore, #tpu.memory_space<semaphore_mem>>)
      %slice3A_460 = vector.extract_strided_slice %get3A_231 {offsets = [9], sizes = [1], strides = [1]} : vector<16xi32> to vector<1xi32>
      %squeeze3A_461 = vector.extract %slice3A_460[0] : i32 from vector<1xi32>
      %dma_start3A_462 = arith.constant 0 : i32
      %dma_start3A_463 = tpu.memref_slice %arg10[%add3A_449, %dma_start3A_462] : memref<256x32xf32, #tpu.memory_space<vmem>> -> memref<1x32xf32, #tpu.memory_space<vmem>>
      %dma_start3A_464 = arith.constant 0 : i32
      %dma_start3A_465 = tpu.memref_slice %arg5[%squeeze3A_461, %dma_start3A_464] : memref<1000000x32xf32, #tpu.memory_space<hbm>> -> memref<1x32xf32, #tpu.memory_space<hbm>>
      %dma_start3A_466 = arith.constant 0 : i32
      %dma_start3A_467 = tpu.memref_slice %arg10[%add3A_449, %dma_start3A_466] : memref<256x32xf32, #tpu.memory_space<vmem>> -> memref<1x32xf32, #tpu.memory_space<vmem>>
      %dma_start3A_468 = arith.constant 0 : i32
      %dma_start3A_469 = tpu.memref_slice %arg5[%squeeze3A_461, %dma_start3A_468] : memref<1000000x32xf32, #tpu.memory_space<hbm>> -> memref<1x32xf32, #tpu.memory_space<hbm>>
      tpu.enqueue_dma source(%dma_start3A_469 : memref<1x32xf32, #tpu.memory_space<hbm>>) target(%dma_start3A_467 : memref<1x32xf32, #tpu.memory_space<vmem>>) target_semaphore(%arg16 : memref<!tpu.dma_semaphore, #tpu.memory_space<semaphore_mem>>)
      %mul3A_470 = arith.constant 16 : i32
      %mul3A_471 = arith.muli %add3A_224, %mul3A_470 : i32
      %add3A_472 = arith.constant 10 : i32
      %add3A_473 = arith.addi %mul3A_471, %add3A_472 : i32
      %slice3A_474 = vector.extract_strided_slice %get3A_229 {offsets = [10], sizes = [1], strides = [1]} : vector<16xi32> to vector<1xi32>
      %squeeze3A_475 = vector.extract %slice3A_474[0] : i32 from vector<1xi32>
      %dma_start3A_476 = arith.constant 0 : i32
      %dma_start3A_477 = tpu.memref_slice %arg9[%add3A_473, %dma_start3A_476] : memref<256x32xf32, #tpu.memory_space<vmem>> -> memref<1x32xf32, #tpu.memory_space<vmem>>
      %dma_start3A_478 = arith.constant 0 : i32
      %dma_start3A_479 = tpu.memref_slice %arg4[%squeeze3A_475, %dma_start3A_478] : memref<1000000x32xf32, #tpu.memory_space<hbm>> -> memref<1x32xf32, #tpu.memory_space<hbm>>
      %dma_start3A_480 = arith.constant 0 : i32
      %dma_start3A_481 = tpu.memref_slice %arg9[%add3A_473, %dma_start3A_480] : memref<256x32xf32, #tpu.memory_space<vmem>> -> memref<1x32xf32, #tpu.memory_space<vmem>>
      %dma_start3A_482 = arith.constant 0 : i32
      %dma_start3A_483 = tpu.memref_slice %arg4[%squeeze3A_475, %dma_start3A_482] : memref<1000000x32xf32, #tpu.memory_space<hbm>> -> memref<1x32xf32, #tpu.memory_space<hbm>>
      tpu.enqueue_dma source(%dma_start3A_483 : memref<1x32xf32, #tpu.memory_space<hbm>>) target(%dma_start3A_481 : memref<1x32xf32, #tpu.memory_space<vmem>>) target_semaphore(%arg17 : memref<!tpu.dma_semaphore, #tpu.memory_space<semaphore_mem>>)
      %slice3A_484 = vector.extract_strided_slice %get3A_231 {offsets = [10], sizes = [1], strides = [1]} : vector<16xi32> to vector<1xi32>
      %squeeze3A_485 = vector.extract %slice3A_484[0] : i32 from vector<1xi32>
      %dma_start3A_486 = arith.constant 0 : i32
      %dma_start3A_487 = tpu.memref_slice %arg10[%add3A_473, %dma_start3A_486] : memref<256x32xf32, #tpu.memory_space<vmem>> -> memref<1x32xf32, #tpu.memory_space<vmem>>
      %dma_start3A_488 = arith.constant 0 : i32
      %dma_start3A_489 = tpu.memref_slice %arg5[%squeeze3A_485, %dma_start3A_488] : memref<1000000x32xf32, #tpu.memory_space<hbm>> -> memref<1x32xf32, #tpu.memory_space<hbm>>
      %dma_start3A_490 = arith.constant 0 : i32
      %dma_start3A_491 = tpu.memref_slice %arg10[%add3A_473, %dma_start3A_490] : memref<256x32xf32, #tpu.memory_space<vmem>> -> memref<1x32xf32, #tpu.memory_space<vmem>>
      %dma_start3A_492 = arith.constant 0 : i32
      %dma_start3A_493 = tpu.memref_slice %arg5[%squeeze3A_485, %dma_start3A_492] : memref<1000000x32xf32, #tpu.memory_space<hbm>> -> memref<1x32xf32, #tpu.memory_space<hbm>>
      tpu.enqueue_dma source(%dma_start3A_493 : memref<1x32xf32, #tpu.memory_space<hbm>>) target(%dma_start3A_491 : memref<1x32xf32, #tpu.memory_space<vmem>>) target_semaphore(%arg18 : memref<!tpu.dma_semaphore, #tpu.memory_space<semaphore_mem>>)
      %mul3A_494 = arith.constant 16 : i32
      %mul3A_495 = arith.muli %add3A_224, %mul3A_494 : i32
      %add3A_496 = arith.constant 11 : i32
      %add3A_497 = arith.addi %mul3A_495, %add3A_496 : i32
      %slice3A_498 = vector.extract_strided_slice %get3A_229 {offsets = [11], sizes = [1], strides = [1]} : vector<16xi32> to vector<1xi32>
      %squeeze3A_499 = vector.extract %slice3A_498[0] : i32 from vector<1xi32>
      %dma_start3A_500 = arith.constant 0 : i32
      %dma_start3A_501 = tpu.memref_slice %arg9[%add3A_497, %dma_start3A_500] : memref<256x32xf32, #tpu.memory_space<vmem>> -> memref<1x32xf32, #tpu.memory_space<vmem>>
      %dma_start3A_502 = arith.constant 0 : i32
      %dma_start3A_503 = tpu.memref_slice %arg4[%squeeze3A_499, %dma_start3A_502] : memref<1000000x32xf32, #tpu.memory_space<hbm>> -> memref<1x32xf32, #tpu.memory_space<hbm>>
      %dma_start3A_504 = arith.constant 0 : i32
      %dma_start3A_505 = tpu.memref_slice %arg9[%add3A_497, %dma_start3A_504] : memref<256x32xf32, #tpu.memory_space<vmem>> -> memref<1x32xf32, #tpu.memory_space<vmem>>
      %dma_start3A_506 = arith.constant 0 : i32
      %dma_start3A_507 = tpu.memref_slice %arg4[%squeeze3A_499, %dma_start3A_506] : memref<1000000x32xf32, #tpu.memory_space<hbm>> -> memref<1x32xf32, #tpu.memory_space<hbm>>
      tpu.enqueue_dma source(%dma_start3A_507 : memref<1x32xf32, #tpu.memory_space<hbm>>) target(%dma_start3A_505 : memref<1x32xf32, #tpu.memory_space<vmem>>) target_semaphore(%arg19 : memref<!tpu.dma_semaphore, #tpu.memory_space<semaphore_mem>>)
      %slice3A_508 = vector.extract_strided_slice %get3A_231 {offsets = [11], sizes = [1], strides = [1]} : vector<16xi32> to vector<1xi32>
      %squeeze3A_509 = vector.extract %slice3A_508[0] : i32 from vector<1xi32>
      %dma_start3A_510 = arith.constant 0 : i32
      %dma_start3A_511 = tpu.memref_slice %arg10[%add3A_497, %dma_start3A_510] : memref<256x32xf32, #tpu.memory_space<vmem>> -> memref<1x32xf32, #tpu.memory_space<vmem>>
      %dma_start3A_512 = arith.constant 0 : i32
      %dma_start3A_513 = tpu.memref_slice %arg5[%squeeze3A_509, %dma_start3A_512] : memref<1000000x32xf32, #tpu.memory_space<hbm>> -> memref<1x32xf32, #tpu.memory_space<hbm>>
      %dma_start3A_514 = arith.constant 0 : i32
      %dma_start3A_515 = tpu.memref_slice %arg10[%add3A_497, %dma_start3A_514] : memref<256x32xf32, #tpu.memory_space<vmem>> -> memref<1x32xf32, #tpu.memory_space<vmem>>
      %dma_start3A_516 = arith.constant 0 : i32
      %dma_start3A_517 = tpu.memref_slice %arg5[%squeeze3A_509, %dma_start3A_516] : memref<1000000x32xf32, #tpu.memory_space<hbm>> -> memref<1x32xf32, #tpu.memory_space<hbm>>
      tpu.enqueue_dma source(%dma_start3A_517 : memref<1x32xf32, #tpu.memory_space<hbm>>) target(%dma_start3A_515 : memref<1x32xf32, #tpu.memory_space<vmem>>) target_semaphore(%arg20 : memref<!tpu.dma_semaphore, #tpu.memory_space<semaphore_mem>>)
      %mul3A_518 = arith.constant 16 : i32
      %mul3A_519 = arith.muli %add3A_224, %mul3A_518 : i32
      %add3A_520 = arith.constant 12 : i32
      %add3A_521 = arith.addi %mul3A_519, %add3A_520 : i32
      %slice3A_522 = vector.extract_strided_slice %get3A_229 {offsets = [12], sizes = [1], strides = [1]} : vector<16xi32> to vector<1xi32>
      %squeeze3A_523 = vector.extract %slice3A_522[0] : i32 from vector<1xi32>
      %dma_start3A_524 = arith.constant 0 : i32
      %dma_start3A_525 = tpu.memref_slice %arg9[%add3A_521, %dma_start3A_524] : memref<256x32xf32, #tpu.memory_space<vmem>> -> memref<1x32xf32, #tpu.memory_space<vmem>>
      %dma_start3A_526 = arith.constant 0 : i32
      %dma_start3A_527 = tpu.memref_slice %arg4[%squeeze3A_523, %dma_start3A_526] : memref<1000000x32xf32, #tpu.memory_space<hbm>> -> memref<1x32xf32, #tpu.memory_space<hbm>>
      %dma_start3A_528 = arith.constant 0 : i32
      %dma_start3A_529 = tpu.memref_slice %arg9[%add3A_521, %dma_start3A_528] : memref<256x32xf32, #tpu.memory_space<vmem>> -> memref<1x32xf32, #tpu.memory_space<vmem>>
      %dma_start3A_530 = arith.constant 0 : i32
      %dma_start3A_531 = tpu.memref_slice %arg4[%squeeze3A_523, %dma_start3A_530] : memref<1000000x32xf32, #tpu.memory_space<hbm>> -> memref<1x32xf32, #tpu.memory_space<hbm>>
      tpu.enqueue_dma source(%dma_start3A_531 : memref<1x32xf32, #tpu.memory_space<hbm>>) target(%dma_start3A_529 : memref<1x32xf32, #tpu.memory_space<vmem>>) target_semaphore(%arg13 : memref<!tpu.dma_semaphore, #tpu.memory_space<semaphore_mem>>)
      %slice3A_532 = vector.extract_strided_slice %get3A_231 {offsets = [12], sizes = [1], strides = [1]} : vector<16xi32> to vector<1xi32>
      %squeeze3A_533 = vector.extract %slice3A_532[0] : i32 from vector<1xi32>
      %dma_start3A_534 = arith.constant 0 : i32
      %dma_start3A_535 = tpu.memref_slice %arg10[%add3A_521, %dma_start3A_534] : memref<256x32xf32, #tpu.memory_space<vmem>> -> memref<1x32xf32, #tpu.memory_space<vmem>>
      %dma_start3A_536 = arith.constant 0 : i32
      %dma_start3A_537 = tpu.memref_slice %arg5[%squeeze3A_533, %dma_start3A_536] : memref<1000000x32xf32, #tpu.memory_space<hbm>> -> memref<1x32xf32, #tpu.memory_space<hbm>>
      %dma_start3A_538 = arith.constant 0 : i32
      %dma_start3A_539 = tpu.memref_slice %arg10[%add3A_521, %dma_start3A_538] : memref<256x32xf32, #tpu.memory_space<vmem>> -> memref<1x32xf32, #tpu.memory_space<vmem>>
      %dma_start3A_540 = arith.constant 0 : i32
      %dma_start3A_541 = tpu.memref_slice %arg5[%squeeze3A_533, %dma_start3A_540] : memref<1000000x32xf32, #tpu.memory_space<hbm>> -> memref<1x32xf32, #tpu.memory_space<hbm>>
      tpu.enqueue_dma source(%dma_start3A_541 : memref<1x32xf32, #tpu.memory_space<hbm>>) target(%dma_start3A_539 : memref<1x32xf32, #tpu.memory_space<vmem>>) target_semaphore(%arg14 : memref<!tpu.dma_semaphore, #tpu.memory_space<semaphore_mem>>)
      %mul3A_542 = arith.constant 16 : i32
      %mul3A_543 = arith.muli %add3A_224, %mul3A_542 : i32
      %add3A_544 = arith.constant 13 : i32
      %add3A_545 = arith.addi %mul3A_543, %add3A_544 : i32
      %slice3A_546 = vector.extract_strided_slice %get3A_229 {offsets = [13], sizes = [1], strides = [1]} : vector<16xi32> to vector<1xi32>
      %squeeze3A_547 = vector.extract %slice3A_546[0] : i32 from vector<1xi32>
      %dma_start3A_548 = arith.constant 0 : i32
      %dma_start3A_549 = tpu.memref_slice %arg9[%add3A_545, %dma_start3A_548] : memref<256x32xf32, #tpu.memory_space<vmem>> -> memref<1x32xf32, #tpu.memory_space<vmem>>
      %dma_start3A_550 = arith.constant 0 : i32
      %dma_start3A_551 = tpu.memref_slice %arg4[%squeeze3A_547, %dma_start3A_550] : memref<1000000x32xf32, #tpu.memory_space<hbm>> -> memref<1x32xf32, #tpu.memory_space<hbm>>
      %dma_start3A_552 = arith.constant 0 : i32
      %dma_start3A_553 = tpu.memref_slice %arg9[%add3A_545, %dma_start3A_552] : memref<256x32xf32, #tpu.memory_space<vmem>> -> memref<1x32xf32, #tpu.memory_space<vmem>>
      %dma_start3A_554 = arith.constant 0 : i32
      %dma_start3A_555 = tpu.memref_slice %arg4[%squeeze3A_547, %dma_start3A_554] : memref<1000000x32xf32, #tpu.memory_space<hbm>> -> memref<1x32xf32, #tpu.memory_space<hbm>>
      tpu.enqueue_dma source(%dma_start3A_555 : memref<1x32xf32, #tpu.memory_space<hbm>>) target(%dma_start3A_553 : memref<1x32xf32, #tpu.memory_space<vmem>>) target_semaphore(%arg15 : memref<!tpu.dma_semaphore, #tpu.memory_space<semaphore_mem>>)
      %slice3A_556 = vector.extract_strided_slice %get3A_231 {offsets = [13], sizes = [1], strides = [1]} : vector<16xi32> to vector<1xi32>
      %squeeze3A_557 = vector.extract %slice3A_556[0] : i32 from vector<1xi32>
      %dma_start3A_558 = arith.constant 0 : i32
      %dma_start3A_559 = tpu.memref_slice %arg10[%add3A_545, %dma_start3A_558] : memref<256x32xf32, #tpu.memory_space<vmem>> -> memref<1x32xf32, #tpu.memory_space<vmem>>
      %dma_start3A_560 = arith.constant 0 : i32
      %dma_start3A_561 = tpu.memref_slice %arg5[%squeeze3A_557, %dma_start3A_560] : memref<1000000x32xf32, #tpu.memory_space<hbm>> -> memref<1x32xf32, #tpu.memory_space<hbm>>
      %dma_start3A_562 = arith.constant 0 : i32
      %dma_start3A_563 = tpu.memref_slice %arg10[%add3A_545, %dma_start3A_562] : memref<256x32xf32, #tpu.memory_space<vmem>> -> memref<1x32xf32, #tpu.memory_space<vmem>>
      %dma_start3A_564 = arith.constant 0 : i32
      %dma_start3A_565 = tpu.memref_slice %arg5[%squeeze3A_557, %dma_start3A_564] : memref<1000000x32xf32, #tpu.memory_space<hbm>> -> memref<1x32xf32, #tpu.memory_space<hbm>>
      tpu.enqueue_dma source(%dma_start3A_565 : memref<1x32xf32, #tpu.memory_space<hbm>>) target(%dma_start3A_563 : memref<1x32xf32, #tpu.memory_space<vmem>>) target_semaphore(%arg16 : memref<!tpu.dma_semaphore, #tpu.memory_space<semaphore_mem>>)
      %mul3A_566 = arith.constant 16 : i32
      %mul3A_567 = arith.muli %add3A_224, %mul3A_566 : i32
      %add3A_568 = arith.constant 14 : i32
      %add3A_569 = arith.addi %mul3A_567, %add3A_568 : i32
      %slice3A_570 = vector.extract_strided_slice %get3A_229 {offsets = [14], sizes = [1], strides = [1]} : vector<16xi32> to vector<1xi32>
      %squeeze3A_571 = vector.extract %slice3A_570[0] : i32 from vector<1xi32>
      %dma_start3A_572 = arith.constant 0 : i32
      %dma_start3A_573 = tpu.memref_slice %arg9[%add3A_569, %dma_start3A_572] : memref<256x32xf32, #tpu.memory_space<vmem>> -> memref<1x32xf32, #tpu.memory_space<vmem>>
      %dma_start3A_574 = arith.constant 0 : i32
      %dma_start3A_575 = tpu.memref_slice %arg4[%squeeze3A_571, %dma_start3A_574] : memref<1000000x32xf32, #tpu.memory_space<hbm>> -> memref<1x32xf32, #tpu.memory_space<hbm>>
      %dma_start3A_576 = arith.constant 0 : i32
      %dma_start3A_577 = tpu.memref_slice %arg9[%add3A_569, %dma_start3A_576] : memref<256x32xf32, #tpu.memory_space<vmem>> -> memref<1x32xf32, #tpu.memory_space<vmem>>
      %dma_start3A_578 = arith.constant 0 : i32
      %dma_start3A_579 = tpu.memref_slice %arg4[%squeeze3A_571, %dma_start3A_578] : memref<1000000x32xf32, #tpu.memory_space<hbm>> -> memref<1x32xf32, #tpu.memory_space<hbm>>
      tpu.enqueue_dma source(%dma_start3A_579 : memref<1x32xf32, #tpu.memory_space<hbm>>) target(%dma_start3A_577 : memref<1x32xf32, #tpu.memory_space<vmem>>) target_semaphore(%arg17 : memref<!tpu.dma_semaphore, #tpu.memory_space<semaphore_mem>>)
      %slice3A_580 = vector.extract_strided_slice %get3A_231 {offsets = [14], sizes = [1], strides = [1]} : vector<16xi32> to vector<1xi32>
      %squeeze3A_581 = vector.extract %slice3A_580[0] : i32 from vector<1xi32>
      %dma_start3A_582 = arith.constant 0 : i32
      %dma_start3A_583 = tpu.memref_slice %arg10[%add3A_569, %dma_start3A_582] : memref<256x32xf32, #tpu.memory_space<vmem>> -> memref<1x32xf32, #tpu.memory_space<vmem>>
      %dma_start3A_584 = arith.constant 0 : i32
      %dma_start3A_585 = tpu.memref_slice %arg5[%squeeze3A_581, %dma_start3A_584] : memref<1000000x32xf32, #tpu.memory_space<hbm>> -> memref<1x32xf32, #tpu.memory_space<hbm>>
      %dma_start3A_586 = arith.constant 0 : i32
      %dma_start3A_587 = tpu.memref_slice %arg10[%add3A_569, %dma_start3A_586] : memref<256x32xf32, #tpu.memory_space<vmem>> -> memref<1x32xf32, #tpu.memory_space<vmem>>
      %dma_start3A_588 = arith.constant 0 : i32
      %dma_start3A_589 = tpu.memref_slice %arg5[%squeeze3A_581, %dma_start3A_588] : memref<1000000x32xf32, #tpu.memory_space<hbm>> -> memref<1x32xf32, #tpu.memory_space<hbm>>
      tpu.enqueue_dma source(%dma_start3A_589 : memref<1x32xf32, #tpu.memory_space<hbm>>) target(%dma_start3A_587 : memref<1x32xf32, #tpu.memory_space<vmem>>) target_semaphore(%arg18 : memref<!tpu.dma_semaphore, #tpu.memory_space<semaphore_mem>>)
      %mul3A_590 = arith.constant 16 : i32
      %mul3A_591 = arith.muli %add3A_224, %mul3A_590 : i32
      %add3A_592 = arith.constant 15 : i32
      %add3A_593 = arith.addi %mul3A_591, %add3A_592 : i32
      %slice3A_594 = vector.extract_strided_slice %get3A_229 {offsets = [15], sizes = [1], strides = [1]} : vector<16xi32> to vector<1xi32>
      %squeeze3A_595 = vector.extract %slice3A_594[0] : i32 from vector<1xi32>
      %dma_start3A_596 = arith.constant 0 : i32
      %dma_start3A_597 = tpu.memref_slice %arg9[%add3A_593, %dma_start3A_596] : memref<256x32xf32, #tpu.memory_space<vmem>> -> memref<1x32xf32, #tpu.memory_space<vmem>>
      %dma_start3A_598 = arith.constant 0 : i32
      %dma_start3A_599 = tpu.memref_slice %arg4[%squeeze3A_595, %dma_start3A_598] : memref<1000000x32xf32, #tpu.memory_space<hbm>> -> memref<1x32xf32, #tpu.memory_space<hbm>>
      %dma_start3A_600 = arith.constant 0 : i32
      %dma_start3A_601 = tpu.memref_slice %arg9[%add3A_593, %dma_start3A_600] : memref<256x32xf32, #tpu.memory_space<vmem>> -> memref<1x32xf32, #tpu.memory_space<vmem>>
      %dma_start3A_602 = arith.constant 0 : i32
      %dma_start3A_603 = tpu.memref_slice %arg4[%squeeze3A_595, %dma_start3A_602] : memref<1000000x32xf32, #tpu.memory_space<hbm>> -> memref<1x32xf32, #tpu.memory_space<hbm>>
      tpu.enqueue_dma source(%dma_start3A_603 : memref<1x32xf32, #tpu.memory_space<hbm>>) target(%dma_start3A_601 : memref<1x32xf32, #tpu.memory_space<vmem>>) target_semaphore(%arg19 : memref<!tpu.dma_semaphore, #tpu.memory_space<semaphore_mem>>)
      %slice3A_604 = vector.extract_strided_slice %get3A_231 {offsets = [15], sizes = [1], strides = [1]} : vector<16xi32> to vector<1xi32>
      %squeeze3A_605 = vector.extract %slice3A_604[0] : i32 from vector<1xi32>
      %dma_start3A_606 = arith.constant 0 : i32
      %dma_start3A_607 = tpu.memref_slice %arg10[%add3A_593, %dma_start3A_606] : memref<256x32xf32, #tpu.memory_space<vmem>> -> memref<1x32xf32, #tpu.memory_space<vmem>>
      %dma_start3A_608 = arith.constant 0 : i32
      %dma_start3A_609 = tpu.memref_slice %arg5[%squeeze3A_605, %dma_start3A_608] : memref<1000000x32xf32, #tpu.memory_space<hbm>> -> memref<1x32xf32, #tpu.memory_space<hbm>>
      %dma_start3A_610 = arith.constant 0 : i32
      %dma_start3A_611 = tpu.memref_slice %arg10[%add3A_593, %dma_start3A_610] : memref<256x32xf32, #tpu.memory_space<vmem>> -> memref<1x32xf32, #tpu.memory_space<vmem>>
      %dma_start3A_612 = arith.constant 0 : i32
      %dma_start3A_613 = tpu.memref_slice %arg5[%squeeze3A_605, %dma_start3A_612] : memref<1000000x32xf32, #tpu.memory_space<hbm>> -> memref<1x32xf32, #tpu.memory_space<hbm>>
      tpu.enqueue_dma source(%dma_start3A_613 : memref<1x32xf32, #tpu.memory_space<hbm>>) target(%dma_start3A_611 : memref<1x32xf32, #tpu.memory_space<vmem>>) target_semaphore(%arg20 : memref<!tpu.dma_semaphore, #tpu.memory_space<semaphore_mem>>)
    }
    %scan3A_118 = arith.constant 16 : i32
    %dma_wait3A_119 = arith.constant 0 : i32
    %dma_wait3A_120 = arith.constant 0 : i32
    %dma_wait3A_121 = tpu.memref_slice %arg9[%dma_wait3A_119, %dma_wait3A_120] : memref<256x32xf32, #tpu.memory_space<vmem>> -> memref<64x32xf32, #tpu.memory_space<vmem>>
    %dma_wait3A_122 = arith.constant 0 : i32
    %dma_wait3A_123 = arith.constant 0 : i32
    %dma_wait3A_124 = tpu.memref_slice %arg4[%dma_wait3A_122, %dma_wait3A_123] : memref<1000000x32xf32, #tpu.memory_space<hbm>> -> memref<64x32xf32, #tpu.memory_space<hbm>>
    %dma_wait3A_125 = arith.constant 0 : i32
    %dma_wait3A_126 = arith.constant 0 : i32
    %dma_wait3A_127 = tpu.memref_slice %arg9[%dma_wait3A_125, %dma_wait3A_126] : memref<256x32xf32, #tpu.memory_space<vmem>> -> memref<64x32xf32, #tpu.memory_space<vmem>>
    %dma_wait3A_128 = arith.constant 0 : i32
    %dma_wait3A_129 = arith.constant 0 : i32
    %dma_wait3A_130 = tpu.memref_slice %arg4[%dma_wait3A_128, %dma_wait3A_129] : memref<1000000x32xf32, #tpu.memory_space<hbm>> -> memref<64x32xf32, #tpu.memory_space<hbm>>
    tpu.wait_dma2 semaphore(%arg13 : memref<!tpu.dma_semaphore, #tpu.memory_space<semaphore_mem>>) src(%dma_wait3A_130 : memref<64x32xf32, #tpu.memory_space<hbm>>) dst(%dma_wait3A_127 : memref<64x32xf32, #tpu.memory_space<vmem>>)
    %dma_wait3A_131 = arith.constant 0 : i32
    %dma_wait3A_132 = arith.constant 0 : i32
    %dma_wait3A_133 = tpu.memref_slice %arg9[%dma_wait3A_131, %dma_wait3A_132] : memref<256x32xf32, #tpu.memory_space<vmem>> -> memref<64x32xf32, #tpu.memory_space<vmem>>
    %dma_wait3A_134 = arith.constant 0 : i32
    %dma_wait3A_135 = arith.constant 0 : i32
    %dma_wait3A_136 = tpu.memref_slice %arg4[%dma_wait3A_134, %dma_wait3A_135] : memref<1000000x32xf32, #tpu.memory_space<hbm>> -> memref<64x32xf32, #tpu.memory_space<hbm>>
    %dma_wait3A_137 = arith.constant 0 : i32
    %dma_wait3A_138 = arith.constant 0 : i32
    %dma_wait3A_139 = tpu.memref_slice %arg9[%dma_wait3A_137, %dma_wait3A_138] : memref<256x32xf32, #tpu.memory_space<vmem>> -> memref<64x32xf32, #tpu.memory_space<vmem>>
    %dma_wait3A_140 = arith.constant 0 : i32
    %dma_wait3A_141 = arith.constant 0 : i32
    %dma_wait3A_142 = tpu.memref_slice %arg4[%dma_wait3A_140, %dma_wait3A_141] : memref<1000000x32xf32, #tpu.memory_space<hbm>> -> memref<64x32xf32, #tpu.memory_space<hbm>>
    tpu.wait_dma2 semaphore(%arg14 : memref<!tpu.dma_semaphore, #tpu.memory_space<semaphore_mem>>) src(%dma_wait3A_142 : memref<64x32xf32, #tpu.memory_space<hbm>>) dst(%dma_wait3A_139 : memref<64x32xf32, #tpu.memory_space<vmem>>)
    %dma_wait3A_143 = arith.constant 0 : i32
    %dma_wait3A_144 = arith.constant 0 : i32
    %dma_wait3A_145 = tpu.memref_slice %arg9[%dma_wait3A_143, %dma_wait3A_144] : memref<256x32xf32, #tpu.memory_space<vmem>> -> memref<64x32xf32, #tpu.memory_space<vmem>>
    %dma_wait3A_146 = arith.constant 0 : i32
    %dma_wait3A_147 = arith.constant 0 : i32
    %dma_wait3A_148 = tpu.memref_slice %arg4[%dma_wait3A_146, %dma_wait3A_147] : memref<1000000x32xf32, #tpu.memory_space<hbm>> -> memref<64x32xf32, #tpu.memory_space<hbm>>
    %dma_wait3A_149 = arith.constant 0 : i32
    %dma_wait3A_150 = arith.constant 0 : i32
    %dma_wait3A_151 = tpu.memref_slice %arg9[%dma_wait3A_149, %dma_wait3A_150] : memref<256x32xf32, #tpu.memory_space<vmem>> -> memref<64x32xf32, #tpu.memory_space<vmem>>
    %dma_wait3A_152 = arith.constant 0 : i32
    %dma_wait3A_153 = arith.constant 0 : i32
    %dma_wait3A_154 = tpu.memref_slice %arg4[%dma_wait3A_152, %dma_wait3A_153] : memref<1000000x32xf32, #tpu.memory_space<hbm>> -> memref<64x32xf32, #tpu.memory_space<hbm>>
    tpu.wait_dma2 semaphore(%arg15 : memref<!tpu.dma_semaphore, #tpu.memory_space<semaphore_mem>>) src(%dma_wait3A_154 : memref<64x32xf32, #tpu.memory_space<hbm>>) dst(%dma_wait3A_151 : memref<64x32xf32, #tpu.memory_space<vmem>>)
    %dma_wait3A_155 = arith.constant 0 : i32
    %dma_wait3A_156 = arith.constant 0 : i32
    %dma_wait3A_157 = tpu.memref_slice %arg9[%dma_wait3A_155, %dma_wait3A_156] : memref<256x32xf32, #tpu.memory_space<vmem>> -> memref<64x32xf32, #tpu.memory_space<vmem>>
    %dma_wait3A_158 = arith.constant 0 : i32
    %dma_wait3A_159 = arith.constant 0 : i32
    %dma_wait3A_160 = tpu.memref_slice %arg4[%dma_wait3A_158, %dma_wait3A_159] : memref<1000000x32xf32, #tpu.memory_space<hbm>> -> memref<64x32xf32, #tpu.memory_space<hbm>>
    %dma_wait3A_161 = arith.constant 0 : i32
    %dma_wait3A_162 = arith.constant 0 : i32
    %dma_wait3A_163 = tpu.memref_slice %arg9[%dma_wait3A_161, %dma_wait3A_162] : memref<256x32xf32, #tpu.memory_space<vmem>> -> memref<64x32xf32, #tpu.memory_space<vmem>>
    %dma_wait3A_164 = arith.constant 0 : i32
    %dma_wait3A_165 = arith.constant 0 : i32
    %dma_wait3A_166 = tpu.memref_slice %arg4[%dma_wait3A_164, %dma_wait3A_165] : memref<1000000x32xf32, #tpu.memory_space<hbm>> -> memref<64x32xf32, #tpu.memory_space<hbm>>
    tpu.wait_dma2 semaphore(%arg16 : memref<!tpu.dma_semaphore, #tpu.memory_space<semaphore_mem>>) src(%dma_wait3A_166 : memref<64x32xf32, #tpu.memory_space<hbm>>) dst(%dma_wait3A_163 : memref<64x32xf32, #tpu.memory_space<vmem>>)
    %dma_wait3A_167 = arith.constant 0 : i32
    %dma_wait3A_168 = arith.constant 0 : i32
    %dma_wait3A_169 = tpu.memref_slice %arg9[%dma_wait3A_167, %dma_wait3A_168] : memref<256x32xf32, #tpu.memory_space<vmem>> -> memref<64x32xf32, #tpu.memory_space<vmem>>
    %dma_wait3A_170 = arith.constant 0 : i32
    %dma_wait3A_171 = arith.constant 0 : i32
    %dma_wait3A_172 = tpu.memref_slice %arg4[%dma_wait3A_170, %dma_wait3A_171] : memref<1000000x32xf32, #tpu.memory_space<hbm>> -> memref<64x32xf32, #tpu.memory_space<hbm>>
    %dma_wait3A_173 = arith.constant 0 : i32
    %dma_wait3A_174 = arith.constant 0 : i32
    %dma_wait3A_175 = tpu.memref_slice %arg9[%dma_wait3A_173, %dma_wait3A_174] : memref<256x32xf32, #tpu.memory_space<vmem>> -> memref<64x32xf32, #tpu.memory_space<vmem>>
    %dma_wait3A_176 = arith.constant 0 : i32
    %dma_wait3A_177 = arith.constant 0 : i32
    %dma_wait3A_178 = tpu.memref_slice %arg4[%dma_wait3A_176, %dma_wait3A_177] : memref<1000000x32xf32, #tpu.memory_space<hbm>> -> memref<64x32xf32, #tpu.memory_space<hbm>>
    tpu.wait_dma2 semaphore(%arg17 : memref<!tpu.dma_semaphore, #tpu.memory_space<semaphore_mem>>) src(%dma_wait3A_178 : memref<64x32xf32, #tpu.memory_space<hbm>>) dst(%dma_wait3A_175 : memref<64x32xf32, #tpu.memory_space<vmem>>)
    %dma_wait3A_179 = arith.constant 0 : i32
    %dma_wait3A_180 = arith.constant 0 : i32
    %dma_wait3A_181 = tpu.memref_slice %arg9[%dma_wait3A_179, %dma_wait3A_180] : memref<256x32xf32, #tpu.memory_space<vmem>> -> memref<64x32xf32, #tpu.memory_space<vmem>>
    %dma_wait3A_182 = arith.constant 0 : i32
    %dma_wait3A_183 = arith.constant 0 : i32
    %dma_wait3A_184 = tpu.memref_slice %arg4[%dma_wait3A_182, %dma_wait3A_183] : memref<1000000x32xf32, #tpu.memory_space<hbm>> -> memref<64x32xf32, #tpu.memory_space<hbm>>
    %dma_wait3A_185 = arith.constant 0 : i32
    %dma_wait3A_186 = arith.constant 0 : i32
    %dma_wait3A_187 = tpu.memref_slice %arg9[%dma_wait3A_185, %dma_wait3A_186] : memref<256x32xf32, #tpu.memory_space<vmem>> -> memref<64x32xf32, #tpu.memory_space<vmem>>
    %dma_wait3A_188 = arith.constant 0 : i32
    %dma_wait3A_189 = arith.constant 0 : i32
    %dma_wait3A_190 = tpu.memref_slice %arg4[%dma_wait3A_188, %dma_wait3A_189] : memref<1000000x32xf32, #tpu.memory_space<hbm>> -> memref<64x32xf32, #tpu.memory_space<hbm>>
    tpu.wait_dma2 semaphore(%arg18 : memref<!tpu.dma_semaphore, #tpu.memory_space<semaphore_mem>>) src(%dma_wait3A_190 : memref<64x32xf32, #tpu.memory_space<hbm>>) dst(%dma_wait3A_187 : memref<64x32xf32, #tpu.memory_space<vmem>>)
    %dma_wait3A_191 = arith.constant 0 : i32
    %dma_wait3A_192 = arith.constant 0 : i32
    %dma_wait3A_193 = tpu.memref_slice %arg9[%dma_wait3A_191, %dma_wait3A_192] : memref<256x32xf32, #tpu.memory_space<vmem>> -> memref<64x32xf32, #tpu.memory_space<vmem>>
    %dma_wait3A_194 = arith.constant 0 : i32
    %dma_wait3A_195 = arith.constant 0 : i32
    %dma_wait3A_196 = tpu.memref_slice %arg4[%dma_wait3A_194, %dma_wait3A_195] : memref<1000000x32xf32, #tpu.memory_space<hbm>> -> memref<64x32xf32, #tpu.memory_space<hbm>>
    %dma_wait3A_197 = arith.constant 0 : i32
    %dma_wait3A_198 = arith.constant 0 : i32
    %dma_wait3A_199 = tpu.memref_slice %arg9[%dma_wait3A_197, %dma_wait3A_198] : memref<256x32xf32, #tpu.memory_space<vmem>> -> memref<64x32xf32, #tpu.memory_space<vmem>>
    %dma_wait3A_200 = arith.constant 0 : i32
    %dma_wait3A_201 = arith.constant 0 : i32
    %dma_wait3A_202 = tpu.memref_slice %arg4[%dma_wait3A_200, %dma_wait3A_201] : memref<1000000x32xf32, #tpu.memory_space<hbm>> -> memref<64x32xf32, #tpu.memory_space<hbm>>
    tpu.wait_dma2 semaphore(%arg19 : memref<!tpu.dma_semaphore, #tpu.memory_space<semaphore_mem>>) src(%dma_wait3A_202 : memref<64x32xf32, #tpu.memory_space<hbm>>) dst(%dma_wait3A_199 : memref<64x32xf32, #tpu.memory_space<vmem>>)
    %dma_wait3A_203 = arith.constant 0 : i32
    %dma_wait3A_204 = arith.constant 0 : i32
    %dma_wait3A_205 = tpu.memref_slice %arg9[%dma_wait3A_203, %dma_wait3A_204] : memref<256x32xf32, #tpu.memory_space<vmem>> -> memref<64x32xf32, #tpu.memory_space<vmem>>
    %dma_wait3A_206 = arith.constant 0 : i32
    %dma_wait3A_207 = arith.constant 0 : i32
    %dma_wait3A_208 = tpu.memref_slice %arg4[%dma_wait3A_206, %dma_wait3A_207] : memref<1000000x32xf32, #tpu.memory_space<hbm>> -> memref<64x32xf32, #tpu.memory_space<hbm>>
    %dma_wait3A_209 = arith.constant 0 : i32
    %dma_wait3A_210 = arith.constant 0 : i32
    %dma_wait3A_211 = tpu.memref_slice %arg9[%dma_wait3A_209, %dma_wait3A_210] : memref<256x32xf32, #tpu.memory_space<vmem>> -> memref<64x32xf32, #tpu.memory_space<vmem>>
    %dma_wait3A_212 = arith.constant 0 : i32
    %dma_wait3A_213 = arith.constant 0 : i32
    %dma_wait3A_214 = tpu.memref_slice %arg4[%dma_wait3A_212, %dma_wait3A_213] : memref<1000000x32xf32, #tpu.memory_space<hbm>> -> memref<64x32xf32, #tpu.memory_space<hbm>>
    tpu.wait_dma2 semaphore(%arg20 : memref<!tpu.dma_semaphore, #tpu.memory_space<semaphore_mem>>) src(%dma_wait3A_214 : memref<64x32xf32, #tpu.memory_space<hbm>>) dst(%dma_wait3A_211 : memref<64x32xf32, #tpu.memory_space<vmem>>)
    %scan3A_215 = arith.constant 0 : i32
    %scan3A_216 = arith.constant 16 : i32
    %scan3A_217 = arith.addi %scan3A_215, %scan3A_216 : i32
    %scan3A_218 = arith.constant 1 : i32
    scf.for %scan3A_220 = %scan3A_215 to %scan3A_217 step %scan3A_218  : i32 {
      %mul3A_221 = arith.constant 1 : i32
      %mul3A_222 = arith.muli %scan3A_220, %mul3A_221 : i32
      %add3A_223 = arith.constant 0 : i32
      %add3A_224 = arith.addi %add3A_223, %mul3A_222 : i32
      %broadcast_in_dim3A = arith.constant 0.000000e+00 : f32
      %broadcast_in_dim3A_225 = vector.broadcast %broadcast_in_dim3A : f32 to vector<16xf32>
      %mul3A_226 = arith.constant 16 : i32
      %mul3A_227 = arith.muli %add3A_224, %mul3A_226 : i32
      %add3A_228 = arith.constant 0 : i32
      %add3A_229 = arith.addi %mul3A_227, %add3A_228 : i32
      %get3A = arith.index_cast %add3A_229 : i32 to index
      %get3A_230 = arith.constant 0 : index
      %get3A_231 = tpu.vector_load %arg9[%get3A, %get3A_230] {strides = array<i32>} : memref<256x32xf32, #tpu.memory_space<vmem>>, vector<16xf32>,
      %get3A_232 = arith.index_cast %add3A_229 : i32 to index
      %get3A_233 = arith.constant 16 : index
      %get3A_234 = tpu.vector_load %arg9[%get3A_232, %get3A_233] {strides = array<i32>} : memref<256x32xf32, #tpu.memory_space<vmem>>, vector<16xf32>,
      %get3A_235 = arith.index_cast %add3A_229 : i32 to index
      %get3A_236 = arith.constant 0 : index
      %get3A_237 = tpu.vector_load %arg10[%get3A_235, %get3A_236] {strides = array<i32>} : memref<256x32xf32, #tpu.memory_space<vmem>>, vector<16xf32>,
      %get3A_238 = arith.index_cast %add3A_229 : i32 to index
      %get3A_239 = arith.constant 16 : index
      %get3A_240 = tpu.vector_load %arg10[%get3A_238, %get3A_239] {strides = array<i32>} : memref<256x32xf32, #tpu.memory_space<vmem>>, vector<16xf32>,
      %mul3A_241 = arith.mulf %get3A_231, %get3A_237 : vector<16xf32>
      %mul3A_242 = arith.mulf %get3A_234, %get3A_240 : vector<16xf32>
      %add3A_243 = arith.addf %mul3A_241, %mul3A_242 : vector<16xf32>
      %reduce_sum3A = arith.constant true
      %reduce_sum3A_244 = vector.broadcast %reduce_sum3A : i1 to vector<16xi1>
      %reduce_sum3A_245 = tpu.scan <sum>, %add3A_243 masked %reduce_sum3A_244 : vector<16xf32>, vector<16xi1> -> vector<16xf32>
      %reduce_sum3A_246 = vector.extract %reduce_sum3A_245[15] : f32 from vector<16xf32>
      %eq3A = arith.constant 0 : i32
      %eq3A_247 = vector.broadcast %eq3A : i32 to vector<16xi32>
      %eq3A_248 = arith.cmpi eq, %iota3A, %eq3A_247 : vector<16xi32>
      %broadcast_in_dim3A_249 = vector.broadcast %reduce_sum3A_246 : f32 to vector<16xf32>
      %select_n3A = arith.select %eq3A_248, %broadcast_in_dim3A_249, %broadcast_in_dim3A_225 : vector<16xi1>, vector<16xf32>
      %mul3A_250 = arith.constant 16 : i32
      %mul3A_251 = arith.muli %add3A_224, %mul3A_250 : i32
      %add3A_252 = arith.constant 1 : i32
      %add3A_253 = arith.addi %mul3A_251, %add3A_252 : i32
      %get3A_254 = arith.index_cast %add3A_253 : i32 to index
      %get3A_255 = arith.constant 0 : index
      %get3A_256 = tpu.vector_load %arg9[%get3A_254, %get3A_255] {strides = array<i32>} : memref<256x32xf32, #tpu.memory_space<vmem>>, vector<16xf32>,
      %get3A_257 = arith.index_cast %add3A_253 : i32 to index
      %get3A_258 = arith.constant 16 : index
      %get3A_259 = tpu.vector_load %arg9[%get3A_257, %get3A_258] {strides = array<i32>} : memref<256x32xf32, #tpu.memory_space<vmem>>, vector<16xf32>,
      %get3A_260 = arith.index_cast %add3A_253 : i32 to index
      %get3A_261 = arith.constant 0 : index
      %get3A_262 = tpu.vector_load %arg10[%get3A_260, %get3A_261] {strides = array<i32>} : memref<256x32xf32, #tpu.memory_space<vmem>>, vector<16xf32>,
      %get3A_263 = arith.index_cast %add3A_253 : i32 to index
      %get3A_264 = arith.constant 16 : index
      %get3A_265 = tpu.vector_load %arg10[%get3A_263, %get3A_264] {strides = array<i32>} : memref<256x32xf32, #tpu.memory_space<vmem>>, vector<16xf32>,
      %mul3A_266 = arith.mulf %get3A_256, %get3A_262 : vector<16xf32>
      %mul3A_267 = arith.mulf %get3A_259, %get3A_265 : vector<16xf32>
      %add3A_268 = arith.addf %mul3A_266, %mul3A_267 : vector<16xf32>
      %reduce_sum3A_269 = arith.constant true
      %reduce_sum3A_270 = vector.broadcast %reduce_sum3A_269 : i1 to vector<16xi1>
      %reduce_sum3A_271 = tpu.scan <sum>, %add3A_268 masked %reduce_sum3A_270 : vector<16xf32>, vector<16xi1> -> vector<16xf32>
      %reduce_sum3A_272 = vector.extract %reduce_sum3A_271[15] : f32 from vector<16xf32>
      %eq3A_273 = arith.constant 1 : i32
      %eq3A_274 = vector.broadcast %eq3A_273 : i32 to vector<16xi32>
      %eq3A_275 = arith.cmpi eq, %iota3A, %eq3A_274 : vector<16xi32>
      %broadcast_in_dim3A_276 = vector.broadcast %reduce_sum3A_272 : f32 to vector<16xf32>
      %select_n3A_277 = arith.select %eq3A_275, %broadcast_in_dim3A_276, %select_n3A : vector<16xi1>, vector<16xf32>
      %mul3A_278 = arith.constant 16 : i32
      %mul3A_279 = arith.muli %add3A_224, %mul3A_278 : i32
      %add3A_280 = arith.constant 2 : i32
      %add3A_281 = arith.addi %mul3A_279, %add3A_280 : i32
      %get3A_282 = arith.index_cast %add3A_281 : i32 to index
      %get3A_283 = arith.constant 0 : index
      %get3A_284 = tpu.vector_load %arg9[%get3A_282, %get3A_283] {strides = array<i32>} : memref<256x32xf32, #tpu.memory_space<vmem>>, vector<16xf32>,
      %get3A_285 = arith.index_cast %add3A_281 : i32 to index
      %get3A_286 = arith.constant 16 : index
      %get3A_287 = tpu.vector_load %arg9[%get3A_285, %get3A_286] {strides = array<i32>} : memref<256x32xf32, #tpu.memory_space<vmem>>, vector<16xf32>,
      %get3A_288 = arith.index_cast %add3A_281 : i32 to index
      %get3A_289 = arith.constant 0 : index
      %get3A_290 = tpu.vector_load %arg10[%get3A_288, %get3A_289] {strides = array<i32>} : memref<256x32xf32, #tpu.memory_space<vmem>>, vector<16xf32>,
      %get3A_291 = arith.index_cast %add3A_281 : i32 to index
      %get3A_292 = arith.constant 16 : index
      %get3A_293 = tpu.vector_load %arg10[%get3A_291, %get3A_292] {strides = array<i32>} : memref<256x32xf32, #tpu.memory_space<vmem>>, vector<16xf32>,
      %mul3A_294 = arith.mulf %get3A_284, %get3A_290 : vector<16xf32>
      %mul3A_295 = arith.mulf %get3A_287, %get3A_293 : vector<16xf32>
      %add3A_296 = arith.addf %mul3A_294, %mul3A_295 : vector<16xf32>
      %reduce_sum3A_297 = arith.constant true
      %reduce_sum3A_298 = vector.broadcast %reduce_sum3A_297 : i1 to vector<16xi1>
      %reduce_sum3A_299 = tpu.scan <sum>, %add3A_296 masked %reduce_sum3A_298 : vector<16xf32>, vector<16xi1> -> vector<16xf32>
      %reduce_sum3A_300 = vector.extract %reduce_sum3A_299[15] : f32 from vector<16xf32>
      %eq3A_301 = arith.constant 2 : i32
      %eq3A_302 = vector.broadcast %eq3A_301 : i32 to vector<16xi32>
      %eq3A_303 = arith.cmpi eq, %iota3A, %eq3A_302 : vector<16xi32>
      %broadcast_in_dim3A_304 = vector.broadcast %reduce_sum3A_300 : f32 to vector<16xf32>
      %select_n3A_305 = arith.select %eq3A_303, %broadcast_in_dim3A_304, %select_n3A_277 : vector<16xi1>, vector<16xf32>
      %mul3A_306 = arith.constant 16 : i32
      %mul3A_307 = arith.muli %add3A_224, %mul3A_306 : i32
      %add3A_308 = arith.constant 3 : i32
      %add3A_309 = arith.addi %mul3A_307, %add3A_308 : i32
      %get3A_310 = arith.index_cast %add3A_309 : i32 to index
      %get3A_311 = arith.constant 0 : index
      %get3A_312 = tpu.vector_load %arg9[%get3A_310, %get3A_311] {strides = array<i32>} : memref<256x32xf32, #tpu.memory_space<vmem>>, vector<16xf32>,
      %get3A_313 = arith.index_cast %add3A_309 : i32 to index
      %get3A_314 = arith.constant 16 : index
      %get3A_315 = tpu.vector_load %arg9[%get3A_313, %get3A_314] {strides = array<i32>} : memref<256x32xf32, #tpu.memory_space<vmem>>, vector<16xf32>,
      %get3A_316 = arith.index_cast %add3A_309 : i32 to index
      %get3A_317 = arith.constant 0 : index
      %get3A_318 = tpu.vector_load %arg10[%get3A_316, %get3A_317] {strides = array<i32>} : memref<256x32xf32, #tpu.memory_space<vmem>>, vector<16xf32>,
      %get3A_319 = arith.index_cast %add3A_309 : i32 to index
      %get3A_320 = arith.constant 16 : index
      %get3A_321 = tpu.vector_load %arg10[%get3A_319, %get3A_320] {strides = array<i32>} : memref<256x32xf32, #tpu.memory_space<vmem>>, vector<16xf32>,
      %mul3A_322 = arith.mulf %get3A_312, %get3A_318 : vector<16xf32>
      %mul3A_323 = arith.mulf %get3A_315, %get3A_321 : vector<16xf32>
      %add3A_324 = arith.addf %mul3A_322, %mul3A_323 : vector<16xf32>
      %reduce_sum3A_325 = arith.constant true
      %reduce_sum3A_326 = vector.broadcast %reduce_sum3A_325 : i1 to vector<16xi1>
      %reduce_sum3A_327 = tpu.scan <sum>, %add3A_324 masked %reduce_sum3A_326 : vector<16xf32>, vector<16xi1> -> vector<16xf32>
      %reduce_sum3A_328 = vector.extract %reduce_sum3A_327[15] : f32 from vector<16xf32>
      %eq3A_329 = arith.constant 3 : i32
      %eq3A_330 = vector.broadcast %eq3A_329 : i32 to vector<16xi32>
      %eq3A_331 = arith.cmpi eq, %iota3A, %eq3A_330 : vector<16xi32>
      %broadcast_in_dim3A_332 = vector.broadcast %reduce_sum3A_328 : f32 to vector<16xf32>
      %select_n3A_333 = arith.select %eq3A_331, %broadcast_in_dim3A_332, %select_n3A_305 : vector<16xi1>, vector<16xf32>
      %mul3A_334 = arith.constant 16 : i32
      %mul3A_335 = arith.muli %add3A_224, %mul3A_334 : i32
      %add3A_336 = arith.constant 4 : i32
      %add3A_337 = arith.addi %mul3A_335, %add3A_336 : i32
      %get3A_338 = arith.index_cast %add3A_337 : i32 to index
      %get3A_339 = arith.constant 0 : index
      %get3A_340 = tpu.vector_load %arg9[%get3A_338, %get3A_339] {strides = array<i32>} : memref<256x32xf32, #tpu.memory_space<vmem>>, vector<16xf32>,
      %get3A_341 = arith.index_cast %add3A_337 : i32 to index
      %get3A_342 = arith.constant 16 : index
      %get3A_343 = tpu.vector_load %arg9[%get3A_341, %get3A_342] {strides = array<i32>} : memref<256x32xf32, #tpu.memory_space<vmem>>, vector<16xf32>,
      %get3A_344 = arith.index_cast %add3A_337 : i32 to index
      %get3A_345 = arith.constant 0 : index
      %get3A_346 = tpu.vector_load %arg10[%get3A_344, %get3A_345] {strides = array<i32>} : memref<256x32xf32, #tpu.memory_space<vmem>>, vector<16xf32>,
      %get3A_347 = arith.index_cast %add3A_337 : i32 to index
      %get3A_348 = arith.constant 16 : index
      %get3A_349 = tpu.vector_load %arg10[%get3A_347, %get3A_348] {strides = array<i32>} : memref<256x32xf32, #tpu.memory_space<vmem>>, vector<16xf32>,
      %mul3A_350 = arith.mulf %get3A_340, %get3A_346 : vector<16xf32>
      %mul3A_351 = arith.mulf %get3A_343, %get3A_349 : vector<16xf32>
      %add3A_352 = arith.addf %mul3A_350, %mul3A_351 : vector<16xf32>
      %reduce_sum3A_353 = arith.constant true
      %reduce_sum3A_354 = vector.broadcast %reduce_sum3A_353 : i1 to vector<16xi1>
      %reduce_sum3A_355 = tpu.scan <sum>, %add3A_352 masked %reduce_sum3A_354 : vector<16xf32>, vector<16xi1> -> vector<16xf32>
      %reduce_sum3A_356 = vector.extract %reduce_sum3A_355[15] : f32 from vector<16xf32>
      %eq3A_357 = arith.constant 4 : i32
      %eq3A_358 = vector.broadcast %eq3A_357 : i32 to vector<16xi32>
      %eq3A_359 = arith.cmpi eq, %iota3A, %eq3A_358 : vector<16xi32>
      %broadcast_in_dim3A_360 = vector.broadcast %reduce_sum3A_356 : f32 to vector<16xf32>
      %select_n3A_361 = arith.select %eq3A_359, %broadcast_in_dim3A_360, %select_n3A_333 : vector<16xi1>, vector<16xf32>
      %mul3A_362 = arith.constant 16 : i32
      %mul3A_363 = arith.muli %add3A_224, %mul3A_362 : i32
      %add3A_364 = arith.constant 5 : i32
      %add3A_365 = arith.addi %mul3A_363, %add3A_364 : i32
      %get3A_366 = arith.index_cast %add3A_365 : i32 to index
      %get3A_367 = arith.constant 0 : index
      %get3A_368 = tpu.vector_load %arg9[%get3A_366, %get3A_367] {strides = array<i32>} : memref<256x32xf32, #tpu.memory_space<vmem>>, vector<16xf32>,
      %get3A_369 = arith.index_cast %add3A_365 : i32 to index
      %get3A_370 = arith.constant 16 : index
      %get3A_371 = tpu.vector_load %arg9[%get3A_369, %get3A_370] {strides = array<i32>} : memref<256x32xf32, #tpu.memory_space<vmem>>, vector<16xf32>,
      %get3A_372 = arith.index_cast %add3A_365 : i32 to index
      %get3A_373 = arith.constant 0 : index
      %get3A_374 = tpu.vector_load %arg10[%get3A_372, %get3A_373] {strides = array<i32>} : memref<256x32xf32, #tpu.memory_space<vmem>>, vector<16xf32>,
      %get3A_375 = arith.index_cast %add3A_365 : i32 to index
      %get3A_376 = arith.constant 16 : index
      %get3A_377 = tpu.vector_load %arg10[%get3A_375, %get3A_376] {strides = array<i32>} : memref<256x32xf32, #tpu.memory_space<vmem>>, vector<16xf32>,
      %mul3A_378 = arith.mulf %get3A_368, %get3A_374 : vector<16xf32>
      %mul3A_379 = arith.mulf %get3A_371, %get3A_377 : vector<16xf32>
      %add3A_380 = arith.addf %mul3A_378, %mul3A_379 : vector<16xf32>
      %reduce_sum3A_381 = arith.constant true
      %reduce_sum3A_382 = vector.broadcast %reduce_sum3A_381 : i1 to vector<16xi1>
      %reduce_sum3A_383 = tpu.scan <sum>, %add3A_380 masked %reduce_sum3A_382 : vector<16xf32>, vector<16xi1> -> vector<16xf32>
      %reduce_sum3A_384 = vector.extract %reduce_sum3A_383[15] : f32 from vector<16xf32>
      %eq3A_385 = arith.constant 5 : i32
      %eq3A_386 = vector.broadcast %eq3A_385 : i32 to vector<16xi32>
      %eq3A_387 = arith.cmpi eq, %iota3A, %eq3A_386 : vector<16xi32>
      %broadcast_in_dim3A_388 = vector.broadcast %reduce_sum3A_384 : f32 to vector<16xf32>
      %select_n3A_389 = arith.select %eq3A_387, %broadcast_in_dim3A_388, %select_n3A_361 : vector<16xi1>, vector<16xf32>
      %mul3A_390 = arith.constant 16 : i32
      %mul3A_391 = arith.muli %add3A_224, %mul3A_390 : i32
      %add3A_392 = arith.constant 6 : i32
      %add3A_393 = arith.addi %mul3A_391, %add3A_392 : i32
      %get3A_394 = arith.index_cast %add3A_393 : i32 to index
      %get3A_395 = arith.constant 0 : index
      %get3A_396 = tpu.vector_load %arg9[%get3A_394, %get3A_395] {strides = array<i32>} : memref<256x32xf32, #tpu.memory_space<vmem>>, vector<16xf32>,
      %get3A_397 = arith.index_cast %add3A_393 : i32 to index
      %get3A_398 = arith.constant 16 : index
      %get3A_399 = tpu.vector_load %arg9[%get3A_397, %get3A_398] {strides = array<i32>} : memref<256x32xf32, #tpu.memory_space<vmem>>, vector<16xf32>,
      %get3A_400 = arith.index_cast %add3A_393 : i32 to index
      %get3A_401 = arith.constant 0 : index
      %get3A_402 = tpu.vector_load %arg10[%get3A_400, %get3A_401] {strides = array<i32>} : memref<256x32xf32, #tpu.memory_space<vmem>>, vector<16xf32>,
      %get3A_403 = arith.index_cast %add3A_393 : i32 to index
      %get3A_404 = arith.constant 16 : index
      %get3A_405 = tpu.vector_load %arg10[%get3A_403, %get3A_404] {strides = array<i32>} : memref<256x32xf32, #tpu.memory_space<vmem>>, vector<16xf32>,
      %mul3A_406 = arith.mulf %get3A_396, %get3A_402 : vector<16xf32>
      %mul3A_407 = arith.mulf %get3A_399, %get3A_405 : vector<16xf32>
      %add3A_408 = arith.addf %mul3A_406, %mul3A_407 : vector<16xf32>
      %reduce_sum3A_409 = arith.constant true
      %reduce_sum3A_410 = vector.broadcast %reduce_sum3A_409 : i1 to vector<16xi1>
      %reduce_sum3A_411 = tpu.scan <sum>, %add3A_408 masked %reduce_sum3A_410 : vector<16xf32>, vector<16xi1> -> vector<16xf32>
      %reduce_sum3A_412 = vector.extract %reduce_sum3A_411[15] : f32 from vector<16xf32>
      %eq3A_413 = arith.constant 6 : i32
      %eq3A_414 = vector.broadcast %eq3A_413 : i32 to vector<16xi32>
      %eq3A_415 = arith.cmpi eq, %iota3A, %eq3A_414 : vector<16xi32>
      %broadcast_in_dim3A_416 = vector.broadcast %reduce_sum3A_412 : f32 to vector<16xf32>
      %select_n3A_417 = arith.select %eq3A_415, %broadcast_in_dim3A_416, %select_n3A_389 : vector<16xi1>, vector<16xf32>
      %mul3A_418 = arith.constant 16 : i32
      %mul3A_419 = arith.muli %add3A_224, %mul3A_418 : i32
      %add3A_420 = arith.constant 7 : i32
      %add3A_421 = arith.addi %mul3A_419, %add3A_420 : i32
      %get3A_422 = arith.index_cast %add3A_421 : i32 to index
      %get3A_423 = arith.constant 0 : index
      %get3A_424 = tpu.vector_load %arg9[%get3A_422, %get3A_423] {strides = array<i32>} : memref<256x32xf32, #tpu.memory_space<vmem>>, vector<16xf32>,
      %get3A_425 = arith.index_cast %add3A_421 : i32 to index
      %get3A_426 = arith.constant 16 : index
      %get3A_427 = tpu.vector_load %arg9[%get3A_425, %get3A_426] {strides = array<i32>} : memref<256x32xf32, #tpu.memory_space<vmem>>, vector<16xf32>,
      %get3A_428 = arith.index_cast %add3A_421 : i32 to index
      %get3A_429 = arith.constant 0 : index
      %get3A_430 = tpu.vector_load %arg10[%get3A_428, %get3A_429] {strides = array<i32>} : memref<256x32xf32, #tpu.memory_space<vmem>>, vector<16xf32>,
      %get3A_431 = arith.index_cast %add3A_421 : i32 to index
      %get3A_432 = arith.constant 16 : index
      %get3A_433 = tpu.vector_load %arg10[%get3A_431, %get3A_432] {strides = array<i32>} : memref<256x32xf32, #tpu.memory_space<vmem>>, vector<16xf32>,
      %mul3A_434 = arith.mulf %get3A_424, %get3A_430 : vector<16xf32>
      %mul3A_435 = arith.mulf %get3A_427, %get3A_433 : vector<16xf32>
      %add3A_436 = arith.addf %mul3A_434, %mul3A_435 : vector<16xf32>
      %reduce_sum3A_437 = arith.constant true
      %reduce_sum3A_438 = vector.broadcast %reduce_sum3A_437 : i1 to vector<16xi1>
      %reduce_sum3A_439 = tpu.scan <sum>, %add3A_436 masked %reduce_sum3A_438 : vector<16xf32>, vector<16xi1> -> vector<16xf32>
      %reduce_sum3A_440 = vector.extract %reduce_sum3A_439[15] : f32 from vector<16xf32>
      %eq3A_441 = arith.constant 7 : i32
      %eq3A_442 = vector.broadcast %eq3A_441 : i32 to vector<16xi32>
      %eq3A_443 = arith.cmpi eq, %iota3A, %eq3A_442 : vector<16xi32>
      %broadcast_in_dim3A_444 = vector.broadcast %reduce_sum3A_440 : f32 to vector<16xf32>
      %select_n3A_445 = arith.select %eq3A_443, %broadcast_in_dim3A_444, %select_n3A_417 : vector<16xi1>, vector<16xf32>
      %mul3A_446 = arith.constant 16 : i32
      %mul3A_447 = arith.muli %add3A_224, %mul3A_446 : i32
      %add3A_448 = arith.constant 8 : i32
      %add3A_449 = arith.addi %mul3A_447, %add3A_448 : i32
      %get3A_450 = arith.index_cast %add3A_449 : i32 to index
      %get3A_451 = arith.constant 0 : index
      %get3A_452 = tpu.vector_load %arg9[%get3A_450, %get3A_451] {strides = array<i32>} : memref<256x32xf32, #tpu.memory_space<vmem>>, vector<16xf32>,
      %get3A_453 = arith.index_cast %add3A_449 : i32 to index
      %get3A_454 = arith.constant 16 : index
      %get3A_455 = tpu.vector_load %arg9[%get3A_453, %get3A_454] {strides = array<i32>} : memref<256x32xf32, #tpu.memory_space<vmem>>, vector<16xf32>,
      %get3A_456 = arith.index_cast %add3A_449 : i32 to index
      %get3A_457 = arith.constant 0 : index
      %get3A_458 = tpu.vector_load %arg10[%get3A_456, %get3A_457] {strides = array<i32>} : memref<256x32xf32, #tpu.memory_space<vmem>>, vector<16xf32>,
      %get3A_459 = arith.index_cast %add3A_449 : i32 to index
      %get3A_460 = arith.constant 16 : index
      %get3A_461 = tpu.vector_load %arg10[%get3A_459, %get3A_460] {strides = array<i32>} : memref<256x32xf32, #tpu.memory_space<vmem>>, vector<16xf32>,
      %mul3A_462 = arith.mulf %get3A_452, %get3A_458 : vector<16xf32>
      %mul3A_463 = arith.mulf %get3A_455, %get3A_461 : vector<16xf32>
      %add3A_464 = arith.addf %mul3A_462, %mul3A_463 : vector<16xf32>
      %reduce_sum3A_465 = arith.constant true
      %reduce_sum3A_466 = vector.broadcast %reduce_sum3A_465 : i1 to vector<16xi1>
      %reduce_sum3A_467 = tpu.scan <sum>, %add3A_464 masked %reduce_sum3A_466 : vector<16xf32>, vector<16xi1> -> vector<16xf32>
      %reduce_sum3A_468 = vector.extract %reduce_sum3A_467[15] : f32 from vector<16xf32>
      %eq3A_469 = arith.constant 8 : i32
      %eq3A_470 = vector.broadcast %eq3A_469 : i32 to vector<16xi32>
      %eq3A_471 = arith.cmpi eq, %iota3A, %eq3A_470 : vector<16xi32>
      %broadcast_in_dim3A_472 = vector.broadcast %reduce_sum3A_468 : f32 to vector<16xf32>
      %select_n3A_473 = arith.select %eq3A_471, %broadcast_in_dim3A_472, %select_n3A_445 : vector<16xi1>, vector<16xf32>
      %mul3A_474 = arith.constant 16 : i32
      %mul3A_475 = arith.muli %add3A_224, %mul3A_474 : i32
      %add3A_476 = arith.constant 9 : i32
      %add3A_477 = arith.addi %mul3A_475, %add3A_476 : i32
      %get3A_478 = arith.index_cast %add3A_477 : i32 to index
      %get3A_479 = arith.constant 0 : index
      %get3A_480 = tpu.vector_load %arg9[%get3A_478, %get3A_479] {strides = array<i32>} : memref<256x32xf32, #tpu.memory_space<vmem>>, vector<16xf32>,
      %get3A_481 = arith.index_cast %add3A_477 : i32 to index
      %get3A_482 = arith.constant 16 : index
      %get3A_483 = tpu.vector_load %arg9[%get3A_481, %get3A_482] {strides = array<i32>} : memref<256x32xf32, #tpu.memory_space<vmem>>, vector<16xf32>,
      %get3A_484 = arith.index_cast %add3A_477 : i32 to index
      %get3A_485 = arith.constant 0 : index
      %get3A_486 = tpu.vector_load %arg10[%get3A_484, %get3A_485] {strides = array<i32>} : memref<256x32xf32, #tpu.memory_space<vmem>>, vector<16xf32>,
      %get3A_487 = arith.index_cast %add3A_477 : i32 to index
      %get3A_488 = arith.constant 16 : index
      %get3A_489 = tpu.vector_load %arg10[%get3A_487, %get3A_488] {strides = array<i32>} : memref<256x32xf32, #tpu.memory_space<vmem>>, vector<16xf32>,
      %mul3A_490 = arith.mulf %get3A_480, %get3A_486 : vector<16xf32>
      %mul3A_491 = arith.mulf %get3A_483, %get3A_489 : vector<16xf32>
      %add3A_492 = arith.addf %mul3A_490, %mul3A_491 : vector<16xf32>
      %reduce_sum3A_493 = arith.constant true
      %reduce_sum3A_494 = vector.broadcast %reduce_sum3A_493 : i1 to vector<16xi1>
      %reduce_sum3A_495 = tpu.scan <sum>, %add3A_492 masked %reduce_sum3A_494 : vector<16xf32>, vector<16xi1> -> vector<16xf32>
      %reduce_sum3A_496 = vector.extract %reduce_sum3A_495[15] : f32 from vector<16xf32>
      %eq3A_497 = arith.constant 9 : i32
      %eq3A_498 = vector.broadcast %eq3A_497 : i32 to vector<16xi32>
      %eq3A_499 = arith.cmpi eq, %iota3A, %eq3A_498 : vector<16xi32>
      %broadcast_in_dim3A_500 = vector.broadcast %reduce_sum3A_496 : f32 to vector<16xf32>
      %select_n3A_501 = arith.select %eq3A_499, %broadcast_in_dim3A_500, %select_n3A_473 : vector<16xi1>, vector<16xf32>
      %mul3A_502 = arith.constant 16 : i32
      %mul3A_503 = arith.muli %add3A_224, %mul3A_502 : i32
      %add3A_504 = arith.constant 10 : i32
      %add3A_505 = arith.addi %mul3A_503, %add3A_504 : i32
      %get3A_506 = arith.index_cast %add3A_505 : i32 to index
      %get3A_507 = arith.constant 0 : index
      %get3A_508 = tpu.vector_load %arg9[%get3A_506, %get3A_507] {strides = array<i32>} : memref<256x32xf32, #tpu.memory_space<vmem>>, vector<16xf32>,
      %get3A_509 = arith.index_cast %add3A_505 : i32 to index
      %get3A_510 = arith.constant 16 : index
      %get3A_511 = tpu.vector_load %arg9[%get3A_509, %get3A_510] {strides = array<i32>} : memref<256x32xf32, #tpu.memory_space<vmem>>, vector<16xf32>,
      %get3A_512 = arith.index_cast %add3A_505 : i32 to index
      %get3A_513 = arith.constant 0 : index
      %get3A_514 = tpu.vector_load %arg10[%get3A_512, %get3A_513] {strides = array<i32>} : memref<256x32xf32, #tpu.memory_space<vmem>>, vector<16xf32>,
      %get3A_515 = arith.index_cast %add3A_505 : i32 to index
      %get3A_516 = arith.constant 16 : index
      %get3A_517 = tpu.vector_load %arg10[%get3A_515, %get3A_516] {strides = array<i32>} : memref<256x32xf32, #tpu.memory_space<vmem>>, vector<16xf32>,
      %mul3A_518 = arith.mulf %get3A_508, %get3A_514 : vector<16xf32>
      %mul3A_519 = arith.mulf %get3A_511, %get3A_517 : vector<16xf32>
      %add3A_520 = arith.addf %mul3A_518, %mul3A_519 : vector<16xf32>
      %reduce_sum3A_521 = arith.constant true
      %reduce_sum3A_522 = vector.broadcast %reduce_sum3A_521 : i1 to vector<16xi1>
      %reduce_sum3A_523 = tpu.scan <sum>, %add3A_520 masked %reduce_sum3A_522 : vector<16xf32>, vector<16xi1> -> vector<16xf32>
      %reduce_sum3A_524 = vector.extract %reduce_sum3A_523[15] : f32 from vector<16xf32>
      %eq3A_525 = arith.constant 10 : i32
      %eq3A_526 = vector.broadcast %eq3A_525 : i32 to vector<16xi32>
      %eq3A_527 = arith.cmpi eq, %iota3A, %eq3A_526 : vector<16xi32>
      %broadcast_in_dim3A_528 = vector.broadcast %reduce_sum3A_524 : f32 to vector<16xf32>
      %select_n3A_529 = arith.select %eq3A_527, %broadcast_in_dim3A_528, %select_n3A_501 : vector<16xi1>, vector<16xf32>
      %mul3A_530 = arith.constant 16 : i32
      %mul3A_531 = arith.muli %add3A_224, %mul3A_530 : i32
      %add3A_532 = arith.constant 11 : i32
      %add3A_533 = arith.addi %mul3A_531, %add3A_532 : i32
      %get3A_534 = arith.index_cast %add3A_533 : i32 to index
      %get3A_535 = arith.constant 0 : index
      %get3A_536 = tpu.vector_load %arg9[%get3A_534, %get3A_535] {strides = array<i32>} : memref<256x32xf32, #tpu.memory_space<vmem>>, vector<16xf32>,
      %get3A_537 = arith.index_cast %add3A_533 : i32 to index
      %get3A_538 = arith.constant 16 : index
      %get3A_539 = tpu.vector_load %arg9[%get3A_537, %get3A_538] {strides = array<i32>} : memref<256x32xf32, #tpu.memory_space<vmem>>, vector<16xf32>,
      %get3A_540 = arith.index_cast %add3A_533 : i32 to index
      %get3A_541 = arith.constant 0 : index
      %get3A_542 = tpu.vector_load %arg10[%get3A_540, %get3A_541] {strides = array<i32>} : memref<256x32xf32, #tpu.memory_space<vmem>>, vector<16xf32>,
      %get3A_543 = arith.index_cast %add3A_533 : i32 to index
      %get3A_544 = arith.constant 16 : index
      %get3A_545 = tpu.vector_load %arg10[%get3A_543, %get3A_544] {strides = array<i32>} : memref<256x32xf32, #tpu.memory_space<vmem>>, vector<16xf32>,
      %mul3A_546 = arith.mulf %get3A_536, %get3A_542 : vector<16xf32>
      %mul3A_547 = arith.mulf %get3A_539, %get3A_545 : vector<16xf32>
      %add3A_548 = arith.addf %mul3A_546, %mul3A_547 : vector<16xf32>
      %reduce_sum3A_549 = arith.constant true
      %reduce_sum3A_550 = vector.broadcast %reduce_sum3A_549 : i1 to vector<16xi1>
      %reduce_sum3A_551 = tpu.scan <sum>, %add3A_548 masked %reduce_sum3A_550 : vector<16xf32>, vector<16xi1> -> vector<16xf32>
      %reduce_sum3A_552 = vector.extract %reduce_sum3A_551[15] : f32 from vector<16xf32>
      %eq3A_553 = arith.constant 11 : i32
      %eq3A_554 = vector.broadcast %eq3A_553 : i32 to vector<16xi32>
      %eq3A_555 = arith.cmpi eq, %iota3A, %eq3A_554 : vector<16xi32>
      %broadcast_in_dim3A_556 = vector.broadcast %reduce_sum3A_552 : f32 to vector<16xf32>
      %select_n3A_557 = arith.select %eq3A_555, %broadcast_in_dim3A_556, %select_n3A_529 : vector<16xi1>, vector<16xf32>
      %mul3A_558 = arith.constant 16 : i32
      %mul3A_559 = arith.muli %add3A_224, %mul3A_558 : i32
      %add3A_560 = arith.constant 12 : i32
      %add3A_561 = arith.addi %mul3A_559, %add3A_560 : i32
      %get3A_562 = arith.index_cast %add3A_561 : i32 to index
      %get3A_563 = arith.constant 0 : index
      %get3A_564 = tpu.vector_load %arg9[%get3A_562, %get3A_563] {strides = array<i32>} : memref<256x32xf32, #tpu.memory_space<vmem>>, vector<16xf32>,
      %get3A_565 = arith.index_cast %add3A_561 : i32 to index
      %get3A_566 = arith.constant 16 : index
      %get3A_567 = tpu.vector_load %arg9[%get3A_565, %get3A_566] {strides = array<i32>} : memref<256x32xf32, #tpu.memory_space<vmem>>, vector<16xf32>,
      %get3A_568 = arith.index_cast %add3A_561 : i32 to index
      %get3A_569 = arith.constant 0 : index
      %get3A_570 = tpu.vector_load %arg10[%get3A_568, %get3A_569] {strides = array<i32>} : memref<256x32xf32, #tpu.memory_space<vmem>>, vector<16xf32>,
      %get3A_571 = arith.index_cast %add3A_561 : i32 to index
      %get3A_572 = arith.constant 16 : index
      %get3A_573 = tpu.vector_load %arg10[%get3A_571, %get3A_572] {strides = array<i32>} : memref<256x32xf32, #tpu.memory_space<vmem>>, vector<16xf32>,
      %mul3A_574 = arith.mulf %get3A_564, %get3A_570 : vector<16xf32>
      %mul3A_575 = arith.mulf %get3A_567, %get3A_573 : vector<16xf32>
      %add3A_576 = arith.addf %mul3A_574, %mul3A_575 : vector<16xf32>
      %reduce_sum3A_577 = arith.constant true
      %reduce_sum3A_578 = vector.broadcast %reduce_sum3A_577 : i1 to vector<16xi1>
      %reduce_sum3A_579 = tpu.scan <sum>, %add3A_576 masked %reduce_sum3A_578 : vector<16xf32>, vector<16xi1> -> vector<16xf32>
      %reduce_sum3A_580 = vector.extract %reduce_sum3A_579[15] : f32 from vector<16xf32>
      %eq3A_581 = arith.constant 12 : i32
      %eq3A_582 = vector.broadcast %eq3A_581 : i32 to vector<16xi32>
      %eq3A_583 = arith.cmpi eq, %iota3A, %eq3A_582 : vector<16xi32>
      %broadcast_in_dim3A_584 = vector.broadcast %reduce_sum3A_580 : f32 to vector<16xf32>
      %select_n3A_585 = arith.select %eq3A_583, %broadcast_in_dim3A_584, %select_n3A_557 : vector<16xi1>, vector<16xf32>
      %mul3A_586 = arith.constant 16 : i32
      %mul3A_587 = arith.muli %add3A_224, %mul3A_586 : i32
      %add3A_588 = arith.constant 13 : i32
      %add3A_589 = arith.addi %mul3A_587, %add3A_588 : i32
      %get3A_590 = arith.index_cast %add3A_589 : i32 to index
      %get3A_591 = arith.constant 0 : index
      %get3A_592 = tpu.vector_load %arg9[%get3A_590, %get3A_591] {strides = array<i32>} : memref<256x32xf32, #tpu.memory_space<vmem>>, vector<16xf32>,
      %get3A_593 = arith.index_cast %add3A_589 : i32 to index
      %get3A_594 = arith.constant 16 : index
      %get3A_595 = tpu.vector_load %arg9[%get3A_593, %get3A_594] {strides = array<i32>} : memref<256x32xf32, #tpu.memory_space<vmem>>, vector<16xf32>,
      %get3A_596 = arith.index_cast %add3A_589 : i32 to index
      %get3A_597 = arith.constant 0 : index
      %get3A_598 = tpu.vector_load %arg10[%get3A_596, %get3A_597] {strides = array<i32>} : memref<256x32xf32, #tpu.memory_space<vmem>>, vector<16xf32>,
      %get3A_599 = arith.index_cast %add3A_589 : i32 to index
      %get3A_600 = arith.constant 16 : index
      %get3A_601 = tpu.vector_load %arg10[%get3A_599, %get3A_600] {strides = array<i32>} : memref<256x32xf32, #tpu.memory_space<vmem>>, vector<16xf32>,
      %mul3A_602 = arith.mulf %get3A_592, %get3A_598 : vector<16xf32>
      %mul3A_603 = arith.mulf %get3A_595, %get3A_601 : vector<16xf32>
      %add3A_604 = arith.addf %mul3A_602, %mul3A_603 : vector<16xf32>
      %reduce_sum3A_605 = arith.constant true
      %reduce_sum3A_606 = vector.broadcast %reduce_sum3A_605 : i1 to vector<16xi1>
      %reduce_sum3A_607 = tpu.scan <sum>, %add3A_604 masked %reduce_sum3A_606 : vector<16xf32>, vector<16xi1> -> vector<16xf32>
      %reduce_sum3A_608 = vector.extract %reduce_sum3A_607[15] : f32 from vector<16xf32>
      %eq3A_609 = arith.constant 13 : i32
      %eq3A_610 = vector.broadcast %eq3A_609 : i32 to vector<16xi32>
      %eq3A_611 = arith.cmpi eq, %iota3A, %eq3A_610 : vector<16xi32>
      %broadcast_in_dim3A_612 = vector.broadcast %reduce_sum3A_608 : f32 to vector<16xf32>
      %select_n3A_613 = arith.select %eq3A_611, %broadcast_in_dim3A_612, %select_n3A_585 : vector<16xi1>, vector<16xf32>
      %mul3A_614 = arith.constant 16 : i32
      %mul3A_615 = arith.muli %add3A_224, %mul3A_614 : i32
      %add3A_616 = arith.constant 14 : i32
      %add3A_617 = arith.addi %mul3A_615, %add3A_616 : i32
      %get3A_618 = arith.index_cast %add3A_617 : i32 to index
      %get3A_619 = arith.constant 0 : index
      %get3A_620 = tpu.vector_load %arg9[%get3A_618, %get3A_619] {strides = array<i32>} : memref<256x32xf32, #tpu.memory_space<vmem>>, vector<16xf32>,
      %get3A_621 = arith.index_cast %add3A_617 : i32 to index
      %get3A_622 = arith.constant 16 : index
      %get3A_623 = tpu.vector_load %arg9[%get3A_621, %get3A_622] {strides = array<i32>} : memref<256x32xf32, #tpu.memory_space<vmem>>, vector<16xf32>,
      %get3A_624 = arith.index_cast %add3A_617 : i32 to index
      %get3A_625 = arith.constant 0 : index
      %get3A_626 = tpu.vector_load %arg10[%get3A_624, %get3A_625] {strides = array<i32>} : memref<256x32xf32, #tpu.memory_space<vmem>>, vector<16xf32>,
      %get3A_627 = arith.index_cast %add3A_617 : i32 to index
      %get3A_628 = arith.constant 16 : index
      %get3A_629 = tpu.vector_load %arg10[%get3A_627, %get3A_628] {strides = array<i32>} : memref<256x32xf32, #tpu.memory_space<vmem>>, vector<16xf32>,
      %mul3A_630 = arith.mulf %get3A_620, %get3A_626 : vector<16xf32>
      %mul3A_631 = arith.mulf %get3A_623, %get3A_629 : vector<16xf32>
      %add3A_632 = arith.addf %mul3A_630, %mul3A_631 : vector<16xf32>
      %reduce_sum3A_633 = arith.constant true
      %reduce_sum3A_634 = vector.broadcast %reduce_sum3A_633 : i1 to vector<16xi1>
      %reduce_sum3A_635 = tpu.scan <sum>, %add3A_632 masked %reduce_sum3A_634 : vector<16xf32>, vector<16xi1> -> vector<16xf32>
      %reduce_sum3A_636 = vector.extract %reduce_sum3A_635[15] : f32 from vector<16xf32>
      %eq3A_637 = arith.constant 14 : i32
      %eq3A_638 = vector.broadcast %eq3A_637 : i32 to vector<16xi32>
      %eq3A_639 = arith.cmpi eq, %iota3A, %eq3A_638 : vector<16xi32>
      %broadcast_in_dim3A_640 = vector.broadcast %reduce_sum3A_636 : f32 to vector<16xf32>
      %select_n3A_641 = arith.select %eq3A_639, %broadcast_in_dim3A_640, %select_n3A_613 : vector<16xi1>, vector<16xf32>
      %mul3A_642 = arith.constant 16 : i32
      %mul3A_643 = arith.muli %add3A_224, %mul3A_642 : i32
      %add3A_644 = arith.constant 15 : i32
      %add3A_645 = arith.addi %mul3A_643, %add3A_644 : i32
      %get3A_646 = arith.index_cast %add3A_645 : i32 to index
      %get3A_647 = arith.constant 0 : index
      %get3A_648 = tpu.vector_load %arg9[%get3A_646, %get3A_647] {strides = array<i32>} : memref<256x32xf32, #tpu.memory_space<vmem>>, vector<16xf32>,
      %get3A_649 = arith.index_cast %add3A_645 : i32 to index
      %get3A_650 = arith.constant 16 : index
      %get3A_651 = tpu.vector_load %arg9[%get3A_649, %get3A_650] {strides = array<i32>} : memref<256x32xf32, #tpu.memory_space<vmem>>, vector<16xf32>,
      %get3A_652 = arith.index_cast %add3A_645 : i32 to index
      %get3A_653 = arith.constant 0 : index
      %get3A_654 = tpu.vector_load %arg10[%get3A_652, %get3A_653] {strides = array<i32>} : memref<256x32xf32, #tpu.memory_space<vmem>>, vector<16xf32>,
      %get3A_655 = arith.index_cast %add3A_645 : i32 to index
      %get3A_656 = arith.constant 16 : index
      %get3A_657 = tpu.vector_load %arg10[%get3A_655, %get3A_656] {strides = array<i32>} : memref<256x32xf32, #tpu.memory_space<vmem>>, vector<16xf32>,
      %mul3A_658 = arith.mulf %get3A_648, %get3A_654 : vector<16xf32>
      %mul3A_659 = arith.mulf %get3A_651, %get3A_657 : vector<16xf32>
      %add3A_660 = arith.addf %mul3A_658, %mul3A_659 : vector<16xf32>
      %reduce_sum3A_661 = arith.constant true
      %reduce_sum3A_662 = vector.broadcast %reduce_sum3A_661 : i1 to vector<16xi1>
      %reduce_sum3A_663 = tpu.scan <sum>, %add3A_660 masked %reduce_sum3A_662 : vector<16xf32>, vector<16xi1> -> vector<16xf32>
      %reduce_sum3A_664 = vector.extract %reduce_sum3A_663[15] : f32 from vector<16xf32>
      %eq3A_665 = arith.constant 15 : i32
      %eq3A_666 = vector.broadcast %eq3A_665 : i32 to vector<16xi32>
      %eq3A_667 = arith.cmpi eq, %iota3A, %eq3A_666 : vector<16xi32>
      %broadcast_in_dim3A_668 = vector.broadcast %reduce_sum3A_664 : f32 to vector<16xf32>
      %select_n3A_669 = arith.select %eq3A_667, %broadcast_in_dim3A_668, %select_n3A_641 : vector<16xi1>, vector<16xf32>
      %mul3A_670 = arith.constant 16 : i32
      %mul3A_671 = arith.muli %add3A_224, %mul3A_670 : i32
      %add3A_672 = arith.constant 256 : i32
      %add3A_673 = arith.addi %add3A_672, %mul3A_671 : i32
      %swap3A = arith.index_cast %add3A_673 : i32 to index
      %swap3A_674 = tpu.vector_load %arg11[%swap3A] {strides = array<i32>} : memref<512xf32, #tpu.memory_space<vmem>>, vector<16xf32>,
      tpu.vector_store %arg11[%swap3A], %select_n3A_669 {strides = array<i32>} : memref<512xf32, #tpu.memory_space<vmem>>, vector<16xf32>,
    }
    %scan3A_219 = arith.constant 16 : i32
    "tpu.region"() ({
      %run_scoped3A = tpu.sem_alloc : memref<!tpu.dma_semaphore, #tpu.memory_space<semaphore_mem>>
      %dma_start3A_220 = tpu.memref_slice %arg6[%mul3A_2] : memref<16384xf32, #tpu.memory_space<hbm>> -> memref<512xf32, #tpu.memory_space<hbm>>
      %dma_start3A_221 = tpu.memref_slice %arg6[%mul3A_2] : memref<16384xf32, #tpu.memory_space<hbm>> -> memref<512xf32, #tpu.memory_space<hbm>>
      tpu.enqueue_dma source(%arg11 : memref<512xf32, #tpu.memory_space<vmem>>) target(%dma_start3A_221 : memref<512xf32, #tpu.memory_space<hbm>>) target_semaphore(%run_scoped3A : memref<!tpu.dma_semaphore, #tpu.memory_space<semaphore_mem>>)
      %dma_wait3A_222 = tpu.memref_slice %arg6[%mul3A_2] : memref<16384xf32, #tpu.memory_space<hbm>> -> memref<512xf32, #tpu.memory_space<hbm>>
      %dma_wait3A_223 = tpu.memref_slice %arg6[%mul3A_2] : memref<16384xf32, #tpu.memory_space<hbm>> -> memref<512xf32, #tpu.memory_space<hbm>>
      tpu.wait_dma2 semaphore(%run_scoped3A : memref<!tpu.dma_semaphore, #tpu.memory_space<semaphore_mem>>) src(%arg11 : memref<512xf32, #tpu.memory_space<vmem>>) dst(%dma_wait3A_223 : memref<512xf32, #tpu.memory_space<hbm>>)
      tpu.yield
    }) : () -> ()
    return
  }
}

</mosaic_0001>

<sc_bundles>
// kernel: kernel.3.cloned.1.call-start
scs
__scs_entry_jumppad:
0x0: {  	(pc) =	sbr.rel $0x88, $3  }
0x1: {  	(tag) =	ssettag $0x0;
	lr =	simm.s32 $0x1  }
0x2: {  	[smem:$0x3F9D] =	sst lr;
	_ =	strace $0xD0000000  }
0x3: {  	_ = 	snop  }
0x4: {  	_ = 	snop  }
0x5: {  	_ = 	snop  }
0x6: {  	_ = 	snop  }
0x7: {  	_ = 	snop  }
__scs_overlays_trampoline_lowered:
0x8: {  	[smem:$0x3FAC] =	sst s0  }
0x9: {  	[smem:$0x3FAD] =	sst s1  }
0xa: {  	[smem:$0x3FAE] =	sst s2  }
0xb: {  	[smem:$0x3FAF] =	sst s3  }
0xc: {  	[smem:$0x3FB0] =	sst s4  }
0xd: {  	[smem:$0x3FB1] =	sst s5  }
0xe: {  	[smem:$0x3FB2] =	sst s6  }
0xf: {  	[smem:$0x3FB3] =	sst s7  }
0x10: {  	[smem:$0x3FB4] =	sst s8  }
0x11: {  	[smem:$0x3FB5] =	sst s9;
	s0 =	simm.s32 @!p0 $0x0  }
0x12: {  	s1 =	sld [smem:$0x3F9B];
	s0 =	simm.s32 @p0 $0x1  }
0x13: {  	[smem:$0x3FB6] =	sst s0;
	s0 =	simm.s32 @!p1 $0x0  }
0x14: {  	s2 =	sld [smem:$0x3F9A];
	s0 =	simm.s32 @p1 $0x1  }
0x15: {  	[smem:$0x3FB7] =	sst s0;
	s0 =	simm.s32 @!p2 $0x0  }
0x16: {  	s3 =	sld [smem:$0x3FDB];
	s0 =	simm.s32 @p2 $0x1  }
0x17: {  	s4 =	simm.s32 $0x1BF5;
	[smem:$0x3FB9] =	sst s0  }
0x18: {  	s0 =	sld [smem:$0x3F9C];
	_ =	swait.ge [sflag:s4], $0x0  }
0x19: {  	s7 =	sld [smem:$0x3F9D]  }
0x1a: {  	s8 =	sadd.s32 $0xFFFFE003, lr  }
0x1b: {  	s9 =	sadd.s32 $0xFFFFFEF7, lr;
	s5 =	simm.s32 $0xFFFFFFFF;
	p2 =	slt.u32 s8, $0xFFFFF086  }
0x1c: {  	p1 =	slt.u32 s9, $0xF7A;
	s5 =	simm.s32 @!p2 $0x0  }
0x1d: {  	s5 =	simm.s32 @p1 $0x1;
	p0 =	seq.s32 s7, s2  }
0x1e: {  	s7 =	smul.u32 @!p0 $0xF7A, s2;
	p2 =	seq.s32 @!p0 s5, $0x0  }
0x1f: {  	s9 =	smul.u32 $0xF7A, s1;
	s8 =	simm.s32 @!p0 $0x1BF5;
	p2 =	por !p2, p0  }
0x20: {  	[sflag:s8] =	ssyncset.s32 @!p0 $0xFFFFF086;
	s6 =	sadd.s32 @!p0 s3, s7;
	s7 =	simm.s32 @!p0 $0x108  }
0x21: {  	s3 =	sadd.s32 s3, s9;
	s6 =	sadd.s32 @!p0 $0x88, s6;
	s7 =	simm.s32 @p2 $0x1082  }
0x22: {  	[simem:s7], [sflag:s8] =	dma.local @!p0 [hbm:s6], $0xF7A  }
0x23: {  	s9 =	sor.u32 $0xD0000000, s2;
	s6 =	simm.s32 $0x108;
	_ =	swait.ge @!p0 [sflag:s8], $0x0  }
0x24: {  	s3 =	sadd.s32 $0x88, s3;
	s6 =	simm.s32 @!p1 $0x1082;
	[sflag:s4] =	ssyncset.s32 $0xFFFFF086  }
0x25: {  	[simem:s6], [sflag:s4] =	dma.local [hbm:s3], $0xF7A  }
0x26: {  	[smem:$0x3F9D] =	sst s1;
	(tag) =	ssettag s2;
	_ =	strace s9  }
0x27: {  	s1 =	sld [smem:$0x3FAD]  }
0x28: {  	s2 =	sld [smem:$0x3FAE]  }
0x29: {  	s4 =	sld [smem:$0x3FB0]  }
0x2a: {  	p0 =	seq.s32 s5, $0x0;
	s5 =	sld [smem:$0x3FB1]  }
0x2b: {  	s6 =	sld [smem:$0x3FB2]  }
0x2c: {  	s7 =	sld [smem:$0x3FB3]  }
0x2d: {  	s3 =	simm.s32 $0x108;
	s8 =	sld [smem:$0x3FB4]  }
0x2e: {  	s3 =	simm.s32 @!p0 $0x1082;
	s9 =	sld [smem:$0x3FB5]  }
0x2f: {  	lr =	sadd.s32 s0, s3;
	s0 =	sld [smem:$0x3FAC]  }
0x30: {  	s3 =	sld [smem:$0x3FAF]  }
0x31: {  	[smem:$0x3FB8] =	sst s10  }
0x32: {  	s10 =	sld [smem:$0x3FB6];
	_ =	sdelay $0x3  }
0x33: {  	p0 =	seq.s32 s10, $0x1;
	s10 =	sld [smem:$0x3FB8];
	_ =	sdelay $0x3  }
0x34: {  	[smem:$0x3FB8] =	sst s10  }
0x35: {  	s10 =	sld [smem:$0x3FB7];
	_ =	sdelay $0x3  }
0x36: {  	p1 =	seq.s32 s10, $0x1;
	s10 =	sld [smem:$0x3FB8];
	_ =	sdelay $0x3  }
0x37: {  	[smem:$0x3FB8] =	sst s10  }
0x38: {  	s10 =	sld [smem:$0x3FB9]  }
0x39: {  	_ = 	snop;
	(pc) =	sbr.ind lr, $3  }
0x3a: {  	_ = 	snop  }
0x3b: {  	_ = 	snop  }
0x3c: {  	p2 =	seq.s32 s10, $0x1;
	s10 =	sld [smem:$0x3FB8]  }
0x3d: {  	_ =	shalt  }
0x3e: {  	_ =	shalt  }
0x3f: {  	_ =	shalt  }
0x40: {  	_ =	shalt  }
0x41: {  	_ =	shalt  }
0x42: {  	_ =	shalt  }
0x43: {  	_ =	shalt  }
0x44: {  	_ =	shalt  }
0x45: {  	_ =	shalt  }
0x46: {  	_ =	shalt  }
0x47: {  	_ =	shalt  }
0x48: {  	_ =	shalt  }
0x49: {  	_ =	shalt  }
0x4a: {  	_ =	shalt  }
0x4b: {  	_ =	shalt  }
0x4c: {  	_ =	shalt  }
0x4d: {  	_ =	shalt  }
0x4e: {  	_ =	shalt  }
0x4f: {  	_ =	shalt  }
0x50: {  	_ =	shalt  }
0x51: {  	_ =	shalt  }
0x52: {  	_ =	shalt  }
0x53: {  	_ =	shalt  }
0x54: {  	_ =	shalt  }
0x55: {  	_ =	shalt  }
0x56: {  	_ =	shalt  }
0x57: {  	_ =	shalt  }
0x58: {  	_ =	shalt  }
0x59: {  	_ =	shalt  }
0x5a: {  	_ =	shalt  }
0x5b: {  	_ =	shalt  }
0x5c: {  	_ =	shalt  }
0x5d: {  	_ =	shalt  }
0x5e: {  	_ =	shalt  }
0x5f: {  	_ =	shalt  }
0x60: {  	_ =	shalt  }
0x61: {  	_ =	shalt  }
0x62: {  	_ =	shalt  }
0x63: {  	_ =	shalt  }
0x64: {  	_ =	shalt  }
0x65: {  	_ =	shalt  }
0x66: {  	_ =	shalt  }
0x67: {  	_ =	shalt  }
0x68: {  	_ =	shalt  }
0x69: {  	_ =	shalt  }
0x6a: {  	_ =	shalt  }
0x6b: {  	_ =	shalt  }
0x6c: {  	_ =	shalt  }
0x6d: {  	_ =	shalt  }
0x6e: {  	_ =	shalt  }
0x6f: {  	_ =	shalt  }
0x70: {  	_ =	shalt  }
0x71: {  	_ =	shalt  }
0x72: {  	_ =	shalt  }
0x73: {  	_ =	shalt  }
0x74: {  	_ =	shalt  }
0x75: {  	_ =	shalt  }
0x76: {  	_ =	shalt  }
0x77: {  	_ =	shalt  }
0x78: {  	_ =	shalt  }
0x79: {  	_ =	shalt  }
0x7a: {  	_ =	shalt  }
0x7b: {  	_ =	shalt  }
0x7c: {  	_ =	shalt  }
0x7d: {  	_ =	shalt  }
0x7e: {  	_ =	shalt  }
0x7f: {  	_ =	shalt  }
0x80: {  	_ =	shalt  }
0x81: {  	_ =	shalt  }
0x82: {  	_ =	shalt  }
0x83: {  	_ =	shalt  }
0x84: {  	_ =	shalt  }
0x85: {  	_ =	shalt  }
0x86: {  	_ =	shalt  }
0x87: {  	_ =	shalt  }
.Lfunc_end0:
.L_simem_size_0:
called_computation_lowered:
.L_overlay_start_0:
0x88: {  	s2 =	sld [smem:$0x3FD9]  }
0x89: {  	s3 =	sld [smem:$0x3FFE];
	_ =	sdelay $0x1  }
0x8a: {  	s1 =	srdreg.scid  }
0x8b: {  	s0 =	sand.u32 $0x1, s1  }
0x8c: {  	s17 =	sshll.u32 s0, $0xA;
	s2 =	sadd.s32 s3, s2  }
0x8d: {  	s2 =	sadd.s32 s2, s17  }
0x8e: {  	[smem:$0x3FC4] =	sst s2  }
0x8f: {  	_ = 	snop  }
0x90: {  	s2 =	sld [smem:$0x3FC9]  }
0x91: {  	s18 =	sld [smem:$0x3FC8]  }
0x92: {  	s4 =	sld [smem:$0x3FD0];
	(tm) =	ssettm $0x1  }
0x93: {  	s5 =	sld [smem:$0x3FFB];
	_ =	sdelay $0x3  }
0x94: {  	_ =	strace s5  }
0x95: {  	s5 =	sld [smem:$0x3FFC];
	_ =	sdelay $0x3  }
0x96: {  	_ =	strace s5  }
0x97: {  	s5 =	sld [smem:$0x3FFD];
	_ =	sdelay $0x3  }
0x98: {  	_ =	strace s5  }
0x99: {  	_ =	strace $0x8FFFFFFF  }
0x9a: {  	s19 =	sld [smem:$0x3FDB];
	_ =	sdelay $0x1  }
0x9b: {  	s6 =	simm.s32 $_scs_section_size  }
0x9c: {  	s7 =	simm.s32 $_size__tile_overlayer_lowered;
	s8 =	simm.s32 $_tile_overlayer_lowered  }
0x9d: {  	s22 =	simm.s32 $0x1BFF;
	s21 =	sshll.u32 s8, $0x1;
	s5 =	sadd.s32 s6, s19  }
0x9e: {  	s9 =	simm.s32 $0x0;
	s20 =	sshll.u32 s7, $0x1;
	s7 =	sadd.s32 s21, s5  }
0x9f: {  	[timem:s9], [sflag:s22] =	dma.local [hbm:s7], s20  }
0xa0: {  	_ =	swait.ge [sflag:s22], s20  }
0xa1: {  	s6 =	ssub.s32 $0x0, s20;
	[sflag:s22] =	ssyncset.done $0x0  }
0xa2: {  	[sflag:s22] =	ssyncadd.s32 s6;
	_ =	sdelay $0x1  }
0xa3: {  	s23 =	simm.s32 $0x1B8B  }
0xa4: {  	_ =	swait.ge [sflag:s23], $0x1  }
0xa5: {  	[sflag:s23] =	ssyncset.done $0x0  }
0xa6: {  	s25 =	simm.s32 $0x1B8E;
	s24 =	sld [smem:$0x3FFE];
	[sflag:s23] =	ssyncadd.s32 $0xFFFFFFFF  }
0xa7: {  	s26 =	simm.s32 $execute0_lowered;
	[smem:$0x3FD2] =	sst s25  }
0xa8: {  	s7 =	sshll.u32 s26, $0x1;
	_ =	strace $0x80000046;
	[dreg:$0x1] =	wrdreg $0xFFFFFFFF  }
0xa9: {  	s28 =	simm.s32 $_size_execute0_lowered;
	s5 =	sadd.s32 s5, s7;
	[dreg:$0x0] =	wrdreg $0x0  }
0xaa: {  	s7 =	sshll.u32 s28, $0x1;
	[dreg:$0x2] =	wrdreg s5  }
0xab: {  	[dreg:$0x3] =	wrdreg s7  }
0xac: {  	[dreg:$0x4] =	wrdreg $0xC0  }
0xad: {  	_ =	task [dreg:s9], $0x5FFFF  }
0xae: {  	[dreg:$0x1] =	wrdreg $0xFFFFFFFF  }
0xaf: {  	[dreg:$0x0] =	wrdreg $0x60  }
0xb0: {  	[dreg:$0x2] =	wrdreg s2  }
0xb1: {  	[dreg:$0x3] =	wrdreg s18  }
0xb2: {  	[dreg:$0x4] =	wrdreg s24  }
0xb3: {  	[dreg:$0x5] =	wrdreg s4  }
0xb4: {  	[dreg:$0x6] =	wrdreg $0x9  }
0xb5: {  	_ =	task.clear_ibuf [dreg:s9], $0x7FFFF;
	_ =	strace $0x90000046  }
0xb6: {  	s29 =	simm.s32 $0x9;
	_ =	strace $0x80000048  }
0xb7: {  	_ =	swait.ge [sflag:s29], $0x1  }
0xb8: {  	[sflag:s29] =	ssyncadd.s32 $0xFFFFFFFF  }
0xb9: {  	_ =	strace $0x90000048  }
0xba: {  	_ =	sfence  }
0xbb: {  	s30 =	sld [smem:$0x0];
	_ =	sdelay $0x2  }
0xbc: {  	s31 =	sshll.u32 s1, $0xD;
	s1 =	sshrl.u32 s1, $0x2  }
0xbd: {  	s3 =	sand.u32 $0x4000, s31;
	s1 =	sadd.s32 s1, s30  }
0xbe: {  	s0 =	sor.u32 s3, s0;
	s1 =	sshll.u32 s1, $0x11  }
0xbf: {  	s0 =	sor.u32 s1, s0  }
0xc0: {  	s0 =	sadd.s32 $0x8F2B, s0  }
0xc1: {  	[sflag:s0] =	ssyncadd.remote.s32 $0x1  }
0xc2: {  	_ =	sfence.sel $0xFFFF  }
0xc3: {  	[dreg:$0x0] =	wrdreg $0xFFFFFFFF;
	(pc) =	sbr.abs _section_cstart, $3  }
0xc4: {  	[dreg:$0x1] =	wrdreg $0xFFFFFFFF  }
0xc5: {  	_ =	task.clear_ibuf [dreg:s9], $0x2FFFF;
	_ =	strace $0x9FFFFFFF  }
0xc6: {  	(tm) =	ssettm $0x7FFFFFFF  }
0xc7: {  	_ =	shalt  }
tec
execute0_lowered:
.L_overlay_start_1:
0x0: {  	(tag) =	ssettag $0x1  }
0x1: {  	s0 =	rddreg [dreg:$0x0]  }
0x2: {  	s1 =	rddreg [dreg:$0x1]  }
0x3: {  	s4 =	rddreg [dreg:$0x2];
	s3 =	srdreg.scid  }
0x4: {  	s5 =	rddreg [dreg:$0x3];
	s2 =	stileid.u32;
	s3 =	sand.u32 $0x1, s3  }
0x5: {  	s12 =	simm.s32 $0x0;
	s7 =	sshll.u32 s2, $0x7;
	s8 =	sshll.u32 s3, $0x6  }
0x6: {  	[smem:$0x7FF] =	sst s12;
	s7 =	sor.u32 s8, s7  }
0x7: {  	vm0 =	vmmov $0x1;
	vm1 =	vmmov $0x3;
	vm2 =	vmmov $0x7;
	_ =	strace $0x80000047;
	s6 =	ssub.s32 $0x2, s3;
	s0 =	sadd.s32 s0, s7  }
0x8: {  	vm3 =	vmmov $0xf;
	vm4 =	vmmov $0x1f;
	vm5 =	vmmov $0x3f;
	s9 =	sshrl.u32 s6, $0x1;
	s29 =	sadd.s32 s1, s7;
	[dreg:$0x17] =	wrdreg s0  }
0x9: {  	vm6 =	vmmov $0x7f;
	vm7 =	vmmov $0xff;
	vm8 =	vmmov $0x1ff;
	s6 =	ssub.s32 s6, s9;
	s30 =	sadd.s32 s5, s7;
	[dreg:$0x18] =	wrdreg s29  }
0xa: {  	vm9 =	vmmov $0x3ff;
	vm10 =	vmmov $0x7ff;
	vm11 =	vmmov $0xfff;
	s2 =	simm.s32 $0x0;
	[dreg:$0x19] =	wrdreg s30;
	s31 =	smax.u32 s6, $0x1  }
0xb: {  	vm12 =	vmmov $0x1fff;
	vm13 =	vmmov $0x3fff;
	vm14 =	vmmov $0x7fff;
	s3 =	sadd.s32 $0x400, s4;
	s4 =	sadd.s32 $0xF42800, s4;
	[dreg:$0x1a] =	wrdreg s31  }
.LBB2_1:
0xc: {  	[dreg:$0x1b] =	wrdreg s2  }
0xd: {  	s0 =	rddreg [dreg:$0x17];
	s14 =	simm.s32 $0x1  }
0xe: {  	[tilespmem:s12], [sflag:$0x1] =	stream.linear.gather [hbm4b:s0+s12], $0x200, $0x38;
	[tilespmem:$0x10600] =	vst v63  }
0xf: {  	_ =	swait.ge [sflag:s14], $0x200  }
0x10: {  	[sflag:s14] =	ssyncset.done $0x0  }
0x11: {  	s15 =	simm.s32 $0x200;
	s1 =	rddreg [dreg:$0x18];
	[sflag:s14] =	ssyncadd.s32 $0xFFFFFE00  }
0x12: {  	[tilespmem:s15], [sflag:$0x1] =	stream.linear.gather [hbm4b:s1+s12], $0x200, $0x38;
	[tilespmem:$0x10600] =	vst v63  }
0x13: {  	_ =	swait.ge [sflag:s14], $0x200  }
0x14: {  	[sflag:s14] =	ssyncset.done $0x0  }
0x15: {  	[sflag:s14] =	ssyncadd.s32 $0xFFFFFE00  }
0x16: {  	v0 =	vld [tilespmem:s12+$0x0]  }
0x17: {  	v2 =	vld [tilespmem:s15+$0x0];
	_ =	sdelay $0x3  }
0x18: {  	v1 =	vshll.u32 v0, $0x4  }
0x19: {  	v63 =	vshll.u32 v2, $0x4;
	(v2sf) =	vpush v1, $0x0  }
0x1a: {  	(v2sf) =	vpush v63, $0x0  }
0x1b: {  	(v2sf) =	vpush v1, $0x1;
	_ =	sdelay $0x2  }
0x1c: {  	(v2sf) =	vpush v63, $0x1;
	_ =	sdelay $0x1  }
0x1d: {  	(v2sf) =	vpush v1, $0x2;
	_ =	sdelay $0x1  }
0x1e: {  	(v2sf) =	vpush v63, $0x2  }
0x1f: {  	s22 =	simm.s32 $0x2000  }
0x20: {  	s21 =	simm.s32 $0x0;
	s5 =	simm.s32 $0x8400;
	s6 =	simm.s32 $0x680;
	(v2sf) =	vpush v1, $0x3  }
0x21: {  	s7 =	simm.s32 $0x400;
	s9 =	simm.s32 $0x600;
	s10 =	simm.s32 $0x580  }
0x22: {  	s19 =	simm.s32 $0x480;
	s24 =	simm.s32 $0x8480;
	s26 =	simm.s32 $0x500  }
0x23: {  	s31 =	simm.s32 $0xA00;
	s28 =	simm.s32 $0x210;
	s30 =	simm.s32 $0xB00  }
0x24: {  	s29 =	simm.s32 $0x8B00;
	s0 =	simm.s32 $0x8900;
	s8 =	spop (v2sf);
	(v2sf) =	vpush v63, $0x3  }
0x25: {  	s1 =	simm.s32 $0x880;
	s8 =	sand.u32 $0x1FFFFFF0, s8;
	s11 =	spop (v2sf)  }
0x26: {  	s14 =	simm.s32 $0x8500;
	(v2sf) =	vpush v1, $0x4;
	s8 =	sadd.s32 s3, s8;
	s17 =	spop (v2sf)  }
0x27: {  	(v2sf) =	vpush v63, $0x4;
	[tilespmem:s7], [sflag:$0x2] =	stream.linear.gather [hbm4b:s8+s12], $0x80, $0x38;
	[tilespmem:$0x10600] =	vst v63  }
0x28: {  	s16 =	sand.u32 $0x1FFFFFF0, s11;
	s7 =	simm.s32 $0x8580;
	s11 =	sand.u32 $0x1FFFFFF0, s17  }
0x29: {  	s8 =	sadd.s32 s4, s16;
	s18 =	spop (v2sf);
	s20 =	sadd.s32 s3, s11  }
0x2a: {  	(v2sf) =	vpush v1, $0x5;
	[tilespmem:s5], [sflag:$0x3] =	stream.linear.gather [hbm4b:s8+s12], $0x80, $0x38;
	[tilespmem:$0x10600] =	vst v63  }
0x2b: {  	s23 =	sand.u32 $0x1FFFFFF0, s18;
	s25 =	spop (v2sf);
	s18 =	simm.s32 $0x8600  }
0x2c: {  	(v2sf) =	vpush v63, $0x5;
	[tilespmem:s19], [sflag:$0x4] =	stream.linear.gather [hbm4b:s20+s12], $0x80, $0x38;
	[tilespmem:$0x10600] =	vst v63  }
0x2d: {  	s11 =	sadd.s32 s4, s23;
	s8 =	sand.u32 $0x1FFFFFF0, s25;
	s2 =	spop (v2sf)  }
0x2e: {  	(v2sf) =	vpush v1, $0x6;
	[tilespmem:s24], [sflag:$0x5] =	stream.linear.gather [hbm4b:s11+s12], $0x80, $0x38;
	[tilespmem:$0x10600] =	vst v63  }
0x2f: {  	s8 =	sadd.s32 s3, s8;
	s13 =	spop (v2sf);
	s11 =	sand.u32 $0x1FFFFFF0, s2  }
0x30: {  	(v2sf) =	vpush v63, $0x6;
	[tilespmem:s26], [sflag:$0x6] =	stream.linear.gather [hbm4b:s8+s12], $0x80, $0x38;
	[tilespmem:$0x10600] =	vst v63  }
0x31: {  	s5 =	simm.s32 $0x8A00;
	s16 =	sand.u32 $0x1FFFFFF0, s13;
	s15 =	sadd.s32 s4, s11  }
0x32: {  	[tilespmem:s14], [sflag:$0x7] =	stream.linear.gather [hbm4b:s15+s12], $0x80, $0x38;
	[tilespmem:$0x10600] =	vst v63  }
0x33: {  	s25 =	simm.s32 $0x8680;
	s11 =	sadd.s32 s3, s16;
	s17 =	spop (v2sf)  }
0x34: {  	(v2sf) =	vpush v1, $0x7;
	[tilespmem:s10], [sflag:$0x8] =	stream.linear.gather [hbm4b:s11+s12], $0x80, $0x38;
	[tilespmem:$0x10600] =	vst v63  }
0x35: {  	s13 =	simm.s32 $0xA80;
	s8 =	sand.u32 $0x1FFFFFF0, s17;
	s19 =	spop (v2sf)  }
0x36: {  	(v2sf) =	vpush v63, $0x7;
	s8 =	sadd.s32 s4, s8;
	s11 =	sand.u32 $0x1FFFFFF0, s19;
	s20 =	spop (v2sf)  }
0x37: {  	(v2sf) =	vpush v1, $0x8;
	[tilespmem:s7], [sflag:$0x9] =	stream.linear.gather [hbm4b:s8+s12], $0x80, $0x38;
	[tilespmem:$0x10600] =	vst v63  }
0x38: {  	s2 =	simm.s32 $0x700;
	s23 =	sadd.s32 s3, s11;
	s24 =	sand.u32 $0x1FFFFFF0, s20  }
0x39: {  	s26 =	spop (v2sf);
	(v2sf) =	vpush v63, $0x8;
	s11 =	simm.s32 $0x8A80;
	s20 =	simm.s32 $0x8700  }
0x3a: {  	(v2sf) =	vpush v1, $0x9;
	[tilespmem:s9], [sflag:$0x2] =	stream.linear.gather [hbm4b:s23+s12], $0x80, $0x38;
	[tilespmem:$0x10600] =	vst v63  }
0x3b: {  	s8 =	sadd.s32 s4, s24;
	s14 =	spop (v2sf);
	s9 =	sand.u32 $0x1FFFFFF0, s26  }
0x3c: {  	(v2sf) =	vpush v63, $0x9;
	[tilespmem:s18], [sflag:$0x3] =	stream.linear.gather [hbm4b:s8+s12], $0x80, $0x38;
	[tilespmem:$0x10600] =	vst v63  }
0x3d: {  	s10 =	sand.u32 $0x1FFFFFF0, s14;
	s15 =	spop (v2sf);
	s9 =	sadd.s32 s3, s9;
	(v2sf) =	vpush v1, $0xA  }
0x3e: {  	[tilespmem:s6], [sflag:$0x4] =	stream.linear.gather [hbm4b:s9+s12], $0x80, $0x38;
	[tilespmem:$0x10600] =	vst v63  }
0x3f: {  	s16 =	sadd.s32 s4, s10;
	s17 =	sand.u32 $0x1FFFFFF0, s15;
	s18 =	spop (v2sf);
	(v2sf) =	vpush v63, $0xA  }
0x40: {  	[tilespmem:s25], [sflag:$0x5] =	stream.linear.gather [hbm4b:s16+s12], $0x80, $0x38;
	[tilespmem:$0x10600] =	vst v63  }
0x41: {  	s10 =	simm.s32 $0x8780;
	s19 =	sadd.s32 s3, s17;
	s7 =	sand.u32 $0x1FFFFFF0, s18  }
0x42: {  	[tilespmem:s2], [sflag:$0x6] =	stream.linear.gather [hbm4b:s19+s12], $0x80, $0x38;
	[tilespmem:$0x10600] =	vst v63  }
0x43: {  	s15 =	simm.s32 $0x800;
	s7 =	sadd.s32 s4, s7;
	s23 =	spop (v2sf)  }
0x44: {  	[tilespmem:s20], [sflag:$0x7] =	stream.linear.gather [hbm4b:s7+s12], $0x80, $0x38;
	[tilespmem:$0x10600] =	vst v63  }
0x45: {  	s18 =	simm.s32 $0x8800;
	(v2sf) =	vpush v1, $0xB;
	s9 =	sand.u32 $0x1FFFFFF0, s23;
	s24 =	spop (v2sf)  }
0x46: {  	s25 =	simm.s32 $0x780;
	s26 =	sadd.s32 s3, s9;
	s14 =	spop (v2sf)  }
0x47: {  	(v2sf) =	vpush v63, $0xB;
	[tilespmem:s25], [sflag:$0x8] =	stream.linear.gather [hbm4b:s26+s12], $0x80, $0x38;
	[tilespmem:$0x10600] =	vst v63  }
0x48: {  	s6 =	simm.s32 $0x8980;
	s2 =	sand.u32 $0x1FFFFFF0, s24;
	s16 =	spop (v2sf)  }
0x49: {  	s23 =	simm.s32 $0x8880;
	s9 =	sadd.s32 s4, s2;
	(v2sf) =	vpush v1, $0xC;
	s17 =	spop (v2sf)  }
0x4a: {  	[tilespmem:s10], [sflag:$0x9] =	stream.linear.gather [hbm4b:s9+s12], $0x80, $0x38;
	[tilespmem:$0x10600] =	vst v63  }
0x4b: {  	s8 =	sand.u32 $0x1FFFFFF0, s14;
	s25 =	simm.s32 $0x900;
	(v2sf) =	vpush v63, $0xC;
	s24 =	spop (v2sf)  }
0x4c: {  	s8 =	sadd.s32 s3, s8;
	s9 =	sand.u32 $0x1FFFFFF0, s16;
	s26 =	spop (v2sf)  }
0x4d: {  	[tilespmem:s15], [sflag:$0x2] =	stream.linear.gather [hbm4b:s8+s12], $0x80, $0x38;
	[tilespmem:$0x10600] =	vst v63  }
0x4e: {  	s20 =	sand.u32 $0x1FFFFFF0, s17;
	s19 =	sadd.s32 s4, s9;
	s2 =	spop (v2sf)  }
0x4f: {  	[tilespmem:s18], [sflag:$0x3] =	stream.linear.gather [hbm4b:s19+s12], $0x80, $0x38;
	[tilespmem:$0x10600] =	vst v63  }
0x50: {  	s9 =	sadd.s32 s3, s20;
	s8 =	sand.u32 $0x1FFFFFF0, s24;
	s14 =	sand.u32 $0x1FFFFFF0, s2  }
0x51: {  	[tilespmem:s1], [sflag:$0x4] =	stream.linear.gather [hbm4b:s9+s12], $0x80, $0x38;
	[tilespmem:$0x10600] =	vst v63  }
0x52: {  	s8 =	sadd.s32 s4, s8;
	s16 =	sadd.s32 s4, s14;
	s9 =	sand.u32 $0x1FFFFFF0, s26  }
0x53: {  	[tilespmem:s23], [sflag:$0x5] =	stream.linear.gather [hbm4b:s8+s12], $0x80, $0x38;
	[tilespmem:$0x10600] =	vst v63  }
0x54: {  	s19 =	simm.s32 $0x980;
	s9 =	sadd.s32 s3, s9;
	s15 =	spop (v2sf)  }
0x55: {  	[tilespmem:s25], [sflag:$0x6] =	stream.linear.gather [hbm4b:s9+s12], $0x80, $0x38;
	[tilespmem:$0x10600] =	vst v63  }
0x56: {  	s26 =	simm.s32 $0x10;
	(v2sf) =	vpush v1, $0xD;
	s17 =	sand.u32 $0x1FFFFFF0, s15;
	s18 =	spop (v2sf)  }
0x57: {  	(v2sf) =	vpush v63, $0xD;
	[tilespmem:s0], [sflag:$0x7] =	stream.linear.gather [hbm4b:s16+s12], $0x80, $0x38;
	[tilespmem:$0x10600] =	vst v63  }
0x58: {  	s20 =	sadd.s32 s3, s17;
	s23 =	sand.u32 $0x1FFFFFF0, s18;
	(v2sf) =	vpush v1, $0xE;
	s25 =	spop (v2sf)  }
0x59: {  	(v2sf) =	vpush v63, $0xE;
	[tilespmem:s19], [sflag:$0x8] =	stream.linear.gather [hbm4b:s20+s12], $0x80, $0x38;
	[tilespmem:$0x10600] =	vst v63  }
0x5a: {  	s24 =	sadd.s32 s4, s23;
	(v2sf) =	vpush v1, $0xF;
	s0 =	sand.u32 $0x1FFFFFF0, s25;
	s1 =	spop (v2sf)  }
0x5b: {  	(v2sf) =	vpush v63, $0xF;
	[tilespmem:s6], [sflag:$0x9] =	stream.linear.gather [hbm4b:s24+s12], $0x80, $0x38;
	[tilespmem:$0x10600] =	vst v63  }
.LBB2_2:
0x5c: {  	_ =	sdelay $0x4  }
0x5d: {  	s0 =	sadd.s32 s3, s0;
	s1 =	sand.u32 $0x1FFFFFF0, s1  }
0x5e: {  	[tilespmem:s31], [sflag:$0x2] =	stream.linear.gather [hbm4b:s0+s12], $0x80, $0x38;
	[tilespmem:$0x10600] =	vst v63  }
0x5f: {  	s2 =	sadd.s32 s4, s1  }
0x60: {  	[tilespmem:s5], [sflag:$0x3] =	stream.linear.gather [hbm4b:s2+s12], $0x80, $0x38;
	[tilespmem:$0x10600] =	vst v63  }
0x61: {  	s6 =	spop (v2sf)  }
0x62: {  	s6 =	sand.u32 $0x1FFFFFF0, s6;
	s7 =	spop (v2sf)  }
0x63: {  	s8 =	sadd.s32 s3, s6;
	s9 =	sand.u32 $0x1FFFFFF0, s7;
	s10 =	spop (v2sf)  }
0x64: {  	[tilespmem:s13], [sflag:$0x4] =	stream.linear.gather [hbm4b:s8+s12], $0x80, $0x38;
	[tilespmem:$0x10600] =	vst v63  }
0x65: {  	s14 =	sadd.s32 s4, s9;
	s15 =	sand.u32 $0x1FFFFFF0, s10;
	s16 =	spop (v2sf)  }
0x66: {  	[tilespmem:s11], [sflag:$0x5] =	stream.linear.gather [hbm4b:s14+s12], $0x80, $0x38;
	[tilespmem:$0x10600] =	vst v63  }
0x67: {  	s17 =	sadd.s32 s3, s15;
	s18 =	sand.u32 $0x1FFFFFF0, s16;
	s19 =	spop (v2sf)  }
0x68: {  	[tilespmem:s30], [sflag:$0x6] =	stream.linear.gather [hbm4b:s17+s12], $0x80, $0x38;
	[tilespmem:$0x10600] =	vst v63  }
0x69: {  	s20 =	sadd.s32 s4, s18;
	s23 =	sand.u32 $0x1FFFFFF0, s19;
	s24 =	spop (v2sf)  }
0x6a: {  	[tilespmem:s29], [sflag:$0x7] =	stream.linear.gather [hbm4b:s20+s12], $0x80, $0x38;
	[tilespmem:$0x10600] =	vst v63  }
0x6b: {  	s25 =	sadd.s32 $0xB80, s21;
	s1 =	sadd.s32 s3, s23;
	s5 =	sand.u32 $0x1FFFFFF0, s24  }
0x6c: {  	[tilespmem:s25], [sflag:$0x8] =	stream.linear.gather [hbm4b:s1+s12], $0x80, $0x38;
	[tilespmem:$0x10600] =	vst v63  }
0x6d: {  	s2 =	sadd.s32 $0x8B80, s21;
	s6 =	sadd.s32 s4, s5  }
0x6e: {  	[tilespmem:s2], [sflag:$0x9] =	stream.linear.gather [hbm4b:s6+s12], $0x80, $0x38;
	[tilespmem:$0x10600] =	vst v63  }
0x6f: {  	v0 =	vld [tilespmem:s26+$0x0]  }
0x70: {  	v2 =	vld [tilespmem:s28+$0x0];
	_ =	sdelay $0x3  }
0x71: {  	v1 =	vshll.u32 v0, $0x4  }
0x72: {  	s7 =	smov.u32 s22;
	v63 =	vshll.u32 v2, $0x4;
	(v2sf) =	vpush v1, $0x0  }
0x73: {  	s21 =	sshra.s32 s7, $0x2;
	(v2sf) =	vpush v63, $0x0  }
0x74: {  	p0 =	sne.s32 s22, $0x1E000;
	s22 =	sadd.s32 $0x2000, s22;
	s9 =	sadd.s32 $0x680, s21;
	(v2sf) =	vpush v1, $0x1  }
0x75: {  	s0 =	sadd.s32 $0x880, s21;
	s15 =	sadd.s32 $0x600, s21;
	s8 =	sadd.s32 $0x8900, s21  }
0x76: {  	s10 =	sadd.s32 $0x8A00, s21;
	s16 =	sadd.s32 $0x8600, s21;
	[dreg:$0xa] =	wrdreg s0;
	(v2sf) =	vpush v63, $0x1  }
0x77: {  	s13 =	sadd.s32 $0x700, s21;
	s31 =	sadd.s32 $0xA00, s21;
	[dreg:$0x6] =	wrdreg s8  }
0x78: {  	s7 =	sadd.s32 $0x800, s21;
	[dreg:$0x5] =	wrdreg s10;
	s8 =	sadd.s32 $0xA80, s21;
	(v2sf) =	vpush v1, $0x2  }
0x79: {  	s18 =	sadd.s32 $0x8480, s21;
	s0 =	sadd.s32 $0x8500, s21;
	s14 =	sadd.s32 $0x8680, s21  }
0x7a: {  	s11 =	sadd.s32 $0x8A80, s21;
	s19 =	sadd.s32 $0x8880, s21;
	[dreg:$0x14] =	wrdreg s7;
	(v2sf) =	vpush v63, $0x2  }
0x7b: {  	s10 =	sadd.s32 $0x8780, s21;
	s23 =	sadd.s32 $0x500, s21;
	[dreg:$0x13] =	wrdreg s11  }
0x7c: {  	[dreg:$0xe] =	wrdreg s19;
	s24 =	sadd.s32 $0x900, s21;
	s11 =	sadd.s32 $0x780, s21;
	(v2sf) =	vpush v1, $0x3  }
0x7d: {  	s5 =	sadd.s32 $0x400, s21;
	s17 =	sadd.s32 $0x8580, s21;
	[dreg:$0xc] =	wrdreg s24  }
0x7e: {  	s24 =	sadd.s32 $0x480, s21;
	s30 =	sadd.s32 $0xB00, s21;
	s20 =	sadd.s32 $0x580, s21;
	(v2sf) =	vpush v63, $0x3  }
0x7f: {  	s29 =	sadd.s32 $0x8B00, s21;
	s1 =	sadd.s32 $0x8400, s21;
	s25 =	sadd.s32 $0x8800, s21  }
0x80: {  	[dreg:$0x11] =	wrdreg s25;
	s2 =	sadd.s32 $0x8980, s21;
	s6 =	sadd.s32 $0x8700, s21;
	(v2sf) =	vpush v1, $0x4  }
0x81: {  	[dreg:$0x8] =	wrdreg s2;
	s26 =	sadd.s32 $0x10, s26;
	s7 =	spop (v2sf)  }
0x82: {  	s28 =	sadd.s32 $0x10, s28;
	s25 =	sand.u32 $0x1FFFFFF0, s7;
	s19 =	spop (v2sf);
	(v2sf) =	vpush v63, $0x4  }
0x83: {  	s25 =	sadd.s32 s3, s25;
	s2 =	sand.u32 $0x1FFFFFF0, s19;
	s19 =	spop (v2sf)  }
0x84: {  	(v2sf) =	vpush v1, $0x5;
	[tilespmem:s5], [sflag:$0x2] =	stream.linear.gather [hbm4b:s25+s12], $0x80, $0x38;
	[tilespmem:$0x10600] =	vst v63  }
0x85: {  	s2 =	sadd.s32 s4, s2;
	s19 =	sand.u32 $0x1FFFFFF0, s19;
	s25 =	spop (v2sf);
	(v2sf) =	vpush v63, $0x5  }
0x86: {  	[tilespmem:s1], [sflag:$0x3] =	stream.linear.gather [hbm4b:s2+s12], $0x80, $0x38;
	[tilespmem:$0x10600] =	vst v63  }
0x87: {  	s5 =	sadd.s32 s3, s19;
	s19 =	sand.u32 $0x1FFFFFF0, s25;
	s25 =	spop (v2sf);
	(v2sf) =	vpush v1, $0x6  }
0x88: {  	[tilespmem:s24], [sflag:$0x4] =	stream.linear.gather [hbm4b:s5+s12], $0x80, $0x38;
	[tilespmem:$0x10600] =	vst v63  }
0x89: {  	s19 =	sadd.s32 s4, s19;
	s24 =	sand.u32 $0x1FFFFFF0, s25;
	s25 =	spop (v2sf);
	(v2sf) =	vpush v63, $0x6  }
0x8a: {  	[tilespmem:s18], [sflag:$0x5] =	stream.linear.gather [hbm4b:s19+s12], $0x80, $0x38;
	[tilespmem:$0x10600] =	vst v63  }
0x8b: {  	s2 =	sadd.s32 s3, s24;
	s18 =	sand.u32 $0x1FFFFFF0, s25;
	s19 =	spop (v2sf)  }
0x8c: {  	[tilespmem:s23], [sflag:$0x6] =	stream.linear.gather [hbm4b:s2+s12], $0x80, $0x38;
	[tilespmem:$0x10600] =	vst v63  }
0x8d: {  	(v2sf) =	vpush v1, $0x7;
	s24 =	sand.u32 $0x1FFFFFF0, s19;
	s25 =	spop (v2sf);
	s23 =	sadd.s32 s4, s18  }
0x8e: {  	[tilespmem:s0], [sflag:$0x7] =	stream.linear.gather [hbm4b:s23+s12], $0x80, $0x38;
	[tilespmem:$0x10600] =	vst v63  }
0x8f: {  	(v2sf) =	vpush v63, $0x7;
	s1 =	sadd.s32 s3, s24;
	s2 =	sand.u32 $0x1FFFFFF0, s25;
	s5 =	spop (v2sf)  }
0x90: {  	(v2sf) =	vpush v1, $0x8;
	[tilespmem:s20], [sflag:$0x8] =	stream.linear.gather [hbm4b:s1+s12], $0x80, $0x38;
	[tilespmem:$0x10600] =	vst v63  }
0x91: {  	s7 =	sadd.s32 $0x980, s21;
	s18 =	sadd.s32 s4, s2;
	s20 =	spop (v2sf)  }
0x92: {  	[tilespmem:s17], [sflag:$0x9] =	stream.linear.gather [hbm4b:s18+s12], $0x80, $0x38;
	[tilespmem:$0x10600] =	vst v63  }
0x93: {  	s19 =	sand.u32 $0x1FFFFFF0, s5;
	s24 =	sand.u32 $0x1FFFFFF0, s20;
	s25 =	spop (v2sf)  }
0x94: {  	s23 =	sadd.s32 s3, s19;
	(v2sf) =	vpush v63, $0x8;
	s5 =	sadd.s32 s4, s24;
	s17 =	spop (v2sf)  }
0x95: {  	(v2sf) =	vpush v1, $0x9;
	[tilespmem:s15], [sflag:$0x2] =	stream.linear.gather [hbm4b:s23+s12], $0x80, $0x38;
	[tilespmem:$0x10600] =	vst v63  }
0x96: {  	s15 =	sand.u32 $0x1FFFFFF0, s25;
	s19 =	sand.u32 $0x1FFFFFF0, s17;
	s20 =	spop (v2sf)  }
0x97: {  	(v2sf) =	vpush v63, $0x9;
	[tilespmem:s16], [sflag:$0x3] =	stream.linear.gather [hbm4b:s5+s12], $0x80, $0x38;
	[tilespmem:$0x10600] =	vst v63  }
0x98: {  	s18 =	sadd.s32 s3, s15;
	s24 =	sand.u32 $0x1FFFFFF0, s20;
	s25 =	spop (v2sf)  }
0x99: {  	[tilespmem:s9], [sflag:$0x4] =	stream.linear.gather [hbm4b:s18+s12], $0x80, $0x38;
	[tilespmem:$0x10600] =	vst v63  }
0x9a: {  	s23 =	sadd.s32 s4, s19;
	s5 =	sadd.s32 s3, s24;
	s9 =	sand.u32 $0x1FFFFFF0, s25  }
0x9b: {  	(v2sf) =	vpush v1, $0xA;
	[tilespmem:s14], [sflag:$0x5] =	stream.linear.gather [hbm4b:s23+s12], $0x80, $0x38;
	[tilespmem:$0x10600] =	vst v63  }
0x9c: {  	s15 =	sadd.s32 s4, s9;
	s9 =	rddreg [dreg:$0x14];
	s14 =	spop (v2sf)  }
0x9d: {  	(v2sf) =	vpush v63, $0xA;
	[tilespmem:s13], [sflag:$0x6] =	stream.linear.gather [hbm4b:s5+s12], $0x80, $0x38;
	[tilespmem:$0x10600] =	vst v63  }
0x9e: {  	s16 =	sand.u32 $0x1FFFFFF0, s14;
	s17 =	spop (v2sf);
	s13 =	smov.u32 s8  }
0x9f: {  	s18 =	sadd.s32 s3, s16;
	s19 =	sand.u32 $0x1FFFFFF0, s17;
	s20 =	spop (v2sf)  }
0xa0: {  	[tilespmem:s6], [sflag:$0x7] =	stream.linear.gather [hbm4b:s15+s12], $0x80, $0x38;
	[tilespmem:$0x10600] =	vst v63  }
0xa1: {  	(v2sf) =	vpush v1, $0xB;
	s16 =	rddreg [dreg:$0x11];
	s23 =	sadd.s32 s4, s19;
	s24 =	sand.u32 $0x1FFFFFF0, s20  }
0xa2: {  	[tilespmem:s11], [sflag:$0x8] =	stream.linear.gather [hbm4b:s18+s12], $0x80, $0x38;
	[tilespmem:$0x10600] =	vst v63  }
0xa3: {  	(v2sf) =	vpush v63, $0xB;
	s20 =	rddreg [dreg:$0xa];
	s5 =	sadd.s32 s3, s24;
	s25 =	spop (v2sf)  }
0xa4: {  	(v2sf) =	vpush v1, $0xC;
	s11 =	rddreg [dreg:$0x13];
	s6 =	sand.u32 $0x1FFFFFF0, s25;
	s8 =	spop (v2sf)  }
0xa5: {  	[tilespmem:s10], [sflag:$0x9] =	stream.linear.gather [hbm4b:s23+s12], $0x80, $0x38;
	[tilespmem:$0x10600] =	vst v63  }
0xa6: {  	(v2sf) =	vpush v63, $0xC;
	s10 =	sadd.s32 s4, s6;
	s14 =	sand.u32 $0x1FFFFFF0, s8;
	s15 =	spop (v2sf)  }
0xa7: {  	[tilespmem:s9], [sflag:$0x2] =	stream.linear.gather [hbm4b:s5+s12], $0x80, $0x38;
	[tilespmem:$0x10600] =	vst v63  }
0xa8: {  	s6 =	rddreg [dreg:$0xe];
	s17 =	sadd.s32 s3, s14;
	s18 =	sand.u32 $0x1FFFFFF0, s15  }
0xa9: {  	[tilespmem:s16], [sflag:$0x3] =	stream.linear.gather [hbm4b:s10+s12], $0x80, $0x38;
	[tilespmem:$0x10600] =	vst v63  }
0xaa: {  	s19 =	spop (v2sf);
	s14 =	rddreg [dreg:$0xc];
	s23 =	sadd.s32 s4, s18  }
0xab: {  	[tilespmem:s20], [sflag:$0x4] =	stream.linear.gather [hbm4b:s17+s12], $0x80, $0x38;
	[tilespmem:$0x10600] =	vst v63  }
0xac: {  	s24 =	sand.u32 $0x1FFFFFF0, s19;
	s18 =	rddreg [dreg:$0x6];
	s25 =	spop (v2sf)  }
0xad: {  	[tilespmem:s6], [sflag:$0x5] =	stream.linear.gather [hbm4b:s23+s12], $0x80, $0x38;
	[tilespmem:$0x10600] =	vst v63  }
0xae: {  	s5 =	rddreg [dreg:$0x5];
	s8 =	sadd.s32 s3, s24;
	s9 =	sand.u32 $0x1FFFFFF0, s25  }
0xaf: {  	[tilespmem:s14], [sflag:$0x6] =	stream.linear.gather [hbm4b:s8+s12], $0x80, $0x38;
	[tilespmem:$0x10600] =	vst v63  }
0xb0: {  	s25 =	rddreg [dreg:$0x8];
	s15 =	sadd.s32 s4, s9;
	s10 =	spop (v2sf)  }
0xb1: {  	(v2sf) =	vpush v1, $0xD;
	[tilespmem:s18], [sflag:$0x7] =	stream.linear.gather [hbm4b:s15+s12], $0x80, $0x38;
	[tilespmem:$0x10600] =	vst v63  }
.Ltmp0:
0xb2: {  	(v2sf) =	vpush v63, $0xD;
	s16 =	sand.u32 $0x1FFFFFF0, s10;
	s17 =	spop (v2sf);
	(pc) =	sbr.rel @p0 .LBB2_2-.Ltmp0, $4  }
0xb3: {  	(v2sf) =	vpush v1, $0xE;
	s19 =	sadd.s32 s3, s16;
	s20 =	sand.u32 $0x1FFFFFF0, s17;
	s23 =	spop (v2sf)  }
0xb4: {  	(v2sf) =	vpush v63, $0xE;
	[tilespmem:s7], [sflag:$0x8] =	stream.linear.gather [hbm4b:s19+s12], $0x80, $0x38;
	[tilespmem:$0x10600] =	vst v63  }
0xb5: {  	(v2sf) =	vpush v1, $0xF;
	s24 =	sadd.s32 s4, s20;
	s0 =	sand.u32 $0x1FFFFFF0, s23;
	s1 =	spop (v2sf)  }
0xb6: {  	(v2sf) =	vpush v63, $0xF;
	[tilespmem:s25], [sflag:$0x9] =	stream.linear.gather [hbm4b:s24+s12], $0x80, $0x38;
	[tilespmem:$0x10600] =	vst v63  }
0xb7: {  	_ =	sdelay $0x4  }
0xb8: {  	s0 =	sadd.s32 s3, s0;
	s1 =	sand.u32 $0x1FFFFFF0, s1  }
0xb9: {  	[tilespmem:s31], [sflag:$0x2] =	stream.linear.gather [hbm4b:s0+s12], $0x80, $0x38;
	[tilespmem:$0x10600] =	vst v63  }
0xba: {  	s26 =	sadd.s32 s4, s1  }
0xbb: {  	[tilespmem:s5], [sflag:$0x3] =	stream.linear.gather [hbm4b:s26+s12], $0x80, $0x38;
	[tilespmem:$0x10600] =	vst v63  }
0xbc: {  	s2 =	spop (v2sf)  }
0xbd: {  	s28 =	sand.u32 $0x1FFFFFF0, s2;
	s31 =	spop (v2sf)  }
0xbe: {  	s5 =	sadd.s32 s3, s28;
	s6 =	sand.u32 $0x1FFFFFF0, s31;
	s7 =	spop (v2sf)  }
0xbf: {  	[tilespmem:s13], [sflag:$0x4] =	stream.linear.gather [hbm4b:s5+s12], $0x80, $0x38;
	[tilespmem:$0x10600] =	vst v63  }
0xc0: {  	s8 =	sadd.s32 s4, s6;
	s9 =	sand.u32 $0x1FFFFFF0, s7;
	s10 =	spop (v2sf)  }
0xc1: {  	[tilespmem:s11], [sflag:$0x5] =	stream.linear.gather [hbm4b:s8+s12], $0x80, $0x38;
	[tilespmem:$0x10600] =	vst v63  }
0xc2: {  	s13 =	sadd.s32 s3, s9;
	s14 =	sand.u32 $0x1FFFFFF0, s10;
	s15 =	spop (v2sf)  }
0xc3: {  	[tilespmem:s30], [sflag:$0x6] =	stream.linear.gather [hbm4b:s13+s12], $0x80, $0x38;
	[tilespmem:$0x10600] =	vst v63  }
0xc4: {  	s16 =	sadd.s32 s4, s14;
	s17 =	sand.u32 $0x1FFFFFF0, s15;
	s18 =	spop (v2sf)  }
0xc5: {  	[tilespmem:s29], [sflag:$0x7] =	stream.linear.gather [hbm4b:s16+s12], $0x80, $0x38;
	[tilespmem:$0x10600] =	vst v63  }
0xc6: {  	s19 =	sadd.s32 $0xB80, s21;
	s1 =	sadd.s32 s3, s17;
	s2 =	sand.u32 $0x1FFFFFF0, s18  }
0xc7: {  	[tilespmem:s19], [sflag:$0x8] =	stream.linear.gather [hbm4b:s1+s12], $0x80, $0x38;
	[tilespmem:$0x10600] =	vst v63  }
0xc8: {  	s20 =	sadd.s32 $0x8B80, s21;
	s22 =	simm.s32 $0x2;
	s21 =	sadd.s32 s4, s2  }
0xc9: {  	[tilespmem:s20], [sflag:$0x9] =	stream.linear.gather [hbm4b:s21+s12], $0x80, $0x38;
	[tilespmem:$0x10600] =	vst v63  }
0xca: {  	_ =	swait.ge [sflag:s22], $0x2000  }
0xcb: {  	[sflag:s22] =	ssyncset.done $0x0  }
0xcc: {  	s23 =	simm.s32 $0x3;
	[sflag:s22] =	ssyncadd.s32 $0xFFFFE000  }
0xcd: {  	_ =	swait.ge [sflag:s23], $0x2000  }
0xce: {  	[sflag:s23] =	ssyncset.done $0x0  }
0xcf: {  	s24 =	simm.s32 $0x4;
	[sflag:s23] =	ssyncadd.s32 $0xFFFFE000  }
0xd0: {  	_ =	swait.ge [sflag:s24], $0x2000  }
0xd1: {  	[sflag:s24] =	ssyncset.done $0x0  }
0xd2: {  	s25 =	simm.s32 $0x5;
	[sflag:s24] =	ssyncadd.s32 $0xFFFFE000  }
0xd3: {  	_ =	swait.ge [sflag:s25], $0x2000  }
0xd4: {  	[sflag:s25] =	ssyncset.done $0x0  }
0xd5: {  	s26 =	simm.s32 $0x6;
	[sflag:s25] =	ssyncadd.s32 $0xFFFFE000  }
0xd6: {  	_ =	swait.ge [sflag:s26], $0x2000  }
0xd7: {  	[sflag:s26] =	ssyncset.done $0x0  }
0xd8: {  	s28 =	simm.s32 $0x7;
	[sflag:s26] =	ssyncadd.s32 $0xFFFFE000  }
0xd9: {  	_ =	swait.ge [sflag:s28], $0x2000  }
0xda: {  	[sflag:s28] =	ssyncset.done $0x0  }
0xdb: {  	s29 =	simm.s32 $0x8;
	[sflag:s28] =	ssyncadd.s32 $0xFFFFE000  }
0xdc: {  	_ =	swait.ge [sflag:s29], $0x2000  }
0xdd: {  	[sflag:s29] =	ssyncset.done $0x0  }
0xde: {  	s30 =	simm.s32 $0x9;
	[sflag:s29] =	ssyncadd.s32 $0xFFFFE000  }
0xdf: {  	_ =	swait.ge [sflag:s30], $0x2000  }
0xe0: {  	[sflag:s30] =	ssyncset.done $0x0  }
0xe1: {  	s31 =	simm.s32 $0x0;
	[sflag:s30] =	ssyncadd.s32 $0xFFFFE000  }
0xe2: {  	v0 =	vld [tilespmem:s31+$0xB00]  }
0xe3: {  	v1 =	vld [tilespmem:s31+$0x8B00]  }
0xe4: {  	v2 =	vld [tilespmem:s31+$0xB10]  }
0xe5: {  	v3 =	vld [tilespmem:s31+$0x8B10]  }
0xe6: {  	v4 =	vld [tilespmem:s31+$0xA80]  }
0xe7: {  	v5 =	vld [tilespmem:s31+$0xA00]  }
0xe8: {  	v6 =	vld [tilespmem:s31+$0x8A00]  }
0xe9: {  	v7 =	vld [tilespmem:s31+$0xA10]  }
0xea: {  	v8 =	vld [tilespmem:s31+$0x8A10]  }
0xeb: {  	v9 =	vld [tilespmem:s31+$0x980]  }
0xec: {  	v10 =	vld [tilespmem:s31+$0x8980]  }
0xed: {  	v11 =	vld [tilespmem:s31+$0x990]  }
0xee: {  	v12 =	vld [tilespmem:s31+$0x8990]  }
0xef: {  	v13 =	vld [tilespmem:s31+$0x900]  }
0xf0: {  	v14 =	vld [tilespmem:s31+$0x880]  }
0xf1: {  	v15 =	vld [tilespmem:s31+$0x8880]  }
0xf2: {  	v16 =	vld [tilespmem:s31+$0x890]  }
0xf3: {  	v17 =	vld [tilespmem:s31+$0x8890]  }
0xf4: {  	v18 =	vld [tilespmem:s31+$0x800]  }
0xf5: {  	v19 =	vld [tilespmem:s31+$0x8800]  }
0xf6: {  	v20 =	vld [tilespmem:s31+$0x810]  }
0xf7: {  	v21 =	vld [tilespmem:s31+$0x8810]  }
0xf8: {  	v22 =	vld [tilespmem:s31+$0x780]  }
0xf9: {  	v23 =	vld [tilespmem:s31+$0x700]  }
0xfa: {  	v24 =	vld [tilespmem:s31+$0x8700]  }
0xfb: {  	v25 =	vld [tilespmem:s31+$0x710]  }
0xfc: {  	v26 =	vld [tilespmem:s31+$0x8710]  }
0xfd: {  	v27 =	vld [tilespmem:s31+$0x680]  }
0xfe: {  	v28 =	vld [tilespmem:s31+$0x8680]  }
0xff: {  	v29 =	vld [tilespmem:s31+$0x690]  }
0x100: {  	v30 =	vld [tilespmem:s31+$0x8690]  }
0x101: {  	v31 =	vld [tilespmem:s31+$0x600]  }
0x102: {  	v32 =	vld [tilespmem:s31+$0x580]  }
0x103: {  	v33 =	vld [tilespmem:s31+$0x8580]  }
0x104: {  	v34 =	vld [tilespmem:s31+$0x590]  }
0x105: {  	v35 =	vld [tilespmem:s31+$0x8590]  }
0x106: {  	v36 =	vld [tilespmem:s31+$0x500]  }
0x107: {  	v37 =	vld [tilespmem:s31+$0x8500]  }
0x108: {  	v38 =	vld [tilespmem:s31+$0x510]  }
0x109: {  	v39 =	vld [tilespmem:s31+$0x8510]  }
0x10a: {  	v40 =	vld [tilespmem:s31+$0x8400]  }
0x10b: {  	v41 =	vld [tilespmem:s31+$0x400]  }
0x10c: {  	v0 =	vmul.f32 v1, v0;
	v1 =	vmul.f32 v3, v2;
	v2 =	vld [tilespmem:s31+$0x410]  }
0x10d: {  	v3 =	vmul.f32 v6, v5;
	v5 =	vmul.f32 v8, v7;
	v6 =	vld [tilespmem:s31+$0x8410]  }
0x10e: {  	v7 =	vmul.f32 v12, v11;
	v8 =	vld [tilespmem:s31+$0x480];
	v0 =	vadd.f32 v1, v0;
	v1 =	vmul.f32 v10, v9  }
0x10f: {  	v11 =	vld [tilespmem:s31+$0x490];
	v3 =	vadd.f32 v5, v3;
	v5 =	vmul.f32 v15, v14;
	v9 =	vmul.f32 v17, v16  }
0x110: {  	v12 =	vld [tilespmem:s31+$0x8490];
	(xrf2) =	vadd.scan.msk.f32 $0xffff, v0;
	v0 =	vadd.f32 v7, v1;
	v1 =	vmul.f32 v19, v18;
	v7 =	vmul.f32 v21, v20  }
0x111: {  	v10 =	vld [tilespmem:s31+$0x8480];
	(xrf2) =	vadd.scan.msk.f32 $0xffff, v3;
	v3 =	vadd.f32 v9, v5;
	v5 =	vmul.f32 v24, v23;
	v9 =	vmul.f32 v26, v25  }
0x112: {  	v14 =	vld [tilespmem:s31+$0x8600];
	(xrf2) =	vadd.scan.msk.f32 $0xffff, v0;
	v0 =	vadd.f32 v7, v1;
	v1 =	vmul.f32 v28, v27;
	v7 =	vmul.f32 v30, v29  }
0x113: {  	v15 =	vld [tilespmem:s31+$0x610];
	(xrf2) =	vadd.scan.msk.f32 $0xffff, v3;
	v3 =	vadd.f32 v9, v5;
	v5 =	vmul.f32 v33, v32;
	v9 =	vmul.f32 v35, v34  }
0x114: {  	v16 =	vld [tilespmem:s31+$0x8610];
	(xrf2) =	vadd.scan.msk.f32 $0xffff, v0;
	v0 =	vadd.f32 v7, v1;
	v1 =	vmul.f32 v37, v36;
	v7 =	vmul.f32 v39, v38  }
0x115: {  	v2 =	vmul.f32 v6, v2;
	v6 =	vld [tilespmem:s31+$0x8780];
	(xrf2) =	vadd.scan.msk.f32 $0xffff, v3;
	v3 =	vadd.f32 v9, v5  }
0x116: {  	v5 =	vmul.f32 v40, v41;
	(xrf2) =	vadd.scan.msk.f32 $0xffff, v0;
	v0 =	vadd.f32 v7, v1;
	v1 =	vmul.f32 v10, v8;
	v8 =	vld [tilespmem:s31+$0x790]  }
0x117: {  	v7 =	vmul.f32 v12, v11;
	v10 =	vld [tilespmem:s31+$0x8910]  }
0x118: {  	(xrf2) =	vadd.scan.msk.f32 $0xffff, v3;
	v2 =	vadd.f32 v2, v5;
	v3 =	vld [tilespmem:s31+$0x8790]  }
0x119: {  	(xrf2) =	vadd.scan.msk.f32 $0xffff, v0;
	v0 =	vadd.f32 v7, v1;
	v1 =	vld [tilespmem:s31+$0x8900]  }
0x11a: {  	v5 =	vmul.f32 v16, v15;
	v7 =	vld [tilespmem:s31+$0x910];
	(xrf2) =	vadd.scan.msk.f32 $0xffff, v2;
	v2 =	vmul.f32 v14, v31  }
0x11b: {  	v14 =	vld [tilespmem:s31+$0x8A90]  }
0x11c: {  	v9, _, _ =	vpop (xrf2);
	(xrf2) =	vadd.scan.msk.f32 $0xffff, v0;
	v2 =	vadd.f32 v5, v2;
	v5 =	vld [tilespmem:s31+$0x8A80]  }
0x11d: {  	v6 =	vmul.f32 v6, v22;
	v0, _, _ =	vpop (xrf2);
	v3 =	vmul.f32 v3, v8;
	v8 =	vld [tilespmem:s31+$0xA90]  }
0x11e: {  	v11, _, _ =	vpop (xrf2)  }
0x11f: {  	v12, _, _ =	vpop (xrf2);
	v3 =	vadd.f32 v3, v6  }
0x120: {  	(xrf2) =	vadd.scan.msk.f32 $0xffff, v2;
	v2, _, _ =	vpop (xrf2)  }
0x121: {  	v1 =	vmul.f32 v1, v13;
	v7 =	vmul.f32 v10, v7;
	v15, _, _ =	vpop (xrf2)  }
0x122: {  	v4 =	vmul.f32 v5, v4;
	v13, _, _ =	vpop (xrf2);
	v5 =	vmul.f32 v14, v8  }
0x123: {  	v10 =	vld [tilespmem:s31+$0x8B80];
	(xrf2) =	vadd.scan.msk.f32 $0xffff, v3;
	v3, _, _ =	vpop (xrf2)  }
0x124: {  	v6 =	vld [tilespmem:s31+$0xB80];
	v1 =	vadd.f32 v7, v1;
	v17, _, _ =	vpop (xrf2)  }
0x125: {  	v16 =	vld [tilespmem:s31+$0xB90];
	v8, _, _ =	vpop (xrf2)  }
0x126: {  	v7 =	vld [tilespmem:s31+$0x8B90];
	(xrf2) =	vadd.scan.msk.f32 $0xffff, v1;
	v1 =	vadd.f32 v5, v4;
	v5, _, _ =	vpop (xrf2)  }
0x127: {  	v5 =	vbroadcast v5, $0xF;
	_ =	sdelay $0x1  }
0x128: {  	v4 =	vmul.f32 v10, v6;
	v6 =	vbroadcast v8, $0xF  }
0x129: {  	v8 =	vbroadcast v17, $0xF  }
0x12a: {  	v3 =	vbroadcast v3, $0xF;
	v7 =	vmul.f32 v7, v16;
	(xrf2) =	vadd.scan.msk.f32 $0xffff, v1;
	v1 =	vsel vm0, v6, v5;
	v5, _, _ =	vpop (xrf2)  }
0x12b: {  	v1 =	vsel vm1, v1, v8;
	v5 =	vbroadcast v5, $0xF  }
0x12c: {  	v4 =	vadd.f32 v7, v4;
	v1 =	vsel vm2, v1, v3;
	v3 =	vbroadcast v13, $0xF  }
0x12d: {  	v6, _, _ =	vpop (xrf2);
	v1 =	vsel vm3, v1, v5;
	v5 =	vbroadcast v15, $0xF  }
0x12e: {  	v1 =	vsel vm4, v1, v3;
	v3 =	vbroadcast v6, $0xF  }
0x12f: {  	v2 =	vbroadcast v2, $0xF;
	(xrf2) =	vadd.scan.msk.f32 $0xffff, v4;
	v1 =	vsel vm5, v1, v5  }
0x130: {  	v4, _, _ =	vpop (xrf2);
	v1 =	vsel vm6, v1, v3;
	v3 =	vbroadcast v12, $0xF  }
0x131: {  	v1 =	vsel vm7, v1, v2;
	v2 =	vbroadcast v4, $0xF  }
0x132: {  	v1 =	vsel vm8, v1, v3;
	v3 =	vbroadcast v11, $0xF  }
0x133: {  	v0 =	vbroadcast v0, $0xF;
	v1 =	vsel vm9, v1, v2  }
0x134: {  	v1 =	vsel vm10, v1, v3  }
0x135: {  	v2, _, _ =	vpop (xrf2);
	v0 =	vsel vm11, v1, v0;
	v1 =	vbroadcast v9, $0xF  }
0x136: {  	v2 =	vbroadcast v2, $0xF;
	_ =	sdelay $0x1  }
0x137: {  	v0 =	vsel vm12, v0, v2  }
0x138: {  	v0 =	vsel vm13, v0, v1;
	v1, _, _ =	vpop (xrf2)  }
0x139: {  	s22 =	simm.s32 $0x10400;
	v0 =	vsel vm14, v0, v1  }
0x13a: {  	s23 =	simm.s32 $0x800;
	[tilespmem:s22+$0x0] =	vst v0  }
0x13b: {  	v2 =	vld [tilespmem:s23+$0xB00]  }
0x13c: {  	v3 =	vld [tilespmem:s23+$0x8B00]  }
0x13d: {  	v5 =	vld [tilespmem:s23+$0xB10]  }
0x13e: {  	v6 =	vld [tilespmem:s23+$0x8B10]  }
0x13f: {  	v0 =	vld [tilespmem:s23+$0xA80]  }
0x140: {  	v7 =	vld [tilespmem:s23+$0xA00]  }
0x141: {  	v8 =	vld [tilespmem:s23+$0x8A00]  }
0x142: {  	v9 =	vld [tilespmem:s23+$0xA10]  }
0x143: {  	v10 =	vld [tilespmem:s23+$0x8A10]  }
0x144: {  	v11 =	vld [tilespmem:s23+$0x980]  }
0x145: {  	v12 =	vld [tilespmem:s23+$0x8980]  }
0x146: {  	v13 =	vld [tilespmem:s23+$0x990]  }
0x147: {  	v14 =	vld [tilespmem:s23+$0x8990]  }
0x148: {  	v1 =	vld [tilespmem:s23+$0x900]  }
0x149: {  	v15 =	vld [tilespmem:s23+$0x880]  }
0x14a: {  	v16 =	vld [tilespmem:s23+$0x8880]  }
0x14b: {  	v17 =	vld [tilespmem:s23+$0x890]  }
0x14c: {  	v18 =	vld [tilespmem:s23+$0x8890]  }
0x14d: {  	v19 =	vld [tilespmem:s23+$0x800]  }
0x14e: {  	v54 =	vld [tilespmem:s23+$0x8800]  }
0x14f: {  	v55 =	vld [tilespmem:s23+$0x810]  }
0x150: {  	v56 =	vld [tilespmem:s23+$0x8810]  }
0x151: {  	v4 =	vld [tilespmem:s23+$0x780]  }
0x152: {  	v57 =	vld [tilespmem:s23+$0x700]  }
0x153: {  	v58 =	vld [tilespmem:s23+$0x8700];
	v2 =	vmul.f32 v3, v2;
	v3 =	vmul.f32 v6, v5  }
0x154: {  	v59 =	vld [tilespmem:s23+$0x710]  }
0x155: {  	v60 =	vld [tilespmem:s23+$0x8710];
	v2 =	vadd.f32 v3, v2  }
0x156: {  	v61 =	vld [tilespmem:s23+$0x680];
	v6 =	vmul.f32 v8, v7;
	v8 =	vmul.f32 v10, v9  }
0x157: {  	v62 =	vld [tilespmem:s23+$0x8680];
	(xrf2) =	vadd.scan.msk.f32 $0xffff, v2  }
0x158: {  	v63 =	vld [tilespmem:s23+$0x8510];
	v9 =	vmul.f32 v14, v13;
	v3 =	vmul.f32 v12, v11;
	v6 =	vadd.f32 v8, v6  }
0x159: {  	v5 =	vld [tilespmem:s23+$0x690];
	v8 =	vmul.f32 v16, v15;
	v11 =	vmul.f32 v18, v17  }
0x15a: {  	v10 =	vld [tilespmem:s23+$0x8690];
	v2 =	vadd.f32 v9, v3;
	(xrf2) =	vadd.scan.msk.f32 $0xffff, v6  }
0x15b: {  	v7 =	vld [tilespmem:s23+$0x600];
	v3 =	vadd.f32 v11, v8  }
0x15c: {  	v13 =	vld [tilespmem:s23+$0x580];
	(xrf2) =	vadd.scan.msk.f32 $0xffff, v2  }
0x15d: {  	v14 =	vld [tilespmem:s23+$0x8580];
	v2 =	vmul.f32 v54, v19;
	(xrf2) =	vadd.scan.msk.f32 $0xffff, v3;
	v3 =	vmul.f32 v56, v55  }
0x15e: {  	v16 =	vld [tilespmem:s23+$0x500]  }
0x15f: {  	v11 =	vld [tilespmem:s23+$0x8590];
	v3 =	vadd.f32 v3, v2  }
0x160: {  	v12 =	vmul.f32 v58, v57;
	v15 =	vmul.f32 v60, v59;
	v6 =	vld [tilespmem:s23+$0x590]  }
0x161: {  	v17 =	vld [tilespmem:s23+$0x8500];
	v2, _, _ =	vpop (xrf2);
	(xrf2) =	vadd.scan.msk.f32 $0xffff, v3  }
0x162: {  	v18 =	vld [tilespmem:s23+$0x510];
	v15 =	vadd.f32 v15, v12  }
0x163: {  	v8 =	vld [tilespmem:s23+$0x8400];
	v5 =	vmul.f32 v10, v5;
	v19 =	vmul.f32 v62, v61  }
0x164: {  	v9 =	vld [tilespmem:s23+$0x400];
	v3, _, _ =	vpop (xrf2);
	(xrf2) =	vadd.scan.msk.f32 $0xffff, v15  }
0x165: {  	v12 =	vld [tilespmem:s23+$0x8410];
	v19 =	vadd.f32 v5, v19;
	v6 =	vmul.f32 v11, v6  }
0x166: {  	v10 =	vld [tilespmem:s23+$0x410];
	v14 =	vmul.f32 v14, v13  }
0x167: {  	v13 =	vld [tilespmem:s23+$0x8480];
	v5, _, _ =	vpop (xrf2);
	(xrf2) =	vadd.scan.msk.f32 $0xffff, v19  }
0x168: {  	v11 =	vld [tilespmem:s23+$0x480];
	v15 =	vadd.f32 v6, v14  }
0x169: {  	s14 =	simm.s32 $0x2000;
	s24 =	simm.s32 $0x4000;
	v16 =	vmul.f32 v17, v16;
	v17 =	vmul.f32 v63, v18;
	v14 =	vld [tilespmem:s23+$0x490];
	v6, _, _ =	vpop (xrf2)  }
.LBB2_4:
0x16a: {  	p0 =	sne.s32 s24, $0x1E000;
	v18 =	vld [tilespmem:s23+$0x8490];
	(xrf2) =	vadd.scan.msk.f32 $0xffff, v15  }
0x16b: {  	v19 =	vadd.f32 v17, v16;
	v16 =	vld [tilespmem:s23+$0x8600];
	v17, _, _ =	vpop (xrf2)  }
0x16c: {  	v8 =	vmul.f32 v8, v9;
	v9 =	vmul.f32 v12, v10;
	v10 =	vld [tilespmem:s23+$0x610]  }
0x16d: {  	v12 =	vld [tilespmem:s23+$0x8610];
	(xrf2) =	vadd.scan.msk.f32 $0xffff, v19  }
0x16e: {  	v8 =	vadd.f32 v9, v8;
	v9 =	vld [tilespmem:s23+$0x8780];
	v15, _, _ =	vpop (xrf2)  }
0x16f: {  	v11 =	vmul.f32 v13, v11;
	v19 =	vmul.f32 v18, v14;
	v14 =	vld [tilespmem:s23+$0x790]  }
0x170: {  	v18 =	vld [tilespmem:s23+$0x8790];
	(xrf2) =	vadd.scan.msk.f32 $0xffff, v8  }
0x171: {  	v8 =	vadd.f32 v19, v11;
	v11 =	vld [tilespmem:s23+$0x8900];
	v13, _, _ =	vpop (xrf2)  }
0x172: {  	v7 =	vmul.f32 v16, v7;
	v19 =	vmul.f32 v12, v10;
	v12 =	vld [tilespmem:s23+$0x910]  }
0x173: {  	v16 =	vld [tilespmem:s23+$0x8910];
	(xrf2) =	vadd.scan.msk.f32 $0xffff, v8  }
0x174: {  	v7 =	vadd.f32 v19, v7;
	v8 =	vld [tilespmem:s23+$0x8A80];
	v10, _, _ =	vpop (xrf2)  }
0x175: {  	v4 =	vmul.f32 v9, v4;
	v19 =	vmul.f32 v18, v14;
	v14 =	vld [tilespmem:s23+$0xA90]  }
0x176: {  	v18 =	vld [tilespmem:s23+$0x8A90];
	(xrf2) =	vadd.scan.msk.f32 $0xffff, v7  }
0x177: {  	v4 =	vadd.f32 v19, v4;
	v7 =	vld [tilespmem:s23+$0xB80];
	v9, _, _ =	vpop (xrf2)  }
0x178: {  	v1 =	vmul.f32 v11, v1;
	v19 =	vmul.f32 v16, v12;
	v12 =	vld [tilespmem:s23+$0x8B80]  }
0x179: {  	v16 =	vld [tilespmem:s23+$0xB90];
	(xrf2) =	vadd.scan.msk.f32 $0xffff, v4  }
0x17a: {  	v1 =	vadd.f32 v19, v1;
	v4 =	vld [tilespmem:s23+$0x8B90];
	v11, _, _ =	vpop (xrf2)  }
0x17b: {  	v0 =	vmul.f32 v8, v0;
	v8 =	vmul.f32 v18, v14  }
0x17c: {  	(xrf2) =	vadd.scan.msk.f32 $0xffff, v1  }
0x17d: {  	v0 =	vadd.f32 v8, v0;
	v1 =	vmul.f32 v12, v7;
	v7, _, _ =	vpop (xrf2)  }
0x17e: {  	v11 =	vbroadcast v11, $0xF;
	v7 =	vbroadcast v7, $0xF  }
0x17f: {  	v9 =	vbroadcast v9, $0xF;
	v4 =	vmul.f32 v4, v16;
	(xrf2) =	vadd.scan.msk.f32 $0xffff, v0  }
0x180: {  	v0 =	vsel vm0, v11, v7;
	v7 =	vbroadcast v10, $0xF;
	v8, _, _ =	vpop (xrf2)  }
0x181: {  	v0 =	vsel vm1, v0, v9;
	v9 =	vbroadcast v8, $0xF;
	v1 =	vadd.f32 v4, v1  }
0x182: {  	v4 =	vbroadcast v13, $0xF;
	v0 =	vsel vm2, v0, v7  }
0x183: {  	v7 =	vbroadcast v15, $0xF;
	v0 =	vsel vm3, v0, v9;
	v8, _, _ =	vpop (xrf2);
	(xrf2) =	vadd.scan.msk.f32 $0xffff, v1  }
0x184: {  	v0 =	vsel vm4, v0, v4;
	v1 =	vbroadcast v8, $0xF  }
0x185: {  	v4 =	vbroadcast v17, $0xF;
	v0 =	vsel vm5, v0, v7  }
0x186: {  	v0 =	vsel vm6, v0, v1;
	v1 =	vbroadcast v6, $0xF;
	v6, _, _ =	vpop (xrf2)  }
0x187: {  	v0 =	vsel vm7, v0, v4;
	v6 =	vbroadcast v6, $0xF  }
0x188: {  	v0 =	vsel vm8, v0, v1;
	v1 =	vbroadcast v5, $0xF  }
0x189: {  	v3 =	vbroadcast v3, $0xF;
	v0 =	vsel vm9, v0, v6;
	v4, _, _ =	vpop (xrf2)  }
0x18a: {  	v0 =	vsel vm10, v0, v1;
	v4 =	vbroadcast v4, $0xF  }
0x18b: {  	v2 =	vbroadcast v2, $0xF;
	v0 =	vsel vm11, v0, v3  }
0x18c: {  	v0 =	vsel vm12, v0, v4  }
0x18d: {  	v0 =	vsel vm13, v0, v2;
	v1, _, _ =	vpop (xrf2)  }
0x18e: {  	s22 =	sadd.s32 $0x10, s22;
	v0 =	vsel vm14, v0, v1  }
0x18f: {  	s23 =	sshra.s32 s24, $0x2;
	[tilespmem:s22+$0x0] =	vst v0  }
0x190: {  	v2 =	vld [tilespmem:s23+$0xB00]  }
0x191: {  	v3 =	vld [tilespmem:s23+$0x8B00]  }
0x192: {  	v5 =	vld [tilespmem:s23+$0xB10]  }
0x193: {  	v6 =	vld [tilespmem:s23+$0x8B10]  }
0x194: {  	v0 =	vld [tilespmem:s23+$0xA80]  }
0x195: {  	v7 =	vld [tilespmem:s23+$0xA00]  }
0x196: {  	v8 =	vld [tilespmem:s23+$0x8A00]  }
0x197: {  	v9 =	vld [tilespmem:s23+$0xA10]  }
0x198: {  	v10 =	vld [tilespmem:s23+$0x8A10]  }
0x199: {  	v11 =	vld [tilespmem:s23+$0x980]  }
0x19a: {  	v12 =	vld [tilespmem:s23+$0x8980]  }
0x19b: {  	v13 =	vld [tilespmem:s23+$0x990]  }
0x19c: {  	v14 =	vld [tilespmem:s23+$0x8990]  }
0x19d: {  	v1 =	vld [tilespmem:s23+$0x900]  }
0x19e: {  	v15 =	vld [tilespmem:s23+$0x880]  }
0x19f: {  	v16 =	vld [tilespmem:s23+$0x8880]  }
0x1a0: {  	v17 =	vld [tilespmem:s23+$0x890]  }
0x1a1: {  	v18 =	vld [tilespmem:s23+$0x8890]  }
0x1a2: {  	v19 =	vld [tilespmem:s23+$0x800]  }
0x1a3: {  	v20 =	vld [tilespmem:s23+$0x8800]  }
0x1a4: {  	v21 =	vld [tilespmem:s23+$0x810]  }
0x1a5: {  	v22 =	vld [tilespmem:s23+$0x8810]  }
0x1a6: {  	v2 =	vmul.f32 v3, v2;
	v3 =	vmul.f32 v6, v5;
	v4 =	vld [tilespmem:s23+$0x780]  }
0x1a7: {  	v5 =	vld [tilespmem:s23+$0x700]  }
0x1a8: {  	v2 =	vadd.f32 v3, v2;
	v6 =	vld [tilespmem:s23+$0x8700]  }
0x1a9: {  	v7 =	vmul.f32 v8, v7;
	v8 =	vmul.f32 v10, v9;
	v3 =	vld [tilespmem:s23+$0x710]  }
0x1aa: {  	v9 =	vld [tilespmem:s23+$0x8710];
	(xrf2) =	vadd.scan.msk.f32 $0xffff, v2  }
0x1ab: {  	v2 =	vadd.f32 v8, v7;
	v10 =	vld [tilespmem:s23+$0x680]  }
0x1ac: {  	v7 =	vmul.f32 v12, v11;
	v8 =	vmul.f32 v14, v13;
	v23 =	vld [tilespmem:s23+$0x8680]  }
0x1ad: {  	v11 =	vld [tilespmem:s23+$0x690];
	(xrf2) =	vadd.scan.msk.f32 $0xffff, v2  }
0x1ae: {  	v2 =	vadd.f32 v8, v7;
	v12 =	vld [tilespmem:s23+$0x8690]  }
0x1af: {  	v13 =	vmul.f32 v18, v17;
	v8 =	vmul.f32 v16, v15;
	v7 =	vld [tilespmem:s23+$0x600]  }
0x1b0: {  	v14 =	vld [tilespmem:s23+$0x580];
	(xrf2) =	vadd.scan.msk.f32 $0xffff, v2  }
0x1b1: {  	v24 =	vadd.f32 v13, v8;
	v15 =	vld [tilespmem:s23+$0x8580]  }
0x1b2: {  	v16 =	vmul.f32 v22, v21;
	v8 =	vmul.f32 v20, v19;
	v13 =	vld [tilespmem:s23+$0x590]  }
0x1b3: {  	v17 =	vld [tilespmem:s23+$0x8590];
	(xrf2) =	vadd.scan.msk.f32 $0xffff, v24  }
0x1b4: {  	v8 =	vadd.f32 v16, v8;
	v18 =	vld [tilespmem:s23+$0x500];
	v2, _, _ =	vpop (xrf2)  }
0x1b5: {  	v5 =	vmul.f32 v6, v5;
	v6 =	vmul.f32 v9, v3;
	v16 =	vld [tilespmem:s23+$0x8500]  }
0x1b6: {  	v19 =	vld [tilespmem:s23+$0x510];
	(xrf2) =	vadd.scan.msk.f32 $0xffff, v8  }
0x1b7: {  	v21 =	vadd.f32 v6, v5;
	v20 =	vld [tilespmem:s23+$0x8510];
	v3, _, _ =	vpop (xrf2)  }
0x1b8: {  	v6 =	vmul.f32 v23, v10;
	v11 =	vmul.f32 v12, v11;
	v8 =	vld [tilespmem:s23+$0x8400]  }
0x1b9: {  	v9 =	vld [tilespmem:s23+$0x400];
	(xrf2) =	vadd.scan.msk.f32 $0xffff, v21  }
.Ltmp1:
0x1ba: {  	v21 =	vadd.f32 v11, v6;
	v10 =	vld [tilespmem:s23+$0x410];
	v5, _, _ =	vpop (xrf2);
	(pc) =	sbr.rel @p0 .LBB2_4-.Ltmp1, $4  }
0x1bb: {  	v14 =	vmul.f32 v15, v14;
	v15 =	vmul.f32 v17, v13;
	v12 =	vld [tilespmem:s23+$0x8410]  }
0x1bc: {  	v11 =	vld [tilespmem:s23+$0x480];
	(xrf2) =	vadd.scan.msk.f32 $0xffff, v21  }
0x1bd: {  	v15 =	vadd.f32 v15, v14;
	v13 =	vld [tilespmem:s23+$0x8480];
	v6, _, _ =	vpop (xrf2)  }
0x1be: {  	s24 =	sadd.s32 $0x2000, s24;
	v16 =	vmul.f32 v16, v18;
	v17 =	vmul.f32 v20, v19;
	v14 =	vld [tilespmem:s23+$0x490]  }
0x1bf: {  	v18 =	vld [tilespmem:s23+$0x8490]  }
0x1c0: {  	v19 =	vld [tilespmem:s23+$0x8600]  }
0x1c1: {  	v20 =	vld [tilespmem:s23+$0x610]  }
0x1c2: {  	v21 =	vld [tilespmem:s23+$0x8610]  }
0x1c3: {  	v8 =	vmul.f32 v8, v9;
	v63 =	vld [tilespmem:s23+$0x8780];
	v62 =	vmul.f32 v12, v10  }
0x1c4: {  	v22 =	vld [tilespmem:s23+$0x8790];
	v16 =	vadd.f32 v17, v16;
	v11 =	vmul.f32 v13, v11;
	v17 =	vmul.f32 v18, v14  }
0x1c5: {  	(xrf2) =	vadd.scan.msk.f32 $0xffff, v15;
	v8 =	vadd.f32 v62, v8;
	v18 =	vld [tilespmem:s23+$0x790]  }
0x1c6: {  	v23 =	vld [tilespmem:s23+$0x8900];
	(xrf2) =	vadd.scan.msk.f32 $0xffff, v16;
	v11 =	vadd.f32 v17, v11  }
0x1c7: {  	v25 =	vld [tilespmem:s23+$0x910];
	(xrf2) =	vadd.scan.msk.f32 $0xffff, v8;
	v7 =	vmul.f32 v19, v7;
	v24 =	vmul.f32 v21, v20  }
0x1c8: {  	v26 =	vld [tilespmem:s23+$0x8910];
	(xrf2) =	vadd.scan.msk.f32 $0xffff, v11  }
0x1c9: {  	v27 =	vld [tilespmem:s23+$0x8A80];
	v7 =	vadd.f32 v24, v7  }
0x1ca: {  	v28 =	vld [tilespmem:s23+$0xA90];
	v4 =	vmul.f32 v63, v4;
	v9 =	vmul.f32 v22, v18  }
0x1cb: {  	v29 =	vld [tilespmem:s23+$0x8A90];
	(xrf2) =	vadd.scan.msk.f32 $0xffff, v7  }
0x1cc: {  	v31 =	vld [tilespmem:s23+$0xB80];
	v30, _, _ =	vpop (xrf2);
	v4 =	vadd.f32 v9, v4  }
0x1cd: {  	v34 =	vld [tilespmem:s23+$0x8B80];
	v32, _, _ =	vpop (xrf2);
	v1 =	vmul.f32 v23, v1;
	v33 =	vmul.f32 v26, v25  }
0x1ce: {  	v36 =	vld [tilespmem:s23+$0xB90];
	v35, _, _ =	vpop (xrf2);
	(xrf2) =	vadd.scan.msk.f32 $0xffff, v4  }
0x1cf: {  	v38 =	vld [tilespmem:s23+$0x8B90];
	v1 =	vadd.f32 v33, v1;
	v37, _, _ =	vpop (xrf2)  }
0x1d0: {  	v0 =	vmul.f32 v27, v0;
	v40 =	vmul.f32 v29, v28;
	v39, _, _ =	vpop (xrf2)  }
0x1d1: {  	v41, _, _ =	vpop (xrf2);
	(xrf2) =	vadd.scan.msk.f32 $0xffff, v1  }
0x1d2: {  	v42 =	vmul.f32 v34, v31;
	v0 =	vadd.f32 v40, v0;
	v43, _, _ =	vpop (xrf2)  }
0x1d3: {  	v44 =	vbroadcast v41, $0xF;
	v8 =	vbroadcast v43, $0xF  }
0x1d4: {  	v46 =	vmul.f32 v38, v36;
	v45 =	vbroadcast v39, $0xF;
	(xrf2) =	vadd.scan.msk.f32 $0xffff, v0  }
0x1d5: {  	v4 =	vbroadcast v37, $0xF;
	v48, _, _ =	vpop (xrf2);
	v47 =	vsel vm0, v44, v8  }
0x1d6: {  	v1 =	vadd.f32 v46, v42;
	v8 =	vbroadcast v48, $0xF;
	v0 =	vsel vm1, v47, v45  }
0x1d7: {  	v49 =	vbroadcast v35, $0xF;
	v0 =	vsel vm2, v0, v4  }
0x1d8: {  	v50 =	vbroadcast v32, $0xF;
	v51, _, _ =	vpop (xrf2);
	(xrf2) =	vadd.scan.msk.f32 $0xffff, v1;
	v0 =	vsel vm3, v0, v8  }
0x1d9: {  	v52 =	vbroadcast v51, $0xF;
	v0 =	vsel vm4, v0, v49  }
0x1da: {  	v53 =	vbroadcast v30, $0xF;
	v0 =	vsel vm5, v0, v50  }
0x1db: {  	v54 =	vbroadcast v6, $0xF;
	v55, _, _ =	vpop (xrf2);
	v0 =	vsel vm6, v0, v52  }
0x1dc: {  	v56 =	vbroadcast v55, $0xF;
	v0 =	vsel vm7, v0, v53  }
0x1dd: {  	v57 =	vbroadcast v5, $0xF;
	v0 =	vsel vm8, v0, v54  }
0x1de: {  	v3 =	vbroadcast v3, $0xF;
	v58, _, _ =	vpop (xrf2);
	v0 =	vsel vm9, v0, v56  }
0x1df: {  	v59 =	vbroadcast v58, $0xF;
	v0 =	vsel vm10, v0, v57  }
0x1e0: {  	v2 =	vbroadcast v2, $0xF;
	v0 =	vsel vm11, v0, v3  }
0x1e1: {  	v0 =	vsel vm12, v0, v59  }
0x1e2: {  	v60, _, _ =	vpop (xrf2);
	v0 =	vsel vm13, v0, v2  }
0x1e3: {  	s0 =	sadd.s32 $0x10, s22;
	v0 =	vsel vm14, v0, v60  }
0x1e4: {  	s15 =	simm.s32 $0x100;
	[tilespmem:s0+$0x0] =	vst v0  }
0x1e5: {  	s16 =	simm.s32 $0x300;
	v0 =	vld [tilespmem:s15+$0x0]  }
0x1e6: {  	v61 =	vld [tilespmem:s16+$0x0];
	_ =	sdelay $0x3  }
0x1e7: {  	v62 =	vshll.u32 v0, $0x4  }
0x1e8: {  	v63 =	vshll.u32 v61, $0x4;
	(v2sf) =	vpush v62, $0x0  }
0x1e9: {  	(v2sf) =	vpush v63, $0x0  }
0x1ea: {  	(v2sf) =	vpush v62, $0x1;
	_ =	sdelay $0x2  }
0x1eb: {  	(v2sf) =	vpush v63, $0x1;
	_ =	sdelay $0x1  }
0x1ec: {  	(v2sf) =	vpush v62, $0x2;
	_ =	sdelay $0x1  }
0x1ed: {  	(v2sf) =	vpush v63, $0x2;
	_ =	sdelay $0x1  }
0x1ee: {  	s22 =	simm.s32 $0x0;
	s1 =	simm.s32 $0x8400;
	s5 =	simm.s32 $0x680;
	(v2sf) =	vpush v62, $0x3  }
0x1ef: {  	s13 =	simm.s32 $0x880;
	s2 =	simm.s32 $0x400;
	s8 =	simm.s32 $0x600  }
0x1f0: {  	s9 =	simm.s32 $0x580;
	s19 =	simm.s32 $0x480;
	s25 =	simm.s32 $0x500  }
0x1f1: {  	s31 =	simm.s32 $0xA00;
	s28 =	simm.s32 $0x310;
	s30 =	simm.s32 $0xB00  }
0x1f2: {  	s29 =	simm.s32 $0x8B00;
	s23 =	simm.s32 $0x8480;
	s7 =	spop (v2sf);
	(v2sf) =	vpush v63, $0x3  }
0x1f3: {  	s0 =	simm.s32 $0x8900;
	s7 =	sand.u32 $0x1FFFFFF0, s7;
	s10 =	spop (v2sf)  }
0x1f4: {  	(v2sf) =	vpush v62, $0x4;
	s7 =	sadd.s32 s3, s7;
	s17 =	sand.u32 $0x1FFFFFF0, s10;
	s18 =	spop (v2sf)  }
0x1f5: {  	(v2sf) =	vpush v63, $0x4;
	[tilespmem:s2], [sflag:$0x2] =	stream.linear.gather [hbm4b:s7+s12], $0x80, $0x38;
	[tilespmem:$0x10600] =	vst v63  }
0x1f6: {  	s2 =	simm.s32 $0x8580;
	s7 =	sadd.s32 s4, s17;
	s10 =	sand.u32 $0x1FFFFFF0, s18  }
0x1f7: {  	s11 =	spop (v2sf);
	(v2sf) =	vpush v62, $0x5;
	s18 =	simm.s32 $0x8600;
	s20 =	sadd.s32 s3, s10  }
0x1f8: {  	[tilespmem:s1], [sflag:$0x3] =	stream.linear.gather [hbm4b:s7+s12], $0x80, $0x38;
	[tilespmem:$0x10600] =	vst v63  }
0x1f9: {  	s21 =	sand.u32 $0x1FFFFFF0, s11;
	s24 =	spop (v2sf);
	s11 =	simm.s32 $0x8A00  }
0x1fa: {  	(v2sf) =	vpush v63, $0x5;
	[tilespmem:s19], [sflag:$0x4] =	stream.linear.gather [hbm4b:s20+s12], $0x80, $0x38;
	[tilespmem:$0x10600] =	vst v63  }
0x1fb: {  	s10 =	sadd.s32 s4, s21;
	(v2sf) =	vpush v62, $0x6;
	s7 =	sand.u32 $0x1FFFFFF0, s24;
	s26 =	spop (v2sf)  }
0x1fc: {  	[tilespmem:s23], [sflag:$0x5] =	stream.linear.gather [hbm4b:s10+s12], $0x80, $0x38;
	[tilespmem:$0x10600] =	vst v63  }
0x1fd: {  	s7 =	sadd.s32 s3, s7;
	s6 =	spop (v2sf);
	s10 =	sand.u32 $0x1FFFFFF0, s26  }
0x1fe: {  	[tilespmem:s25], [sflag:$0x6] =	stream.linear.gather [hbm4b:s7+s12], $0x80, $0x38;
	[tilespmem:$0x10600] =	vst v63  }
0x1ff: {  	(v2sf) =	vpush v63, $0x6;
	s15 =	sand.u32 $0x1FFFFFF0, s6;
	s10 =	sadd.s32 s4, s10;
	s7 =	simm.s32 $0x8500  }
0x200: {  	[tilespmem:s7], [sflag:$0x7] =	stream.linear.gather [hbm4b:s10+s12], $0x80, $0x38;
	[tilespmem:$0x10600] =	vst v63  }
0x201: {  	s24 =	simm.s32 $0x8680;
	s17 =	sadd.s32 s3, s15;
	s16 =	spop (v2sf)  }
0x202: {  	[tilespmem:s9], [sflag:$0x8] =	stream.linear.gather [hbm4b:s17+s12], $0x80, $0x38;
	[tilespmem:$0x10600] =	vst v63  }
0x203: {  	s15 =	simm.s32 $0xA80;
	(v2sf) =	vpush v62, $0x7;
	s1 =	sand.u32 $0x1FFFFFF0, s16;
	s19 =	spop (v2sf)  }
0x204: {  	s1 =	sadd.s32 s4, s1;
	s9 =	sand.u32 $0x1FFFFFF0, s19;
	s20 =	spop (v2sf)  }
0x205: {  	(v2sf) =	vpush v63, $0x7;
	[tilespmem:s2], [sflag:$0x9] =	stream.linear.gather [hbm4b:s1+s12], $0x80, $0x38;
	[tilespmem:$0x10600] =	vst v63  }
0x206: {  	s26 =	simm.s32 $0x700;
	(v2sf) =	vpush v62, $0x8;
	s21 =	sadd.s32 s3, s9;
	s25 =	spop (v2sf)  }
0x207: {  	s23 =	sand.u32 $0x1FFFFFF0, s20;
	s20 =	simm.s32 $0x8700;
	s9 =	sand.u32 $0x1FFFFFF0, s25  }
0x208: {  	(v2sf) =	vpush v63, $0x8;
	[tilespmem:s8], [sflag:$0x2] =	stream.linear.gather [hbm4b:s21+s12], $0x80, $0x38;
	[tilespmem:$0x10600] =	vst v63  }
0x209: {  	s2 =	sadd.s32 s4, s23;
	(v2sf) =	vpush v62, $0x9;
	s10 =	spop (v2sf);
	s7 =	sadd.s32 s3, s9  }
0x20a: {  	s8 =	sand.u32 $0x1FFFFFF0, s10;
	s16 =	spop (v2sf);
	s10 =	simm.s32 $0x800  }
0x20b: {  	(v2sf) =	vpush v63, $0x9;
	[tilespmem:s18], [sflag:$0x3] =	stream.linear.gather [hbm4b:s2+s12], $0x80, $0x38;
	[tilespmem:$0x10600] =	vst v63  }
0x20c: {  	s17 =	sadd.s32 s4, s8;
	s6 =	sand.u32 $0x1FFFFFF0, s16;
	s8 =	simm.s32 $0x8A80  }
0x20d: {  	(v2sf) =	vpush v62, $0xA;
	[tilespmem:s5], [sflag:$0x4] =	stream.linear.gather [hbm4b:s7+s12], $0x80, $0x38;
	[tilespmem:$0x10600] =	vst v63  }
0x20e: {  	s18 =	spop (v2sf);
	s19 =	sadd.s32 s3, s6;
	s6 =	simm.s32 $0x8780  }
0x20f: {  	(v2sf) =	vpush v63, $0xA;
	[tilespmem:s24], [sflag:$0x5] =	stream.linear.gather [hbm4b:s17+s12], $0x80, $0x38;
	[tilespmem:$0x10600] =	vst v63  }
0x210: {  	s1 =	sand.u32 $0x1FFFFFF0, s18;
	s18 =	simm.s32 $0x8800;
	s5 =	simm.s32 $0x8980  }
0x211: {  	[tilespmem:s26], [sflag:$0x6] =	stream.linear.gather [hbm4b:s19+s12], $0x80, $0x38;
	[tilespmem:$0x10600] =	vst v63  }
0x212: {  	s1 =	sadd.s32 s4, s1;
	s24 =	simm.s32 $0x780;
	s21 =	spop (v2sf)  }
0x213: {  	(v2sf) =	vpush v62, $0xB;
	[tilespmem:s20], [sflag:$0x7] =	stream.linear.gather [hbm4b:s1+s12], $0x80, $0x38;
	[tilespmem:$0x10600] =	vst v63  }
0x214: {  	s7 =	sand.u32 $0x1FFFFFF0, s21;
	s23 =	spop (v2sf);
	s21 =	simm.s32 $0x8880  }
0x215: {  	(v2sf) =	vpush v63, $0xB;
	s25 =	sadd.s32 s3, s7;
	s26 =	sand.u32 $0x1FFFFFF0, s23;
	s9 =	spop (v2sf)  }
0x216: {  	[tilespmem:s24], [sflag:$0x8] =	stream.linear.gather [hbm4b:s25+s12], $0x80, $0x38;
	[tilespmem:$0x10600] =	vst v63  }
0x217: {  	s7 =	sadd.s32 s4, s26;
	s2 =	sand.u32 $0x1FFFFFF0, s9;
	s16 =	spop (v2sf);
	(v2sf) =	vpush v62, $0xC  }
0x218: {  	s24 =	simm.s32 $0x900;
	s2 =	sadd.s32 s3, s2;
	s17 =	spop (v2sf)  }
0x219: {  	(v2sf) =	vpush v63, $0xC;
	[tilespmem:s6], [sflag:$0x9] =	stream.linear.gather [hbm4b:s7+s12], $0x80, $0x38;
	[tilespmem:$0x10600] =	vst v63  }
0x21a: {  	s7 =	sand.u32 $0x1FFFFFF0, s16;
	s20 =	sand.u32 $0x1FFFFFF0, s17;
	s23 =	spop (v2sf)  }
0x21b: {  	[tilespmem:s10], [sflag:$0x2] =	stream.linear.gather [hbm4b:s2+s12], $0x80, $0x38;
	[tilespmem:$0x10600] =	vst v63  }
0x21c: {  	s19 =	sadd.s32 s4, s7;
	s7 =	sadd.s32 s3, s20;
	s25 =	spop (v2sf)  }
0x21d: {  	[tilespmem:s18], [sflag:$0x3] =	stream.linear.gather [hbm4b:s19+s12], $0x80, $0x38;
	[tilespmem:$0x10600] =	vst v63  }
0x21e: {  	s20 =	simm.s32 $0x980;
	s2 =	sand.u32 $0x1FFFFFF0, s23;
	s26 =	spop (v2sf)  }
0x21f: {  	[tilespmem:s13], [sflag:$0x4] =	stream.linear.gather [hbm4b:s7+s12], $0x80, $0x38;
	[tilespmem:$0x10600] =	vst v63  }
0x220: {  	s2 =	sadd.s32 s4, s2;
	s7 =	sand.u32 $0x1FFFFFF0, s25;
	s13 =	sand.u32 $0x1FFFFFF0, s26  }
0x221: {  	[tilespmem:s21], [sflag:$0x5] =	stream.linear.gather [hbm4b:s2+s12], $0x80, $0x38;
	[tilespmem:$0x10600] =	vst v63  }
0x222: {  	s26 =	simm.s32 $0x110;
	s10 =	sadd.s32 s3, s7;
	s16 =	spop (v2sf)  }
0x223: {  	[tilespmem:s24], [sflag:$0x6] =	stream.linear.gather [hbm4b:s10+s12], $0x80, $0x38;
	[tilespmem:$0x10600] =	vst v63  }
0x224: {  	s17 =	sadd.s32 s4, s13;
	(v2sf) =	vpush v62, $0xD;
	s18 =	sand.u32 $0x1FFFFFF0, s16;
	s19 =	spop (v2sf)  }
0x225: {  	(v2sf) =	vpush v63, $0xD;
	[tilespmem:s0], [sflag:$0x7] =	stream.linear.gather [hbm4b:s17+s12], $0x80, $0x38;
	[tilespmem:$0x10600] =	vst v63  }
0x226: {  	s21 =	sadd.s32 s3, s18;
	s23 =	sand.u32 $0x1FFFFFF0, s19;
	(v2sf) =	vpush v62, $0xE;
	s25 =	spop (v2sf)  }
0x227: {  	(v2sf) =	vpush v63, $0xE;
	[tilespmem:s20], [sflag:$0x8] =	stream.linear.gather [hbm4b:s21+s12], $0x80, $0x38;
	[tilespmem:$0x10600] =	vst v63  }
0x228: {  	s24 =	sadd.s32 s4, s23;
	(v2sf) =	vpush v62, $0xF;
	s0 =	sand.u32 $0x1FFFFFF0, s25;
	s1 =	spop (v2sf)  }
0x229: {  	(v2sf) =	vpush v63, $0xF;
	[tilespmem:s5], [sflag:$0x9] =	stream.linear.gather [hbm4b:s24+s12], $0x80, $0x38;
	[tilespmem:$0x10600] =	vst v63  }
.LBB2_6:
0x22a: {  	_ =	sdelay $0x4  }
0x22b: {  	s0 =	sadd.s32 s3, s0;
	s1 =	sand.u32 $0x1FFFFFF0, s1  }
0x22c: {  	[tilespmem:s31], [sflag:$0x2] =	stream.linear.gather [hbm4b:s0+s12], $0x80, $0x38;
	[tilespmem:$0x10600] =	vst v63  }
0x22d: {  	s6 =	sadd.s32 s4, s1  }
0x22e: {  	[tilespmem:s11], [sflag:$0x3] =	stream.linear.gather [hbm4b:s6+s12], $0x80, $0x38;
	[tilespmem:$0x10600] =	vst v63  }
0x22f: {  	s2 =	spop (v2sf)  }
0x230: {  	s7 =	sand.u32 $0x1FFFFFF0, s2;
	s9 =	spop (v2sf)  }
0x231: {  	s10 =	sadd.s32 s3, s7;
	s11 =	sand.u32 $0x1FFFFFF0, s9;
	s13 =	spop (v2sf)  }
0x232: {  	[tilespmem:s15], [sflag:$0x4] =	stream.linear.gather [hbm4b:s10+s12], $0x80, $0x38;
	[tilespmem:$0x10600] =	vst v63  }
0x233: {  	s15 =	sadd.s32 s4, s11;
	s16 =	sand.u32 $0x1FFFFFF0, s13;
	s17 =	spop (v2sf)  }
0x234: {  	[tilespmem:s8], [sflag:$0x5] =	stream.linear.gather [hbm4b:s15+s12], $0x80, $0x38;
	[tilespmem:$0x10600] =	vst v63  }
0x235: {  	s18 =	sadd.s32 s3, s16;
	s19 =	sand.u32 $0x1FFFFFF0, s17;
	s20 =	spop (v2sf)  }
0x236: {  	[tilespmem:s30], [sflag:$0x6] =	stream.linear.gather [hbm4b:s18+s12], $0x80, $0x38;
	[tilespmem:$0x10600] =	vst v63  }
0x237: {  	s21 =	sadd.s32 s4, s19;
	s23 =	sand.u32 $0x1FFFFFF0, s20;
	s24 =	spop (v2sf)  }
0x238: {  	[tilespmem:s29], [sflag:$0x7] =	stream.linear.gather [hbm4b:s21+s12], $0x80, $0x38;
	[tilespmem:$0x10600] =	vst v63  }
0x239: {  	s25 =	sadd.s32 $0xB80, s22;
	s1 =	sadd.s32 s3, s23;
	s2 =	sand.u32 $0x1FFFFFF0, s24  }
0x23a: {  	[tilespmem:s25], [sflag:$0x8] =	stream.linear.gather [hbm4b:s1+s12], $0x80, $0x38;
	[tilespmem:$0x10600] =	vst v63  }
0x23b: {  	s5 =	sadd.s32 s4, s2;
	s1 =	sadd.s32 $0x8B80, s22  }
0x23c: {  	[tilespmem:s1], [sflag:$0x9] =	stream.linear.gather [hbm4b:s5+s12], $0x80, $0x38;
	[tilespmem:$0x10600] =	vst v63  }
0x23d: {  	v0 =	vld [tilespmem:s26+$0x0]  }
0x23e: {  	v2 =	vld [tilespmem:s28+$0x0];
	_ =	sdelay $0x3  }
0x23f: {  	v1 =	vshll.u32 v0, $0x4  }
0x240: {  	v63 =	vshll.u32 v2, $0x4;
	(v2sf) =	vpush v1, $0x0  }
0x241: {  	s6 =	smov.u32 s14;
	(v2sf) =	vpush v63, $0x0  }
0x242: {  	p0 =	sne.s32 s14, $0x1E000;
	s14 =	sadd.s32 $0x2000, s14;
	s22 =	sshra.s32 s6, $0x2;
	(v2sf) =	vpush v1, $0x1  }
0x243: {  	s0 =	sadd.s32 $0x680, s22;
	s7 =	sadd.s32 $0x880, s22;
	s18 =	sadd.s32 $0x400, s22  }
0x244: {  	s2 =	sadd.s32 $0x600, s22;
	s8 =	sadd.s32 $0x8900, s22;
	s20 =	sadd.s32 $0x580, s22;
	(v2sf) =	vpush v63, $0x1  }
0x245: {  	s17 =	sadd.s32 $0x8580, s22;
	s9 =	sadd.s32 $0x8A00, s22;
	s21 =	sadd.s32 $0x500, s22  }
0x246: {  	s16 =	sadd.s32 $0x8600, s22;
	s15 =	sadd.s32 $0xA80, s22;
	s23 =	sadd.s32 $0x8480, s22;
	(v2sf) =	vpush v1, $0x2  }
0x247: {  	s13 =	sadd.s32 $0x700, s22;
	s19 =	sadd.s32 $0x8700, s22;
	[dreg:$0x16] =	wrdreg s0  }
0x248: {  	s10 =	sadd.s32 $0x8880, s22;
	s11 =	sadd.s32 $0x900, s22;
	[dreg:$0xb] =	wrdreg s7;
	(v2sf) =	vpush v63, $0x2  }
0x249: {  	s24 =	sadd.s32 $0x8800, s22;
	s31 =	sadd.s32 $0xA00, s22;
	[dreg:$0x7] =	wrdreg s8  }
0x24a: {  	s6 =	sadd.s32 $0x800, s22;
	s30 =	sadd.s32 $0xB00, s22;
	[dreg:$0x10] =	wrdreg s9;
	(v2sf) =	vpush v1, $0x3  }
0x24b: {  	s29 =	sadd.s32 $0x8B00, s22;
	s1 =	sadd.s32 $0x8400, s22;
	[dreg:$0xf] =	wrdreg s10  }
0x24c: {  	s0 =	sadd.s32 $0x8500, s22;
	s9 =	sadd.s32 $0x8680, s22;
	[dreg:$0xd] =	wrdreg s11;
	(v2sf) =	vpush v63, $0x3  }
0x24d: {  	s5 =	sadd.s32 $0x8980, s22;
	s8 =	sadd.s32 $0x8A80, s22;
	[dreg:$0x12] =	wrdreg s24;
	(v2sf) =	vpush v1, $0x4  }
0x24e: {  	s11 =	sadd.s32 $0x780, s22;
	s10 =	sadd.s32 $0x8780, s22;
	[dreg:$0x15] =	wrdreg s6  }
0x24f: {  	[dreg:$0x9] =	wrdreg s5;
	s5 =	sadd.s32 $0x480, s22;
	s7 =	spop (v2sf)  }
0x250: {  	s26 =	sadd.s32 $0x10, s26;
	s25 =	sand.u32 $0x1FFFFFF0, s7;
	s24 =	spop (v2sf)  }
0x251: {  	(v2sf) =	vpush v63, $0x4;
	s6 =	sadd.s32 s3, s25;
	s24 =	sand.u32 $0x1FFFFFF0, s24;
	s25 =	spop (v2sf)  }
0x252: {  	[tilespmem:s18], [sflag:$0x2] =	stream.linear.gather [hbm4b:s6+s12], $0x80, $0x38;
	[tilespmem:$0x10600] =	vst v63  }
0x253: {  	(v2sf) =	vpush v1, $0x5;
	s18 =	sadd.s32 s4, s24;
	s24 =	sand.u32 $0x1FFFFFF0, s25;
	s25 =	spop (v2sf)  }
0x254: {  	[tilespmem:s1], [sflag:$0x3] =	stream.linear.gather [hbm4b:s18+s12], $0x80, $0x38;
	[tilespmem:$0x10600] =	vst v63  }
0x255: {  	(v2sf) =	vpush v63, $0x5;
	s18 =	sadd.s32 s3, s24;
	s24 =	sand.u32 $0x1FFFFFF0, s25;
	s25 =	spop (v2sf)  }
0x256: {  	[tilespmem:s5], [sflag:$0x4] =	stream.linear.gather [hbm4b:s18+s12], $0x80, $0x38;
	[tilespmem:$0x10600] =	vst v63  }
0x257: {  	(v2sf) =	vpush v1, $0x6;
	s6 =	sand.u32 $0x1FFFFFF0, s25;
	s5 =	sadd.s32 s4, s24;
	s18 =	spop (v2sf)  }
0x258: {  	[tilespmem:s23], [sflag:$0x5] =	stream.linear.gather [hbm4b:s5+s12], $0x80, $0x38;
	[tilespmem:$0x10600] =	vst v63  }
0x259: {  	s28 =	sadd.s32 $0x10, s28;
	(v2sf) =	vpush v63, $0x6;
	s25 =	spop (v2sf);
	s23 =	sadd.s32 s3, s6  }
0x25a: {  	[tilespmem:s21], [sflag:$0x6] =	stream.linear.gather [hbm4b:s23+s12], $0x80, $0x38;
	[tilespmem:$0x10600] =	vst v63  }
0x25b: {  	s7 =	sadd.s32 $0x980, s22;
	s24 =	sand.u32 $0x1FFFFFF0, s18;
	(v2sf) =	vpush v1, $0x7;
	s21 =	spop (v2sf)  }
0x25c: {  	s5 =	sadd.s32 s4, s24;
	s18 =	sand.u32 $0x1FFFFFF0, s25;
	s25 =	spop (v2sf)  }
0x25d: {  	(v2sf) =	vpush v63, $0x7;
	[tilespmem:s0], [sflag:$0x7] =	stream.linear.gather [hbm4b:s5+s12], $0x80, $0x38;
	[tilespmem:$0x10600] =	vst v63  }
0x25e: {  	s23 =	sadd.s32 s3, s18;
	s24 =	sand.u32 $0x1FFFFFF0, s21;
	(v2sf) =	vpush v1, $0x8;
	s6 =	sand.u32 $0x1FFFFFF0, s25  }
0x25f: {  	[tilespmem:s20], [sflag:$0x8] =	stream.linear.gather [hbm4b:s23+s12], $0x80, $0x38;
	[tilespmem:$0x10600] =	vst v63  }
0x260: {  	s1 =	sadd.s32 s4, s24;
	s20 =	sadd.s32 s3, s6;
	s18 =	spop (v2sf)  }
0x261: {  	[tilespmem:s17], [sflag:$0x9] =	stream.linear.gather [hbm4b:s1+s12], $0x80, $0x38;
	[tilespmem:$0x10600] =	vst v63  }
0x262: {  	(v2sf) =	vpush v63, $0x8;
	s21 =	sand.u32 $0x1FFFFFF0, s18;
	s23 =	spop (v2sf);
	s18 =	rddreg [dreg:$0x16]  }
0x263: {  	(v2sf) =	vpush v1, $0x9;
	[tilespmem:s2], [sflag:$0x2] =	stream.linear.gather [hbm4b:s20+s12], $0x80, $0x38;
	[tilespmem:$0x10600] =	vst v63  }
0x264: {  	s24 =	sadd.s32 s4, s21;
	s25 =	sand.u32 $0x1FFFFFF0, s23;
	s2 =	spop (v2sf)  }
0x265: {  	[tilespmem:s16], [sflag:$0x3] =	stream.linear.gather [hbm4b:s24+s12], $0x80, $0x38;
	[tilespmem:$0x10600] =	vst v63  }
0x266: {  	s6 =	sadd.s32 s3, s25;
	s17 =	spop (v2sf);
	s16 =	sand.u32 $0x1FFFFFF0, s2  }
0x267: {  	(v2sf) =	vpush v63, $0x9;
	[tilespmem:s18], [sflag:$0x4] =	stream.linear.gather [hbm4b:s6+s12], $0x80, $0x38;
	[tilespmem:$0x10600] =	vst v63  }
0x268: {  	s21 =	sand.u32 $0x1FFFFFF0, s17;
	s20 =	sadd.s32 s4, s16;
	s23 =	spop (v2sf)  }
0x269: {  	(v2sf) =	vpush v1, $0xA;
	[tilespmem:s9], [sflag:$0x5] =	stream.linear.gather [hbm4b:s20+s12], $0x80, $0x38;
	[tilespmem:$0x10600] =	vst v63  }
0x26a: {  	s24 =	sadd.s32 s3, s21;
	s25 =	sand.u32 $0x1FFFFFF0, s23;
	s2 =	spop (v2sf)  }
0x26b: {  	(v2sf) =	vpush v63, $0xA;
	[tilespmem:s13], [sflag:$0x6] =	stream.linear.gather [hbm4b:s24+s12], $0x80, $0x38;
	[tilespmem:$0x10600] =	vst v63  }
0x26c: {  	s6 =	sadd.s32 s4, s25;
	s9 =	sand.u32 $0x1FFFFFF0, s2;
	s13 =	spop (v2sf)  }
0x26d: {  	(v2sf) =	vpush v1, $0xB;
	s16 =	sadd.s32 s3, s9;
	s17 =	sand.u32 $0x1FFFFFF0, s13;
	s18 =	spop (v2sf)  }
0x26e: {  	[tilespmem:s19], [sflag:$0x7] =	stream.linear.gather [hbm4b:s6+s12], $0x80, $0x38;
	[tilespmem:$0x10600] =	vst v63  }
0x26f: {  	s19 =	sadd.s32 s4, s17;
	s20 =	sand.u32 $0x1FFFFFF0, s18;
	s6 =	rddreg [dreg:$0x15]  }
0x270: {  	[tilespmem:s11], [sflag:$0x8] =	stream.linear.gather [hbm4b:s16+s12], $0x80, $0x38;
	[tilespmem:$0x10600] =	vst v63  }
0x271: {  	(v2sf) =	vpush v63, $0xB;
	s23 =	sadd.s32 s3, s20;
	s20 =	rddreg [dreg:$0xb];
	s21 =	spop (v2sf)  }
0x272: {  	(v2sf) =	vpush v1, $0xC;
	s11 =	rddreg [dreg:$0x10];
	s24 =	sand.u32 $0x1FFFFFF0, s21;
	s25 =	spop (v2sf)  }
0x273: {  	[tilespmem:s10], [sflag:$0x9] =	stream.linear.gather [hbm4b:s19+s12], $0x80, $0x38;
	[tilespmem:$0x10600] =	vst v63  }
0x274: {  	(v2sf) =	vpush v63, $0xC;
	s16 =	rddreg [dreg:$0x12];
	s9 =	sadd.s32 s4, s24;
	s10 =	sand.u32 $0x1FFFFFF0, s25  }
0x275: {  	[tilespmem:s6], [sflag:$0x2] =	stream.linear.gather [hbm4b:s23+s12], $0x80, $0x38;
	[tilespmem:$0x10600] =	vst v63  }
0x276: {  	s25 =	rddreg [dreg:$0xf];
	s13 =	spop (v2sf);
	s17 =	sadd.s32 s3, s10  }
0x277: {  	[tilespmem:s16], [sflag:$0x3] =	stream.linear.gather [hbm4b:s9+s12], $0x80, $0x38;
	[tilespmem:$0x10600] =	vst v63  }
0x278: {  	s18 =	sand.u32 $0x1FFFFFF0, s13;
	s19 =	spop (v2sf);
	s13 =	rddreg [dreg:$0xd]  }
0x279: {  	[tilespmem:s20], [sflag:$0x4] =	stream.linear.gather [hbm4b:s17+s12], $0x80, $0x38;
	[tilespmem:$0x10600] =	vst v63  }
0x27a: {  	s21 =	sadd.s32 s4, s18;
	s23 =	sand.u32 $0x1FFFFFF0, s19;
	s24 =	spop (v2sf)  }
0x27b: {  	[tilespmem:s25], [sflag:$0x5] =	stream.linear.gather [hbm4b:s21+s12], $0x80, $0x38;
	[tilespmem:$0x10600] =	vst v63  }
0x27c: {  	s6 =	sadd.s32 s3, s23;
	s9 =	sand.u32 $0x1FFFFFF0, s24;
	s10 =	spop (v2sf)  }
0x27d: {  	[tilespmem:s13], [sflag:$0x6] =	stream.linear.gather [hbm4b:s6+s12], $0x80, $0x38;
	[tilespmem:$0x10600] =	vst v63  }
0x27e: {  	s19 =	rddreg [dreg:$0x7];
	s16 =	sadd.s32 s4, s9;
	s17 =	sand.u32 $0x1FFFFFF0, s10  }
0x27f: {  	(v2sf) =	vpush v1, $0xD;
	[tilespmem:s19], [sflag:$0x7] =	stream.linear.gather [hbm4b:s16+s12], $0x80, $0x38;
	[tilespmem:$0x10600] =	vst v63  }
.Ltmp2:
0x280: {  	(v2sf) =	vpush v63, $0xD;
	s20 =	sadd.s32 s3, s17;
	s18 =	spop (v2sf);
	(pc) =	sbr.rel @p0 .LBB2_6-.Ltmp2, $4  }
0x281: {  	(v2sf) =	vpush v1, $0xE;
	s25 =	rddreg [dreg:$0x9];
	s21 =	sand.u32 $0x1FFFFFF0, s18;
	s23 =	spop (v2sf)  }
0x282: {  	(v2sf) =	vpush v63, $0xE;
	[tilespmem:s7], [sflag:$0x8] =	stream.linear.gather [hbm4b:s20+s12], $0x80, $0x38;
	[tilespmem:$0x10600] =	vst v63  }
0x283: {  	(v2sf) =	vpush v1, $0xF;
	s24 =	sadd.s32 s4, s21;
	s0 =	sand.u32 $0x1FFFFFF0, s23;
	s1 =	spop (v2sf)  }
0x284: {  	(v2sf) =	vpush v63, $0xF;
	[tilespmem:s25], [sflag:$0x9] =	stream.linear.gather [hbm4b:s24+s12], $0x80, $0x38;
	[tilespmem:$0x10600] =	vst v63  }
0x285: {  	_ =	sdelay $0x4  }
0x286: {  	s0 =	sadd.s32 s3, s0;
	s1 =	sand.u32 $0x1FFFFFF0, s1  }
0x287: {  	[tilespmem:s31], [sflag:$0x2] =	stream.linear.gather [hbm4b:s0+s12], $0x80, $0x38;
	[tilespmem:$0x10600] =	vst v63  }
0x288: {  	s1 =	sadd.s32 s4, s1  }
0x289: {  	[tilespmem:s11], [sflag:$0x3] =	stream.linear.gather [hbm4b:s1+s12], $0x80, $0x38;
	[tilespmem:$0x10600] =	vst v63  }
0x28a: {  	s2 =	spop (v2sf)  }
0x28b: {  	s2 =	sand.u32 $0x1FFFFFF0, s2;
	s5 =	spop (v2sf)  }
0x28c: {  	s6 =	sadd.s32 s3, s2;
	s7 =	sand.u32 $0x1FFFFFF0, s5;
	s9 =	spop (v2sf)  }
0x28d: {  	[tilespmem:s15], [sflag:$0x4] =	stream.linear.gather [hbm4b:s6+s12], $0x80, $0x38;
	[tilespmem:$0x10600] =	vst v63  }
0x28e: {  	s10 =	sadd.s32 s4, s7;
	s11 =	sand.u32 $0x1FFFFFF0, s9;
	s13 =	spop (v2sf)  }
0x28f: {  	[tilespmem:s8], [sflag:$0x5] =	stream.linear.gather [hbm4b:s10+s12], $0x80, $0x38;
	[tilespmem:$0x10600] =	vst v63  }
0x290: {  	s14 =	sadd.s32 s3, s11;
	s15 =	sand.u32 $0x1FFFFFF0, s13;
	s16 =	spop (v2sf)  }
0x291: {  	[tilespmem:s30], [sflag:$0x6] =	stream.linear.gather [hbm4b:s14+s12], $0x80, $0x38;
	[tilespmem:$0x10600] =	vst v63  }
0x292: {  	s17 =	sadd.s32 s4, s15;
	s18 =	sand.u32 $0x1FFFFFF0, s16;
	s19 =	spop (v2sf)  }
0x293: {  	[tilespmem:s29], [sflag:$0x7] =	stream.linear.gather [hbm4b:s17+s12], $0x80, $0x38;
	[tilespmem:$0x10600] =	vst v63  }
0x294: {  	s20 =	sadd.s32 $0xB80, s22;
	s1 =	sadd.s32 s3, s18;
	s2 =	sand.u32 $0x1FFFFFF0, s19  }
0x295: {  	[tilespmem:s20], [sflag:$0x8] =	stream.linear.gather [hbm4b:s1+s12], $0x80, $0x38;
	[tilespmem:$0x10600] =	vst v63  }
0x296: {  	s21 =	sadd.s32 $0x8B80, s22;
	s23 =	simm.s32 $0x2;
	s22 =	sadd.s32 s4, s2  }
0x297: {  	[tilespmem:s21], [sflag:$0x9] =	stream.linear.gather [hbm4b:s22+s12], $0x80, $0x38;
	[tilespmem:$0x10600] =	vst v63  }
0x298: {  	_ =	swait.ge [sflag:s23], $0x2000  }
0x299: {  	[sflag:s23] =	ssyncset.done $0x0  }
0x29a: {  	s24 =	simm.s32 $0x3;
	[sflag:s23] =	ssyncadd.s32 $0xFFFFE000  }
0x29b: {  	_ =	swait.ge [sflag:s24], $0x2000  }
0x29c: {  	[sflag:s24] =	ssyncset.done $0x0  }
0x29d: {  	s25 =	simm.s32 $0x4;
	[sflag:s24] =	ssyncadd.s32 $0xFFFFE000  }
0x29e: {  	_ =	swait.ge [sflag:s25], $0x2000  }
0x29f: {  	[sflag:s25] =	ssyncset.done $0x0  }
0x2a0: {  	s26 =	simm.s32 $0x5;
	[sflag:s25] =	ssyncadd.s32 $0xFFFFE000  }
0x2a1: {  	_ =	swait.ge [sflag:s26], $0x2000  }
0x2a2: {  	[sflag:s26] =	ssyncset.done $0x0  }
0x2a3: {  	s28 =	simm.s32 $0x6;
	[sflag:s26] =	ssyncadd.s32 $0xFFFFE000  }
0x2a4: {  	_ =	swait.ge [sflag:s28], $0x2000  }
0x2a5: {  	[sflag:s28] =	ssyncset.done $0x0  }
0x2a6: {  	s29 =	simm.s32 $0x7;
	[sflag:s28] =	ssyncadd.s32 $0xFFFFE000  }
0x2a7: {  	_ =	swait.ge [sflag:s29], $0x2000  }
0x2a8: {  	[sflag:s29] =	ssyncset.done $0x0  }
0x2a9: {  	s30 =	simm.s32 $0x8;
	[sflag:s29] =	ssyncadd.s32 $0xFFFFE000  }
0x2aa: {  	_ =	swait.ge [sflag:s30], $0x2000  }
0x2ab: {  	[sflag:s30] =	ssyncset.done $0x0  }
0x2ac: {  	s31 =	simm.s32 $0x9;
	[sflag:s30] =	ssyncadd.s32 $0xFFFFE000  }
0x2ad: {  	_ =	swait.ge [sflag:s31], $0x2000  }
0x2ae: {  	[sflag:s31] =	ssyncset.done $0x0  }
0x2af: {  	s22 =	simm.s32 $0x800;
	[sflag:s31] =	ssyncadd.s32 $0xFFFFE000  }
0x2b0: {  	s21 =	simm.s32 $0x8800;
	v2 =	vld [tilespmem:s22+$0x300]  }
0x2b1: {  	v3 =	vld [tilespmem:s21+$0x300]  }
0x2b2: {  	v5 =	vld [tilespmem:s22+$0x310]  }
0x2b3: {  	v6 =	vld [tilespmem:s21+$0x310]  }
0x2b4: {  	v0 =	vld [tilespmem:s22+$0x280]  }
0x2b5: {  	v7 =	vld [tilespmem:s22+$0x200]  }
0x2b6: {  	v8 =	vld [tilespmem:s21+$0x200]  }
0x2b7: {  	v9 =	vld [tilespmem:s22+$0x210]  }
0x2b8: {  	v10 =	vld [tilespmem:s21+$0x210]  }
0x2b9: {  	v11 =	vld [tilespmem:s22+$0x180]  }
0x2ba: {  	v12 =	vld [tilespmem:s21+$0x180]  }
0x2bb: {  	v13 =	vld [tilespmem:s22+$0x190]  }
0x2bc: {  	v14 =	vld [tilespmem:s21+$0x190]  }
0x2bd: {  	v1 =	vld [tilespmem:s22+$0x100]  }
0x2be: {  	v15 =	vld [tilespmem:s22+$0x80]  }
0x2bf: {  	v16 =	vld [tilespmem:s21+$0x80]  }
0x2c0: {  	v17 =	vld [tilespmem:s22+$0x90]  }
0x2c1: {  	v18 =	vld [tilespmem:s21+$0x90]  }
0x2c2: {  	v19 =	vld [tilespmem:s22+$0x0]  }
0x2c3: {  	v20 =	vld [tilespmem:s21+$0x0]  }
0x2c4: {  	v21 =	vld [tilespmem:s22+$0x10]  }
0x2c5: {  	v22 =	vld [tilespmem:s21+$0x10]  }
0x2c6: {  	v4 =	vld [tilespmem:s22+$0xFFFFFF80]  }
0x2c7: {  	v23 =	vld [tilespmem:s22+$0xFFFFFF00]  }
0x2c8: {  	v24 =	vld [tilespmem:s21+$0xFFFFFF00];
	v2 =	vmul.f32 v3, v2;
	v3 =	vmul.f32 v6, v5  }
0x2c9: {  	v25 =	vld [tilespmem:s22+$0xFFFFFF10]  }
0x2ca: {  	v26 =	vld [tilespmem:s21+$0xFFFFFF10];
	v2 =	vadd.f32 v3, v2  }
0x2cb: {  	v27 =	vld [tilespmem:s22+$0xFFFFFE80];
	v6 =	vmul.f32 v8, v7;
	v8 =	vmul.f32 v10, v9  }
0x2cc: {  	v28 =	vld [tilespmem:s21+$0xFFFFFE80];
	(xrf2) =	vadd.scan.msk.f32 $0xffff, v2  }
0x2cd: {  	v29 =	vld [tilespmem:s22+$0xFFFFFE90];
	v9 =	vmul.f32 v14, v13;
	v3 =	vmul.f32 v12, v11;
	v6 =	vadd.f32 v8, v6  }
0x2ce: {  	v5 =	vld [tilespmem:s21+$0xFFFFFE90];
	v10 =	vmul.f32 v18, v17;
	v8 =	vmul.f32 v16, v15  }
0x2cf: {  	v7 =	vld [tilespmem:s22+$0xFFFFFE00];
	v2 =	vadd.f32 v9, v3;
	(xrf2) =	vadd.scan.msk.f32 $0xffff, v6  }
0x2d0: {  	v13 =	vld [tilespmem:s21+$0xFFFFFD80];
	v6 =	vadd.f32 v10, v8  }
0x2d1: {  	v14 =	vld [tilespmem:s21+$0xFFFFFD90];
	(xrf2) =	vadd.scan.msk.f32 $0xffff, v2  }
0x2d2: {  	v17 =	vld [tilespmem:s22+$0xFFFFFD10];
	v2 =	vmul.f32 v20, v19;
	(xrf2) =	vadd.scan.msk.f32 $0xffff, v6;
	v6 =	vmul.f32 v22, v21  }
0x2d3: {  	v18 =	vld [tilespmem:s21+$0xFFFFFD10]  }
0x2d4: {  	v3 =	vld [tilespmem:s22+$0xFFFFFD90];
	v6 =	vadd.f32 v6, v2  }
0x2d5: {  	v11 =	vld [tilespmem:s22+$0xFFFFFD80];
	v12 =	vmul.f32 v24, v23;
	v19 =	vmul.f32 v26, v25  }
0x2d6: {  	v15 =	vld [tilespmem:s22+$0xFFFFFD00];
	v2, _, _ =	vpop (xrf2);
	(xrf2) =	vadd.scan.msk.f32 $0xffff, v6  }
0x2d7: {  	v16 =	vld [tilespmem:s21+$0xFFFFFD00];
	v19 =	vadd.f32 v19, v12  }
0x2d8: {  	v62 =	vmul.f32 v28, v27;
	v9 =	vld [tilespmem:s22+$0xFFFFFC00];
	v5 =	vmul.f32 v5, v29  }
0x2d9: {  	v8 =	vld [tilespmem:s21+$0xFFFFFC00];
	v14 =	vmul.f32 v14, v3;
	v3, _, _ =	vpop (xrf2);
	(xrf2) =	vadd.scan.msk.f32 $0xffff, v19  }
0x2da: {  	v10 =	vld [tilespmem:s22+$0xFFFFFC10];
	v6 =	vadd.f32 v5, v62  }
0x2db: {  	v63 =	vmul.f32 v13, v11;
	v11 =	vld [tilespmem:s22+$0xFFFFFC80]  }
0x2dc: {  	v12 =	vld [tilespmem:s21+$0xFFFFFC10];
	v5, _, _ =	vpop (xrf2);
	(xrf2) =	vadd.scan.msk.f32 $0xffff, v6  }
0x2dd: {  	v13 =	vld [tilespmem:s21+$0xFFFFFC80];
	v19 =	vadd.f32 v14, v63  }
0x2de: {  	v17 =	vmul.f32 v18, v17;
	v16 =	vmul.f32 v16, v15;
	v15 =	vld [tilespmem:s21+$0xFFFFFC90]  }
0x2df: {  	s23 =	simm.s32 $0x0;
	s24 =	simm.s32 $0x10;
	v14 =	vld [tilespmem:s22+$0xFFFFFC90];
	v6, _, _ =	vpop (xrf2);
	(xrf2) =	vadd.scan.msk.f32 $0xffff, v19  }
.LBB2_8:
0x2e0: {  	p0 =	sne.s32 s24, $0xF0;
	v19 =	vadd.f32 v17, v16;
	v17 =	vld [tilespmem:s21+$0xFFFFFE00];
	v18, _, _ =	vpop (xrf2)  }
0x2e1: {  	v8 =	vmul.f32 v8, v9;
	v9 =	vmul.f32 v12, v10;
	v10 =	vld [tilespmem:s22+$0xFFFFFE10]  }
0x2e2: {  	v12 =	vld [tilespmem:s21+$0xFFFFFE10];
	(xrf2) =	vadd.scan.msk.f32 $0xffff, v19  }
0x2e3: {  	v8 =	vadd.f32 v9, v8;
	v9 =	vld [tilespmem:s21+$0xFFFFFF80];
	v16, _, _ =	vpop (xrf2)  }
0x2e4: {  	v11 =	vmul.f32 v13, v11;
	v19 =	vmul.f32 v15, v14;
	v14 =	vld [tilespmem:s22+$0xFFFFFF90]  }
0x2e5: {  	v15 =	vld [tilespmem:s21+$0xFFFFFF90];
	(xrf2) =	vadd.scan.msk.f32 $0xffff, v8  }
0x2e6: {  	v8 =	vadd.f32 v19, v11;
	v11 =	vld [tilespmem:s21+$0x100];
	v13, _, _ =	vpop (xrf2)  }
0x2e7: {  	v7 =	vmul.f32 v17, v7;
	v19 =	vmul.f32 v12, v10;
	v12 =	vld [tilespmem:s22+$0x110]  }
0x2e8: {  	v17 =	vld [tilespmem:s21+$0x110];
	(xrf2) =	vadd.scan.msk.f32 $0xffff, v8  }
0x2e9: {  	v7 =	vadd.f32 v19, v7;
	v8 =	vld [tilespmem:s21+$0x280];
	v10, _, _ =	vpop (xrf2)  }
0x2ea: {  	v4 =	vmul.f32 v9, v4;
	v19 =	vmul.f32 v15, v14;
	v14 =	vld [tilespmem:s22+$0x290]  }
0x2eb: {  	v15 =	vld [tilespmem:s21+$0x290];
	(xrf2) =	vadd.scan.msk.f32 $0xffff, v7  }
0x2ec: {  	v4 =	vadd.f32 v19, v4;
	v7 =	vld [tilespmem:s22+$0x380];
	v9, _, _ =	vpop (xrf2)  }
0x2ed: {  	v1 =	vmul.f32 v11, v1;
	v19 =	vmul.f32 v17, v12;
	v12 =	vld [tilespmem:s21+$0x380]  }
0x2ee: {  	v17 =	vld [tilespmem:s22+$0x390];
	(xrf2) =	vadd.scan.msk.f32 $0xffff, v4  }
0x2ef: {  	v1 =	vadd.f32 v19, v1;
	v4 =	vld [tilespmem:s21+$0x390];
	v11, _, _ =	vpop (xrf2)  }
0x2f0: {  	v0 =	vmul.f32 v8, v0;
	v8 =	vmul.f32 v15, v14  }
0x2f1: {  	(xrf2) =	vadd.scan.msk.f32 $0xffff, v1  }
0x2f2: {  	v0 =	vadd.f32 v8, v0;
	v1 =	vmul.f32 v12, v7;
	v7, _, _ =	vpop (xrf2)  }
0x2f3: {  	v11 =	vbroadcast v11, $0xF;
	v7 =	vbroadcast v7, $0xF  }
0x2f4: {  	v9 =	vbroadcast v9, $0xF;
	v4 =	vmul.f32 v4, v17;
	(xrf2) =	vadd.scan.msk.f32 $0xffff, v0  }
0x2f5: {  	v0 =	vsel vm0, v11, v7;
	v7 =	vbroadcast v10, $0xF;
	v8, _, _ =	vpop (xrf2)  }
0x2f6: {  	v0 =	vsel vm1, v0, v9;
	v9 =	vbroadcast v8, $0xF;
	v1 =	vadd.f32 v4, v1  }
0x2f7: {  	v4 =	vbroadcast v13, $0xF;
	v0 =	vsel vm2, v0, v7  }
0x2f8: {  	v7 =	vbroadcast v16, $0xF;
	v0 =	vsel vm3, v0, v9;
	v8, _, _ =	vpop (xrf2);
	(xrf2) =	vadd.scan.msk.f32 $0xffff, v1  }
0x2f9: {  	v0 =	vsel vm4, v0, v4;
	v1 =	vbroadcast v8, $0xF  }
0x2fa: {  	v4 =	vbroadcast v18, $0xF;
	v0 =	vsel vm5, v0, v7  }
0x2fb: {  	v0 =	vsel vm6, v0, v1;
	v1 =	vbroadcast v6, $0xF;
	v6, _, _ =	vpop (xrf2)  }
0x2fc: {  	v0 =	vsel vm7, v0, v4;
	v6 =	vbroadcast v6, $0xF  }
0x2fd: {  	v0 =	vsel vm8, v0, v1;
	v1 =	vbroadcast v5, $0xF  }
0x2fe: {  	v3 =	vbroadcast v3, $0xF;
	v0 =	vsel vm9, v0, v6;
	v4, _, _ =	vpop (xrf2)  }
0x2ff: {  	v0 =	vsel vm10, v0, v1;
	v4 =	vbroadcast v4, $0xF  }
0x300: {  	v2 =	vbroadcast v2, $0xF;
	v0 =	vsel vm11, v0, v3  }
0x301: {  	v0 =	vsel vm12, v0, v4  }
0x302: {  	v0 =	vsel vm13, v0, v2;
	v1, _, _ =	vpop (xrf2)  }
0x303: {  	s0 =	sand.u32 $0xF0, s23;
	s23 =	smov.u32 s24;
	v0 =	vsel vm14, v0, v1  }
0x304: {  	s22 =	sadd.s32 $0x800, s22;
	[tilespmem:s0+$0x10500] =	vst v0  }
0x305: {  	s21 =	sadd.s32 $0x800, s21;
	v2 =	vld [tilespmem:s22+$0x300]  }
0x306: {  	v3 =	vld [tilespmem:s21+$0x300]  }
0x307: {  	v5 =	vld [tilespmem:s22+$0x310]  }
0x308: {  	v6 =	vld [tilespmem:s21+$0x310]  }
0x309: {  	v0 =	vld [tilespmem:s22+$0x280]  }
0x30a: {  	v7 =	vld [tilespmem:s22+$0x200]  }
0x30b: {  	v8 =	vld [tilespmem:s21+$0x200]  }
0x30c: {  	v9 =	vld [tilespmem:s22+$0x210]  }
0x30d: {  	v10 =	vld [tilespmem:s21+$0x210]  }
0x30e: {  	v11 =	vld [tilespmem:s22+$0x180]  }
0x30f: {  	v12 =	vld [tilespmem:s21+$0x180]  }
0x310: {  	v13 =	vld [tilespmem:s22+$0x190]  }
0x311: {  	v14 =	vld [tilespmem:s21+$0x190]  }
0x312: {  	v1 =	vld [tilespmem:s22+$0x100]  }
0x313: {  	v15 =	vld [tilespmem:s22+$0x80]  }
0x314: {  	v16 =	vld [tilespmem:s21+$0x80]  }
0x315: {  	v17 =	vld [tilespmem:s22+$0x90]  }
0x316: {  	v18 =	vld [tilespmem:s21+$0x90]  }
0x317: {  	v19 =	vld [tilespmem:s22+$0x0]  }
0x318: {  	v20 =	vld [tilespmem:s21+$0x0]  }
0x319: {  	v21 =	vld [tilespmem:s22+$0x10]  }
0x31a: {  	v22 =	vld [tilespmem:s21+$0x10]  }
0x31b: {  	v2 =	vmul.f32 v3, v2;
	v3 =	vmul.f32 v6, v5;
	v4 =	vld [tilespmem:s22+$0xFFFFFF80]  }
0x31c: {  	v5 =	vld [tilespmem:s22+$0xFFFFFF00]  }
0x31d: {  	v2 =	vadd.f32 v3, v2;
	v6 =	vld [tilespmem:s21+$0xFFFFFF00]  }
0x31e: {  	v7 =	vmul.f32 v8, v7;
	v8 =	vmul.f32 v10, v9;
	v3 =	vld [tilespmem:s22+$0xFFFFFF10]  }
0x31f: {  	v9 =	vld [tilespmem:s21+$0xFFFFFF10];
	(xrf2) =	vadd.scan.msk.f32 $0xffff, v2  }
0x320: {  	v2 =	vadd.f32 v8, v7;
	v10 =	vld [tilespmem:s22+$0xFFFFFE80]  }
0x321: {  	v7 =	vmul.f32 v12, v11;
	v8 =	vmul.f32 v14, v13;
	v23 =	vld [tilespmem:s21+$0xFFFFFE80]  }
0x322: {  	v11 =	vld [tilespmem:s22+$0xFFFFFE90];
	(xrf2) =	vadd.scan.msk.f32 $0xffff, v2  }
0x323: {  	v2 =	vadd.f32 v8, v7;
	v12 =	vld [tilespmem:s21+$0xFFFFFE90]  }
0x324: {  	v13 =	vmul.f32 v18, v17;
	v8 =	vmul.f32 v16, v15;
	v7 =	vld [tilespmem:s22+$0xFFFFFE00]  }
0x325: {  	v14 =	vld [tilespmem:s22+$0xFFFFFD80];
	(xrf2) =	vadd.scan.msk.f32 $0xffff, v2  }
0x326: {  	v24 =	vadd.f32 v13, v8;
	v15 =	vld [tilespmem:s21+$0xFFFFFD80]  }
0x327: {  	v16 =	vmul.f32 v22, v21;
	v8 =	vmul.f32 v20, v19;
	v13 =	vld [tilespmem:s22+$0xFFFFFD90]  }
0x328: {  	v17 =	vld [tilespmem:s21+$0xFFFFFD90];
	(xrf2) =	vadd.scan.msk.f32 $0xffff, v24  }
0x329: {  	v8 =	vadd.f32 v16, v8;
	v18 =	vld [tilespmem:s22+$0xFFFFFD00];
	v2, _, _ =	vpop (xrf2)  }
0x32a: {  	v5 =	vmul.f32 v6, v5;
	v6 =	vmul.f32 v9, v3;
	v16 =	vld [tilespmem:s21+$0xFFFFFD00]  }
0x32b: {  	v19 =	vld [tilespmem:s22+$0xFFFFFD10];
	(xrf2) =	vadd.scan.msk.f32 $0xffff, v8  }
0x32c: {  	v21 =	vadd.f32 v6, v5;
	v20 =	vld [tilespmem:s21+$0xFFFFFD10];
	v3, _, _ =	vpop (xrf2)  }
0x32d: {  	v6 =	vmul.f32 v23, v10;
	v11 =	vmul.f32 v12, v11;
	v8 =	vld [tilespmem:s21+$0xFFFFFC00]  }
0x32e: {  	v9 =	vld [tilespmem:s22+$0xFFFFFC00];
	(xrf2) =	vadd.scan.msk.f32 $0xffff, v21  }
0x32f: {  	v22 =	vadd.f32 v11, v6;
	v10 =	vld [tilespmem:s22+$0xFFFFFC10];
	v5, _, _ =	vpop (xrf2)  }
.Ltmp3:
0x330: {  	v14 =	vmul.f32 v15, v14;
	v15 =	vmul.f32 v17, v13;
	v12 =	vld [tilespmem:s21+$0xFFFFFC10];
	(pc) =	sbr.rel @p0 .LBB2_8-.Ltmp3, $4  }
0x331: {  	v11 =	vld [tilespmem:s22+$0xFFFFFC80];
	(xrf2) =	vadd.scan.msk.f32 $0xffff, v22  }
0x332: {  	v21 =	vadd.f32 v15, v14;
	v13 =	vld [tilespmem:s21+$0xFFFFFC80];
	v6, _, _ =	vpop (xrf2)  }
0x333: {  	v16 =	vmul.f32 v16, v18;
	v17 =	vmul.f32 v20, v19;
	v14 =	vld [tilespmem:s22+$0xFFFFFC90]  }
0x334: {  	s24 =	sadd.s32 $0x10, s24;
	v15 =	vld [tilespmem:s21+$0xFFFFFC90];
	(xrf2) =	vadd.scan.msk.f32 $0xffff, v21  }
0x335: {  	v18 =	vld [tilespmem:s21+$0xFFFFFE00]  }
0x336: {  	v19 =	vld [tilespmem:s22+$0xFFFFFE10]  }
0x337: {  	v20 =	vld [tilespmem:s21+$0xFFFFFE10]  }
0x338: {  	v8 =	vmul.f32 v8, v9;
	v63 =	vmul.f32 v12, v10;
	v21 =	vld [tilespmem:s21+$0xFFFFFF80]  }
0x339: {  	v22 =	vadd.f32 v17, v16;
	v24 =	vld [tilespmem:s22+$0xFFFFFF90];
	v11 =	vmul.f32 v13, v11;
	v23 =	vmul.f32 v15, v14  }
0x33a: {  	v25 =	vld [tilespmem:s21+$0xFFFFFF90];
	v8 =	vadd.f32 v63, v8  }
0x33b: {  	v26 =	vld [tilespmem:s21+$0x100];
	(xrf2) =	vadd.scan.msk.f32 $0xffff, v22;
	v11 =	vadd.f32 v23, v11  }
0x33c: {  	v28 =	vld [tilespmem:s22+$0x110];
	(xrf2) =	vadd.scan.msk.f32 $0xffff, v8;
	v7 =	vmul.f32 v18, v7;
	v27 =	vmul.f32 v20, v19  }
0x33d: {  	v29 =	vld [tilespmem:s21+$0x110];
	(xrf2) =	vadd.scan.msk.f32 $0xffff, v11  }
0x33e: {  	v30 =	vld [tilespmem:s21+$0x280];
	v7 =	vadd.f32 v27, v7  }
0x33f: {  	v31 =	vld [tilespmem:s22+$0x290];
	v4 =	vmul.f32 v21, v4;
	v9 =	vmul.f32 v25, v24  }
0x340: {  	v32 =	vld [tilespmem:s21+$0x290];
	(xrf2) =	vadd.scan.msk.f32 $0xffff, v7  }
0x341: {  	v33, _, _ =	vpop (xrf2);
	v34 =	vld [tilespmem:s22+$0x380];
	v4 =	vadd.f32 v9, v4  }
0x342: {  	v37 =	vld [tilespmem:s21+$0x380];
	v35, _, _ =	vpop (xrf2);
	v1 =	vmul.f32 v26, v1;
	v36 =	vmul.f32 v29, v28  }
0x343: {  	v39 =	vld [tilespmem:s22+$0x390];
	v38, _, _ =	vpop (xrf2);
	(xrf2) =	vadd.scan.msk.f32 $0xffff, v4  }
0x344: {  	v41 =	vld [tilespmem:s21+$0x390];
	v1 =	vadd.f32 v36, v1;
	v40, _, _ =	vpop (xrf2)  }
0x345: {  	v0 =	vmul.f32 v30, v0;
	v43 =	vmul.f32 v32, v31;
	v42, _, _ =	vpop (xrf2)  }
0x346: {  	(xrf2) =	vadd.scan.msk.f32 $0xffff, v1;
	v44, _, _ =	vpop (xrf2)  }
0x347: {  	v45 =	vmul.f32 v37, v34;
	v0 =	vadd.f32 v43, v0;
	v46, _, _ =	vpop (xrf2)  }
0x348: {  	v47 =	vbroadcast v44, $0xF;
	v8 =	vbroadcast v46, $0xF  }
0x349: {  	v49 =	vmul.f32 v41, v39;
	(xrf2) =	vadd.scan.msk.f32 $0xffff, v0;
	v48 =	vbroadcast v42, $0xF  }
0x34a: {  	v4 =	vbroadcast v40, $0xF;
	v51, _, _ =	vpop (xrf2);
	v50 =	vsel vm0, v47, v8  }
0x34b: {  	v1 =	vadd.f32 v49, v45;
	v8 =	vbroadcast v51, $0xF;
	v0 =	vsel vm1, v50, v48  }
0x34c: {  	v52 =	vbroadcast v38, $0xF;
	v0 =	vsel vm2, v0, v4  }
0x34d: {  	v53 =	vbroadcast v35, $0xF;
	v54, _, _ =	vpop (xrf2);
	(xrf2) =	vadd.scan.msk.f32 $0xffff, v1;
	v0 =	vsel vm3, v0, v8  }
0x34e: {  	v55 =	vbroadcast v54, $0xF;
	v0 =	vsel vm4, v0, v52  }
0x34f: {  	v56 =	vbroadcast v33, $0xF;
	v0 =	vsel vm5, v0, v53  }
0x350: {  	v57 =	vbroadcast v6, $0xF;
	v58, _, _ =	vpop (xrf2);
	v0 =	vsel vm6, v0, v55  }
0x351: {  	v59 =	vbroadcast v58, $0xF;
	v0 =	vsel vm7, v0, v56  }
0x352: {  	v60 =	vbroadcast v5, $0xF;
	v0 =	vsel vm8, v0, v57  }
0x353: {  	v3 =	vbroadcast v3, $0xF;
	v61, _, _ =	vpop (xrf2);
	v0 =	vsel vm9, v0, v59  }
0x354: {  	v62 =	vbroadcast v61, $0xF;
	v0 =	vsel vm10, v0, v60  }
0x355: {  	v2 =	vbroadcast v2, $0xF;
	v0 =	vsel vm11, v0, v3  }
0x356: {  	v0 =	vsel vm12, v0, v62  }
0x357: {  	v63, _, _ =	vpop (xrf2);
	v0 =	vsel vm13, v0, v2  }
0x358: {  	s0 =	sand.u32 $0xF0, s23;
	v0 =	vsel vm14, v0, v63  }
0x359: {  	s29 =	rddreg [dreg:$0x19];
	s1 =	simm.s32 $0x10400;
	s30 =	simm.s32 $0xA;
	[tilespmem:s0+$0x10500] =	vst v0  }
0x35a: {  	[hbm4b:s29+s12] =	stream.linear.scatter [tilespmem:s1], [sflag:$0xA], $0x200, $0x38;
	[tilespmem:$0x10600] =	vst v63  }
0x35b: {  	_ =	swait.ge [sflag:s30], $0x200  }
0x35c: {  	s2 =	rddreg [dreg:$0x1b]  }
0x35d: {  	s31 =	rddreg [dreg:$0x1a];
	s2 =	sadd.s32 $0x1, s2  }
0x35e: {  	p0 =	sne.s32 s2, s31  }
.Ltmp4:
0x35f: {  	_ = 	snop;
	(pc) =	sbr.rel @p0 .LBB2_1-.Ltmp4, $3  }
0x360: {  	_ =	sdelay $0x1  }
0x361: {  	[sflag:s30] =	ssyncset.done $0x0  }
0x362: {  	[sflag:s30] =	ssyncadd.s32 $0xFFFFFE00  }
0x363: {  	_ =	sfence.sel $0x180000  }
0x364: {  	[bflag:$0x0] =	sbarrier.arrive $0xFFFF  }
0x365: {  	_ =	strace $0x90000047  }
0x366: {  	s0 =	stileid.u32;
	[bflag:$0x2] =	sbarrier.arrive $0xFFFF  }
0x367: {  	p0 =	sne.s32 s0, $0x0;
	s0 =	rddreg [dreg:$0x4]  }
0x368: {  	s0 =	sadd.s32 @!p0 $0x100000, s0  }
0x369: {  	[sflag:s0] =	ssyncadd.tile.s32 @!p0 $0x1;
	_ =	shalt  }
.Lfunc_end2:
_tile_overlayer_lowered:
.L_overlay_start_2:
0x36a: {  	(tag) =	ssettag $0x2  }
0x36b: {  	s0 =	rddreg [dreg:$0x0];
	s2 =	stileid.u32  }
0x36c: {  	s1 =	rddreg [dreg:$0x1];
	p0 =	sne.s32 s2, $0x0  }
0x36d: {  	s3 =	rddreg [dreg:$0x2];
	[bflag:$0x3] =	sbarrier.arrive $0xFFFF;
	s2 =	simm.s32 @!p0 $0x1C0A  }
0x36e: {  	[timem:s3], [sflag:s2] =	dma.local @!p0 [hbm:s0], s1  }
0x36f: {  	s0 =	simm.s32 @!p0 $0xA  }
0x370: {  	_ =	swait.ge @!p0 [sflag:s0], s1  }
0x371: {  	s1 =	ssub.s32 @!p0 $0x0, s1;
	[sflag:s0] =	ssyncset.done @!p0 $0x0  }
0x372: {  	[sflag:s0] =	ssyncadd.s32 @!p0 s1  }
0x373: {  	[bflag:$0x3] =	sbarrier.arrive $0xFFFF  }
0x374: {  	_ =	shalt  }

</sc_bundles>
